<compile_context>
chip_gen: v7x
topology: tpu7x:2x2x1
jax: 0.10.2.dev20260603
libtpu: 0.0.44.dev20260713+nightly
codegen_flags: <defaults>
</compile_context>

<pallas_src>
import jax
import jax.numpy as jnp
from jax import lax
from jax.experimental import pallas as pl
from jax.experimental.pallas import tpu as pltpu
from jax.experimental.pallas import tpu_sc as plsc

N = 10000
NPAD = 10240
E = 320000
F = 128
NC, NS = 2, 16
NW = NC * NS
EPT = E // NW
CHUNK = 80
NCHUNK = EPT // CHUNK
_GOFF = (0, 24, 48, 64)
_GLEN = (24, 24, 16, 16)
GSPLIT = len(_GOFF)
ROWS_PT = NPAD // NS

_f32 = jnp.float32


_DK = 4
_DG = NCHUNK // _DK
_DTAIL = NCHUNK - _DG * _DK


def _deg_body(dst2d_hbm, out_hbm, ones_v, dall_v, isem, csems, acc_sh):
    cid = lax.axis_index("c")
    sid = lax.axis_index("s")
    wid = sid * NC + cid
    base = sid * ROWS_PT

    pltpu.async_copy(dst2d_hbm.at[wid], dall_v, isem)

    def _zl(i, c):
        ones_v[pl.ds(i * 16, 16)] = jnp.zeros((16,), _f32)
        return c
    lax.fori_loop(0, CHUNK // 16, _zl, 0)
    for j in range(ROWS_PT // CHUNK):
        pltpu.sync_copy(ones_v, acc_sh.at[pl.ds(base + j * CHUNK, CHUNK)])

    def _ol(i, c):
        ones_v[pl.ds(i * 16, 16)] = jnp.ones((16,), _f32)
        return c
    lax.fori_loop(0, CHUNK // 16, _ol, 0)
    pltpu.make_async_copy(dst2d_hbm.at[wid], dall_v, isem).wait()
    plsc.subcore_barrier()

    def fire_scatter(i, b):
        pltpu.async_copy(ones_v, acc_sh.at[dall_v.at[i]], csems[b], add=True)

    def wait_scatter(i, b):
        pltpu.make_async_copy(ones_v, acc_sh.at[dall_v.at[i]],
                              csems[b]).wait()

    def _group(g, c):
        for b in range(_DK):
            @pl.when(g > 0)
            def _(b=b):
                wait_scatter(0, b)
            fire_scatter(g * _DK + b, b)
        return c
    lax.fori_loop(0, _DG, _group, 0)
    for b in range(_DK):
        wait_scatter(0, b)
    for t in range(_DTAIL):
        pltpu.sync_copy(ones_v, acc_sh.at[dall_v.at[_DG * _DK + t]],
                        add=True)
    plsc.subcore_barrier()
    pltpu.sync_copy(acc_sh.at[pl.ds(base, ROWS_PT)],
                    out_hbm.at[cid, pl.ds(base, ROWS_PT)])


import functools


@functools.lru_cache(maxsize=None)
def _sc_calls():
    mesh = plsc.VectorSubcoreMesh(
        core_axis_name="c", subcore_axis_name="s",
        num_cores=NC, num_subcores=NS)
    deg_call = pl.kernel(
        _deg_body,
        out_type=jax.ShapeDtypeStruct((NC, NPAD), _f32),
        mesh=mesh,
        scratch_types=[
            pltpu.VMEM((CHUNK,), _f32),
            pltpu.VMEM((NCHUNK, CHUNK), jnp.int32),
            pltpu.SemaphoreType.DMA,
            [pltpu.SemaphoreType.DMA] * _DK,
            pltpu.VMEM_SHARED((NPAD,), _f32),
        ],
    )
    agg_call = pl.kernel(
        _agg_body,
        out_type=jax.ShapeDtypeStruct((NC, N, F), _f32),
        mesh=mesh,
        compiler_params=pltpu.CompilerParams(use_tc_tiling_on_sc=True),
        scratch_types=[
            pltpu.VMEM((EPT,), jnp.int32),
            pltpu.VMEM((NCHUNK, CHUNK), jnp.int32),
            [pltpu.VMEM((CHUNK, F), _f32)] * 2,
            [pltpu.SemaphoreType.DMA] * 2,
            [pltpu.SemaphoreType.DMA] * (2 * GSPLIT),
            [pltpu.SemaphoreType.DMA] * 2,
            pltpu.VMEM_SHARED((N, F), _f32),
        ],
    )
    return deg_call, agg_call


def _agg_body(src1d_hbm, dst3d_hbm, table_hbm, out_hbm,
              sall_v, dall_v, rbufs, isems, gsems, csems, acc_sh):
    cid = lax.axis_index("c")
    sid = lax.axis_index("s")
    wid = sid * NC + cid
    base = sid * ROWS_PT

    pltpu.async_copy(src1d_hbm.at[pl.ds(wid * EPT, EPT)], sall_v, isems[0])
    pltpu.async_copy(dst3d_hbm.at[wid], dall_v, isems[1])

    def fire_gather(i, b):
        for k in range(GSPLIT):
            pltpu.async_copy(
                table_hbm.at[sall_v.at[pl.ds(i * CHUNK + _GOFF[k], _GLEN[k])]],
                rbufs[b].at[pl.ds(_GOFF[k], _GLEN[k])],
                gsems[b * GSPLIT + k])

    def wait_gather(i, b):
        for k in range(GSPLIT):
            pltpu.make_async_copy(
                table_hbm.at[sall_v.at[pl.ds(i * CHUNK + _GOFF[k], _GLEN[k])]],
                rbufs[b].at[pl.ds(_GOFF[k], _GLEN[k])],
                gsems[b * GSPLIT + k]).wait()

    def fire_scatter(i, b):
        pltpu.async_copy(rbufs[b], acc_sh.at[dall_v.at[i]], csems[b],
                         add=True)

    def wait_scatter(i, b):
        pltpu.make_async_copy(rbufs[b], acc_sh.at[dall_v.at[i]],
                              csems[b]).wait()

    @pl.when(sid < NS - 1)
    def _():
        pltpu.sync_copy(table_hbm.at[pl.ds(base, ROWS_PT)],
                        acc_sh.at[pl.ds(base, ROWS_PT), :])

    @pl.when(sid == NS - 1)
    def _():
        pltpu.sync_copy(table_hbm.at[pl.ds((NS - 1) * ROWS_PT,
                                           N - (NS - 1) * ROWS_PT)],
                        acc_sh.at[pl.ds((NS - 1) * ROWS_PT,
                                        N - (NS - 1) * ROWS_PT), :])
    pltpu.make_async_copy(src1d_hbm.at[pl.ds(wid * EPT, EPT)], sall_v,
                          isems[0]).wait()
    pltpu.make_async_copy(dst3d_hbm.at[wid], dall_v, isems[1]).wait()
    fire_gather(0, 0)
    plsc.subcore_barrier()

    def _pair(j, c):
        i0 = 2 * j
        wait_gather(i0, 0)

        @pl.when(j > 0)
        def _():
            wait_scatter(i0 - 1, 1)
        fire_gather(i0 + 1, 1)
        fire_scatter(i0, 0)
        wait_gather(i0 + 1, 1)
        wait_scatter(i0, 0)
        fire_gather(i0 + 2, 0)
        fire_scatter(i0 + 1, 1)
        return c
    lax.fori_loop(0, (NCHUNK - 1) // 2, _pair, 0)
    wait_gather(NCHUNK - 1, 0)
    wait_scatter(NCHUNK - 2, 1)
    fire_scatter(NCHUNK - 1, 0)
    wait_scatter(NCHUNK - 1, 0)
    plsc.subcore_barrier()

    @pl.when(sid < NS - 1)
    def _():
        pltpu.sync_copy(acc_sh.at[pl.ds(base, ROWS_PT), :],
                        out_hbm.at[cid, pl.ds(base, ROWS_PT), :])

    @pl.when(sid == NS - 1)
    def _():
        pltpu.sync_copy(
            acc_sh.at[pl.ds((NS - 1) * ROWS_PT, N - (NS - 1) * ROWS_PT), :],
            out_hbm.at[cid, pl.ds((NS - 1) * ROWS_PT,
                                  N - (NS - 1) * ROWS_PT), :])


_BLK = 1000
_GRID = N // _BLK


def _mm_body(x_ref, w_ref, h_ref):
    h_ref[...] = jnp.dot(x_ref[...], w_ref[...], preferred_element_type=_f32)


_mm = pl.pallas_call(
    _mm_body,
    grid=(_GRID,),
    in_specs=[
        pl.BlockSpec((_BLK, F), lambda i: (i, 0)),
        pl.BlockSpec((F, F), lambda i: (0, 0)),
    ],
    out_specs=pl.BlockSpec((_BLK, F), lambda i: (i, 0)),
    out_shape=jax.ShapeDtypeStruct((N, F), _f32),
)


def _scale_body(d0_ref, d1_ref, h_ref, h1p_ref, dis_ref):
    deg = 1.0 + d0_ref[0] + d1_ref[0]
    dis = lax.rsqrt(deg)
    h1p_ref[...] = h_ref[...] * dis
    dis_ref[...] = dis


_scale = pl.pallas_call(
    _scale_body,
    grid=(_GRID,),
    in_specs=[
        pl.BlockSpec((1, _BLK, 1), lambda i: (0, i, 0)),
        pl.BlockSpec((1, _BLK, 1), lambda i: (1, i, 0)),
        pl.BlockSpec((_BLK, F), lambda i: (i, 0)),
    ],
    out_specs=[
        pl.BlockSpec((_BLK, F), lambda i: (i, 0)),
        pl.BlockSpec((_BLK, 1), lambda i: (i, 0)),
    ],
    out_shape=[
        jax.ShapeDtypeStruct((N, F), _f32),
        jax.ShapeDtypeStruct((N, 1), _f32),
    ],
)


def _mid_body(p0_ref, p1_ref, h1p_ref, x_ref, dis_ref, w_ref, b_ref, out_ref):
    dis = dis_ref[...]
    conv = dis * (p0_ref[0] + p1_ref[0] - h1p_ref[...]) + b_ref[...]
    h = jnp.maximum(conv, 0.0) + x_ref[...]
    out_ref[...] = dis * jnp.dot(h, w_ref[...], preferred_element_type=_f32)


_mid = pl.pallas_call(
    _mid_body,
    grid=(_GRID,),
    in_specs=[
        pl.BlockSpec((1, _BLK, F), lambda i: (0, i, 0)),
        pl.BlockSpec((1, _BLK, F), lambda i: (1, i, 0)),
        pl.BlockSpec((_BLK, F), lambda i: (i, 0)),
        pl.BlockSpec((_BLK, F), lambda i: (i, 0)),
        pl.BlockSpec((_BLK, 1), lambda i: (i, 0)),
        pl.BlockSpec((F, F), lambda i: (0, 0)),
        pl.BlockSpec((1, F), lambda i: (0, 0)),
    ],
    out_specs=pl.BlockSpec((_BLK, F), lambda i: (i, 0)),
    out_shape=jax.ShapeDtypeStruct((N, F), _f32),
)


def _final_body(q0_ref, q1_ref, h2p_ref, dis_ref, b_ref, out_ref):
    out_ref[...] = (dis_ref[...] * (q0_ref[0] + q1_ref[0] - h2p_ref[...])
                    + b_ref[...])


_final = pl.pallas_call(
    _final_body,
    grid=(_GRID,),
    in_specs=[
        pl.BlockSpec((1, _BLK, F), lambda i: (0, i, 0)),
        pl.BlockSpec((1, _BLK, F), lambda i: (1, i, 0)),
        pl.BlockSpec((_BLK, F), lambda i: (i, 0)),
        pl.BlockSpec((_BLK, 1), lambda i: (i, 0)),
        pl.BlockSpec((1, F), lambda i: (0, 0)),
    ],
    out_specs=pl.BlockSpec((_BLK, F), lambda i: (i, 0)),
    out_shape=jax.ShapeDtypeStruct((N, F), _f32),
)


def kernel(edge_index, x, W1, b1, W2, b2):
    _deg_call, _agg_call = _sc_calls()
    src1d = edge_index[0]
    dst3d = edge_index[1].reshape(NW, NCHUNK, CHUNK)
    h1 = _mm(x, W1)
    degp = _deg_call(dst3d)
    degp3 = degp.reshape(NC, NPAD, 1)
    h1p, dis = _scale(degp3, degp3, h1)
    p = _agg_call(src1d, dst3d, h1p)
    h2p = _mid(p, p, h1p, x, dis, W2, b1.reshape(1, F))
    q = _agg_call(src1d, dst3d, h2p)
    return _final(q, q, h2p, dis, b2.reshape(1, F))

# --- scband reference (transcript-rebuilt; emitter-appended) ---
"""Pipeline reference for scband-dgcn-21569325760841 (READ-ONLY COPY).

The authoritative reference and input builder live on the scoring server;
editing this copy changes nothing except your own understanding.
"""

import jax, jax.numpy as jnp
import numpy as np

N_NODES = 10000
N_EDGES = 320000
F_IN = 128
F_HID = 128
F_OUT = 128


def _gcn_conv(x, edge_index, W, b, n_nodes):
    # PyG GCNConv: linear transform, add self-loops, symmetric normalization, scatter-add aggregation, bias
    h = x @ W
    src = edge_index[0]
    dst = edge_index[1]
    loop = jnp.arange(n_nodes, dtype=src.dtype)
    src = jnp.concatenate([src, loop])
    dst = jnp.concatenate([dst, loop])
    ones = jnp.ones(src.shape[0], dtype=h.dtype)
    deg = jnp.zeros((n_nodes,), dtype=h.dtype).at[dst].add(ones)
    deg_inv_sqrt = jnp.where(deg > 0, jax.lax.rsqrt(jnp.maximum(deg, 1e-12)), 0.0)
    norm = deg_inv_sqrt[src] * deg_inv_sqrt[dst]
    msg = h[src] * norm[:, None]
    out = jnp.zeros((n_nodes, h.shape[1]), dtype=h.dtype).at[dst].add(msg)
    return out + b


def setup_inputs(seed: int = 0) -> dict:
    key = jax.random.key(seed)
    ks = jax.random.split(key, 6)
    edge_index = jax.random.randint(ks[0], (2, N_EDGES), 0, N_NODES, dtype=jnp.int32)
    x = jax.random.normal(ks[1], (N_NODES, F_IN), dtype=jnp.float32)
    W1 = jax.random.normal(ks[2], (F_IN, F_HID), dtype=jnp.float32) * (1.0 / np.sqrt(F_IN))
    b1 = jnp.zeros((F_HID,), dtype=jnp.float32)
    W2 = jax.random.normal(ks[3], (F_HID, F_OUT), dtype=jnp.float32) * (1.0 / np.sqrt(F_HID))
    b2 = jnp.zeros((F_OUT,), dtype=jnp.float32)
    return {"edge_index": edge_index, "x": x, "W1": W1, "b1": b1, "W2": W2, "b2": b2}


def reference(edge_index, x, W1, b1, W2, b2):
    # skip_connection == 'add': x_proj = x (projection layer unused)
    h = _gcn_conv(x, edge_index, W1, b1, N_NODES)
    h = jax.nn.relu(h)
    # dropout is identity in eval mode (train=False)
    h = h + x
    out = _gcn_conv(h, edge_index, W2, b2, N_NODES)
    return out

if __name__ == "__main__":
    import jax
    _d = setup_inputs()
    print(jax.jit(kernel)(*tuple(_d.values())))

</pallas_src>

<mosaic_0001>
#map = affine_map<(d0, d1) -> (0)>
#map1 = affine_map<(d0, d1) -> (0, 0, 0)>
#map2 = affine_map<(d0, d1) -> (0, 0)>
module attributes {stable_mosaic.version = 14 : i64} {
  func.func @_agg_body(%arg0: i32, %arg1: i32, %arg2: memref<320000xi32, #tpu.memory_space<hbm>>, %arg3: memref<32x125x80xi32, #tpu.memory_space<hbm>>, %arg4: memref<10000x128xf32, #tpu.memory_space<hbm>>, %arg5: memref<2x10000x128xf32, #tpu.memory_space<hbm>>, %arg6: memref<10000xi32, #tpu.memory_space<vmem>>, %arg7: memref<125x80xi32, #tpu.memory_space<vmem>>, %arg8: memref<80x128xf32, #tpu.memory_space<vmem>>, %arg9: memref<80x128xf32, #tpu.memory_space<vmem>>, %arg10: memref<!tpu.dma_semaphore, #tpu.memory_space<semaphore_mem>>, %arg11: memref<!tpu.dma_semaphore, #tpu.memory_space<semaphore_mem>>, %arg12: memref<!tpu.dma_semaphore, #tpu.memory_space<semaphore_mem>>, %arg13: memref<!tpu.dma_semaphore, #tpu.memory_space<semaphore_mem>>, %arg14: memref<!tpu.dma_semaphore, #tpu.memory_space<semaphore_mem>>, %arg15: memref<!tpu.dma_semaphore, #tpu.memory_space<semaphore_mem>>, %arg16: memref<!tpu.dma_semaphore, #tpu.memory_space<semaphore_mem>>, %arg17: memref<!tpu.dma_semaphore, #tpu.memory_space<semaphore_mem>>, %arg18: memref<!tpu.dma_semaphore, #tpu.memory_space<semaphore_mem>>, %arg19: memref<!tpu.dma_semaphore, #tpu.memory_space<semaphore_mem>>, %arg20: memref<!tpu.dma_semaphore, #tpu.memory_space<semaphore_mem>>, %arg21: memref<!tpu.dma_semaphore, #tpu.memory_space<semaphore_mem>>, %arg22: memref<10000x128xf32, #tpu.memory_space<vmem_shared>>) attributes {dimension_semantics = [#tpu.dimension_semantics<core_parallel>, #tpu.dimension_semantics<subcore_parallel>], iteration_bounds = array<i64: 2, 16>, scalar_prefetch = 0 : i64, scratch_operands = 17 : i64, tpu.core_type = #tpu.core_type<sc_vector_subcore>, window_params = [{transform_indices = #map}, {transform_indices = #map1}, {transform_indices = #map2}, {transform_indices = #map1}]} {
    %mul3A = arith.constant 2 : i32
    %mul3A_0 = arith.muli %arg1, %mul3A : i32
    %add3A = arith.addi %mul3A_0, %arg0 : i32
    %mul3A_1 = arith.constant 640 : i32
    %mul3A_2 = arith.muli %arg1, %mul3A_1 : i32
    %mul3A_3 = arith.constant 10000 : i32
    %mul3A_4 = arith.muli %add3A, %mul3A_3 : i32
    %dma_start3A = tpu.memref_slice %arg2[%mul3A_4] : memref<320000xi32, #tpu.memory_space<hbm>> -> memref<10000xi32, #tpu.memory_space<hbm>>
    %dma_start3A_5 = tpu.memref_slice %arg2[%mul3A_4] : memref<320000xi32, #tpu.memory_space<hbm>> -> memref<10000xi32, #tpu.memory_space<hbm>>
    tpu.enqueue_dma source(%dma_start3A_5 : memref<10000xi32, #tpu.memory_space<hbm>>) target(%arg6 : memref<10000xi32, #tpu.memory_space<vmem>>) target_semaphore(%arg10 : memref<!tpu.dma_semaphore, #tpu.memory_space<semaphore_mem>>)
    %dma_start3A_6 = arith.constant 0 : i32
    %dma_start3A_7 = arith.constant 0 : i32
    %dma_start3A_8 = tpu.memref_slice %arg3[%add3A, %dma_start3A_6, %dma_start3A_7] : memref<32x125x80xi32, #tpu.memory_space<hbm>> -> memref<1x125x80xi32, #tpu.memory_space<hbm>>
    %dma_start3A_9 = tpu.memref_squeeze %dma_start3A_8 : memref<1x125x80xi32, #tpu.memory_space<hbm>> -> memref<125x80xi32, #tpu.memory_space<hbm>>
    %dma_start3A_10 = arith.constant 0 : i32
    %dma_start3A_11 = arith.constant 0 : i32
    %dma_start3A_12 = tpu.memref_slice %arg3[%add3A, %dma_start3A_10, %dma_start3A_11] : memref<32x125x80xi32, #tpu.memory_space<hbm>> -> memref<1x125x80xi32, #tpu.memory_space<hbm>>
    %dma_start3A_13 = tpu.memref_squeeze %dma_start3A_12 : memref<1x125x80xi32, #tpu.memory_space<hbm>> -> memref<125x80xi32, #tpu.memory_space<hbm>>
    tpu.enqueue_dma source(%dma_start3A_13 : memref<125x80xi32, #tpu.memory_space<hbm>>) target(%arg7 : memref<125x80xi32, #tpu.memory_space<vmem>>) target_semaphore(%arg11 : memref<!tpu.dma_semaphore, #tpu.memory_space<semaphore_mem>>)
    %lt3A = arith.constant 15 : i32
    %lt3A_14 = arith.cmpi slt, %arg1, %lt3A : i32
    %convert_element_type3A = arith.extui %lt3A_14 : i1 to i32
    %cond3A = arith.constant 0 : i32
    %cond3A_15 = arith.cmpi ne, %convert_element_type3A, %cond3A : i32
    scf.if %cond3A_15 {
      "tpu.region"() ({
        %run_scoped3A = tpu.sem_alloc : memref<!tpu.dma_semaphore, #tpu.memory_space<semaphore_mem>>
        %dma_start3A_132 = arith.constant 0 : i32
        %dma_start3A_133 = tpu.memref_slice %arg22[%mul3A_2, %dma_start3A_132] : memref<10000x128xf32, #tpu.memory_space<vmem_shared>> -> memref<640x128xf32, #tpu.memory_space<vmem_shared>>
        %dma_start3A_134 = arith.constant 0 : i32
        %dma_start3A_135 = tpu.memref_slice %arg4[%mul3A_2, %dma_start3A_134] : memref<10000x128xf32, #tpu.memory_space<hbm>> -> memref<640x128xf32, #tpu.memory_space<hbm>>
        tpu.enqueue_dma source(%dma_start3A_135 : memref<640x128xf32, #tpu.memory_space<hbm>>) target(%dma_start3A_133 : memref<640x128xf32, #tpu.memory_space<vmem_shared>>) target_semaphore(%run_scoped3A : memref<!tpu.dma_semaphore, #tpu.memory_space<semaphore_mem>>)
        %dma_wait3A_136 = arith.constant 0 : i32
        %dma_wait3A_137 = tpu.memref_slice %arg22[%mul3A_2, %dma_wait3A_136] : memref<10000x128xf32, #tpu.memory_space<vmem_shared>> -> memref<640x128xf32, #tpu.memory_space<vmem_shared>>
        %dma_wait3A_138 = arith.constant 0 : i32
        %dma_wait3A_139 = tpu.memref_slice %arg4[%mul3A_2, %dma_wait3A_138] : memref<10000x128xf32, #tpu.memory_space<hbm>> -> memref<640x128xf32, #tpu.memory_space<hbm>>
        tpu.wait_dma2 semaphore(%run_scoped3A : memref<!tpu.dma_semaphore, #tpu.memory_space<semaphore_mem>>) src(%dma_wait3A_139 : memref<640x128xf32, #tpu.memory_space<hbm>>) dst(%dma_wait3A_137 : memref<640x128xf32, #tpu.memory_space<vmem_shared>>)
        tpu.yield
      }) : () -> ()
    } else {
    }
    %eq3A = arith.constant 15 : i32
    %eq3A_16 = arith.cmpi eq, %arg1, %eq3A : i32
    %convert_element_type3A_17 = arith.extui %eq3A_16 : i1 to i32
    %cond3A_18 = arith.constant 0 : i32
    %cond3A_19 = arith.cmpi ne, %convert_element_type3A_17, %cond3A_18 : i32
    scf.if %cond3A_19 {
      "tpu.region"() ({
        %run_scoped3A = tpu.sem_alloc : memref<!tpu.dma_semaphore, #tpu.memory_space<semaphore_mem>>
        %dma_start3A_132 = arith.constant 9600 : i32
        %dma_start3A_133 = arith.constant 0 : i32
        %dma_start3A_134 = tpu.memref_slice %arg22[%dma_start3A_132, %dma_start3A_133] : memref<10000x128xf32, #tpu.memory_space<vmem_shared>> -> memref<400x128xf32, #tpu.memory_space<vmem_shared>>
        %dma_start3A_135 = arith.constant 9600 : i32
        %dma_start3A_136 = arith.constant 0 : i32
        %dma_start3A_137 = tpu.memref_slice %arg4[%dma_start3A_135, %dma_start3A_136] : memref<10000x128xf32, #tpu.memory_space<hbm>> -> memref<400x128xf32, #tpu.memory_space<hbm>>
        tpu.enqueue_dma source(%dma_start3A_137 : memref<400x128xf32, #tpu.memory_space<hbm>>) target(%dma_start3A_134 : memref<400x128xf32, #tpu.memory_space<vmem_shared>>) target_semaphore(%run_scoped3A : memref<!tpu.dma_semaphore, #tpu.memory_space<semaphore_mem>>)
        %dma_wait3A_138 = arith.constant 9600 : i32
        %dma_wait3A_139 = arith.constant 0 : i32
        %dma_wait3A_140 = tpu.memref_slice %arg22[%dma_wait3A_138, %dma_wait3A_139] : memref<10000x128xf32, #tpu.memory_space<vmem_shared>> -> memref<400x128xf32, #tpu.memory_space<vmem_shared>>
        %dma_wait3A_141 = arith.constant 9600 : i32
        %dma_wait3A_142 = arith.constant 0 : i32
        %dma_wait3A_143 = tpu.memref_slice %arg4[%dma_wait3A_141, %dma_wait3A_142] : memref<10000x128xf32, #tpu.memory_space<hbm>> -> memref<400x128xf32, #tpu.memory_space<hbm>>
        tpu.wait_dma2 semaphore(%run_scoped3A : memref<!tpu.dma_semaphore, #tpu.memory_space<semaphore_mem>>) src(%dma_wait3A_143 : memref<400x128xf32, #tpu.memory_space<hbm>>) dst(%dma_wait3A_140 : memref<400x128xf32, #tpu.memory_space<vmem_shared>>)
        tpu.yield
      }) : () -> ()
    } else {
    }
    %mul3A_20 = arith.constant 10000 : i32
    %mul3A_21 = arith.muli %add3A, %mul3A_20 : i32
    %dma_wait3A = tpu.memref_slice %arg2[%mul3A_21] : memref<320000xi32, #tpu.memory_space<hbm>> -> memref<10000xi32, #tpu.memory_space<hbm>>
    %dma_wait3A_22 = tpu.memref_slice %arg2[%mul3A_21] : memref<320000xi32, #tpu.memory_space<hbm>> -> memref<10000xi32, #tpu.memory_space<hbm>>
    tpu.wait_dma2 semaphore(%arg10 : memref<!tpu.dma_semaphore, #tpu.memory_space<semaphore_mem>>) src(%dma_wait3A_22 : memref<10000xi32, #tpu.memory_space<hbm>>) dst(%arg6 : memref<10000xi32, #tpu.memory_space<vmem>>)
    %dma_wait3A_23 = arith.constant 0 : i32
    %dma_wait3A_24 = arith.constant 0 : i32
    %dma_wait3A_25 = tpu.memref_slice %arg3[%add3A, %dma_wait3A_23, %dma_wait3A_24] : memref<32x125x80xi32, #tpu.memory_space<hbm>> -> memref<1x125x80xi32, #tpu.memory_space<hbm>>
    %dma_wait3A_26 = tpu.memref_squeeze %dma_wait3A_25 : memref<1x125x80xi32, #tpu.memory_space<hbm>> -> memref<125x80xi32, #tpu.memory_space<hbm>>
    %dma_wait3A_27 = arith.constant 0 : i32
    %dma_wait3A_28 = arith.constant 0 : i32
    %dma_wait3A_29 = tpu.memref_slice %arg3[%add3A, %dma_wait3A_27, %dma_wait3A_28] : memref<32x125x80xi32, #tpu.memory_space<hbm>> -> memref<1x125x80xi32, #tpu.memory_space<hbm>>
    %dma_wait3A_30 = tpu.memref_squeeze %dma_wait3A_29 : memref<1x125x80xi32, #tpu.memory_space<hbm>> -> memref<125x80xi32, #tpu.memory_space<hbm>>
    tpu.wait_dma2 semaphore(%arg11 : memref<!tpu.dma_semaphore, #tpu.memory_space<semaphore_mem>>) src(%dma_wait3A_30 : memref<125x80xi32, #tpu.memory_space<hbm>>) dst(%arg7 : memref<125x80xi32, #tpu.memory_space<vmem>>)
    %dma_start3A_31 = arith.constant 0 : i32
    %dma_start3A_32 = arith.constant 0 : i32
    %dma_start3A_33 = tpu.memref_slice %arg8[%dma_start3A_31, %dma_start3A_32] : memref<80x128xf32, #tpu.memory_space<vmem>> -> memref<24x128xf32, #tpu.memory_space<vmem>>
    %dma_start3A_34 = arith.constant 0 : i32
    %dma_start3A_35 = tpu.memref_slice %arg6[%dma_start3A_34] : memref<10000xi32, #tpu.memory_space<vmem>> -> memref<24xi32, #tpu.memory_space<vmem>>
    %dma_start3A_36 = arith.constant 0 : i32
    %dma_start3A_37 = arith.constant 0 : i32
    %dma_start3A_38 = tpu.memref_slice %arg4[%dma_start3A_36, %dma_start3A_37] : memref<10000x128xf32, #tpu.memory_space<hbm>> -> memref<10000x128xf32, #tpu.memory_space<hbm>>
    tpu.enqueue_indirect_dma source(%dma_start3A_38 : memref<10000x128xf32, #tpu.memory_space<hbm>>) target(%dma_start3A_33 : memref<24x128xf32, #tpu.memory_space<vmem>>) offsets(%dma_start3A_35 : memref<24xi32, #tpu.memory_space<vmem>>) semaphore(%arg12 : memref<!tpu.dma_semaphore, #tpu.memory_space<semaphore_mem>>)
    %dma_start3A_39 = arith.constant 24 : i32
    %dma_start3A_40 = arith.constant 0 : i32
    %dma_start3A_41 = tpu.memref_slice %arg8[%dma_start3A_39, %dma_start3A_40] : memref<80x128xf32, #tpu.memory_space<vmem>> -> memref<24x128xf32, #tpu.memory_space<vmem>>
    %dma_start3A_42 = arith.constant 24 : i32
    %dma_start3A_43 = tpu.memref_slice %arg6[%dma_start3A_42] : memref<10000xi32, #tpu.memory_space<vmem>> -> memref<24xi32, #tpu.memory_space<vmem>>
    %dma_start3A_44 = arith.constant 0 : i32
    %dma_start3A_45 = arith.constant 0 : i32
    %dma_start3A_46 = tpu.memref_slice %arg4[%dma_start3A_44, %dma_start3A_45] : memref<10000x128xf32, #tpu.memory_space<hbm>> -> memref<10000x128xf32, #tpu.memory_space<hbm>>
    tpu.enqueue_indirect_dma source(%dma_start3A_46 : memref<10000x128xf32, #tpu.memory_space<hbm>>) target(%dma_start3A_41 : memref<24x128xf32, #tpu.memory_space<vmem>>) offsets(%dma_start3A_43 : memref<24xi32, #tpu.memory_space<vmem>>) semaphore(%arg13 : memref<!tpu.dma_semaphore, #tpu.memory_space<semaphore_mem>>)
    %dma_start3A_47 = arith.constant 48 : i32
    %dma_start3A_48 = arith.constant 0 : i32
    %dma_start3A_49 = tpu.memref_slice %arg8[%dma_start3A_47, %dma_start3A_48] : memref<80x128xf32, #tpu.memory_space<vmem>> -> memref<16x128xf32, #tpu.memory_space<vmem>>
    %dma_start3A_50 = arith.constant 48 : i32
    %dma_start3A_51 = tpu.memref_slice %arg6[%dma_start3A_50] : memref<10000xi32, #tpu.memory_space<vmem>> -> memref<16xi32, #tpu.memory_space<vmem>>
    %dma_start3A_52 = arith.constant 0 : i32
    %dma_start3A_53 = arith.constant 0 : i32
    %dma_start3A_54 = tpu.memref_slice %arg4[%dma_start3A_52, %dma_start3A_53] : memref<10000x128xf32, #tpu.memory_space<hbm>> -> memref<10000x128xf32, #tpu.memory_space<hbm>>
    tpu.enqueue_indirect_dma source(%dma_start3A_54 : memref<10000x128xf32, #tpu.memory_space<hbm>>) target(%dma_start3A_49 : memref<16x128xf32, #tpu.memory_space<vmem>>) offsets(%dma_start3A_51 : memref<16xi32, #tpu.memory_space<vmem>>) semaphore(%arg14 : memref<!tpu.dma_semaphore, #tpu.memory_space<semaphore_mem>>)
    %dma_start3A_55 = arith.constant 64 : i32
    %dma_start3A_56 = arith.constant 0 : i32
    %dma_start3A_57 = tpu.memref_slice %arg8[%dma_start3A_55, %dma_start3A_56] : memref<80x128xf32, #tpu.memory_space<vmem>> -> memref<16x128xf32, #tpu.memory_space<vmem>>
    %dma_start3A_58 = arith.constant 64 : i32
    %dma_start3A_59 = tpu.memref_slice %arg6[%dma_start3A_58] : memref<10000xi32, #tpu.memory_space<vmem>> -> memref<16xi32, #tpu.memory_space<vmem>>
    %dma_start3A_60 = arith.constant 0 : i32
    %dma_start3A_61 = arith.constant 0 : i32
    %dma_start3A_62 = tpu.memref_slice %arg4[%dma_start3A_60, %dma_start3A_61] : memref<10000x128xf32, #tpu.memory_space<hbm>> -> memref<10000x128xf32, #tpu.memory_space<hbm>>
    tpu.enqueue_indirect_dma source(%dma_start3A_62 : memref<10000x128xf32, #tpu.memory_space<hbm>>) target(%dma_start3A_57 : memref<16x128xf32, #tpu.memory_space<vmem>>) offsets(%dma_start3A_59 : memref<16xi32, #tpu.memory_space<vmem>>) semaphore(%arg15 : memref<!tpu.dma_semaphore, #tpu.memory_space<semaphore_mem>>)
    %barrier3A = arith.constant 0 : index
    tpu.barrier barrier_id(%barrier3A)
    %scan3A = arith.constant 0 : i32
    %scan3A_63 = arith.constant 0 : i32
    %scan3A_64 = arith.constant 62 : i32
    %scan3A_65 = arith.addi %scan3A_63, %scan3A_64 : i32
    %scan3A_66 = arith.constant 1 : i32
    scf.for %scan3A_132 = %scan3A_63 to %scan3A_65 step %scan3A_66  : i32 {
      %mul3A_133 = arith.constant 2 : i32
      %mul3A_134 = arith.muli %mul3A_133, %scan3A_132 : i32
      %mul3A_135 = arith.constant 80 : i32
      %mul3A_136 = arith.muli %mul3A_134, %mul3A_135 : i32
      %add3A_137 = arith.constant 0 : i32
      %add3A_138 = arith.addi %mul3A_136, %add3A_137 : i32
      %dma_wait3A_139 = arith.constant 0 : i32
      %dma_wait3A_140 = arith.constant 0 : i32
      %dma_wait3A_141 = tpu.memref_slice %arg8[%dma_wait3A_139, %dma_wait3A_140] : memref<80x128xf32, #tpu.memory_space<vmem>> -> memref<24x128xf32, #tpu.memory_space<vmem>>
      %dma_wait3A_142 = tpu.memref_slice %arg6[%add3A_138] : memref<10000xi32, #tpu.memory_space<vmem>> -> memref<24xi32, #tpu.memory_space<vmem>>
      %dma_wait3A_143 = arith.constant 0 : i32
      %dma_wait3A_144 = arith.constant 0 : i32
      %dma_wait3A_145 = tpu.memref_slice %arg4[%dma_wait3A_143, %dma_wait3A_144] : memref<10000x128xf32, #tpu.memory_space<hbm>> -> memref<10000x128xf32, #tpu.memory_space<hbm>>
      tpu.wait_indirect_dma semaphore(%arg12 : memref<!tpu.dma_semaphore, #tpu.memory_space<semaphore_mem>>) src(%dma_wait3A_145 : memref<10000x128xf32, #tpu.memory_space<hbm>>) dst(%dma_wait3A_141 : memref<24x128xf32, #tpu.memory_space<vmem>>)
      %mul3A_146 = arith.constant 80 : i32
      %mul3A_147 = arith.muli %mul3A_134, %mul3A_146 : i32
      %add3A_148 = arith.constant 24 : i32
      %add3A_149 = arith.addi %mul3A_147, %add3A_148 : i32
      %dma_wait3A_150 = arith.constant 24 : i32
      %dma_wait3A_151 = arith.constant 0 : i32
      %dma_wait3A_152 = tpu.memref_slice %arg8[%dma_wait3A_150, %dma_wait3A_151] : memref<80x128xf32, #tpu.memory_space<vmem>> -> memref<24x128xf32, #tpu.memory_space<vmem>>
      %dma_wait3A_153 = tpu.memref_slice %arg6[%add3A_149] : memref<10000xi32, #tpu.memory_space<vmem>> -> memref<24xi32, #tpu.memory_space<vmem>>
      %dma_wait3A_154 = arith.constant 0 : i32
      %dma_wait3A_155 = arith.constant 0 : i32
      %dma_wait3A_156 = tpu.memref_slice %arg4[%dma_wait3A_154, %dma_wait3A_155] : memref<10000x128xf32, #tpu.memory_space<hbm>> -> memref<10000x128xf32, #tpu.memory_space<hbm>>
      tpu.wait_indirect_dma semaphore(%arg13 : memref<!tpu.dma_semaphore, #tpu.memory_space<semaphore_mem>>) src(%dma_wait3A_156 : memref<10000x128xf32, #tpu.memory_space<hbm>>) dst(%dma_wait3A_152 : memref<24x128xf32, #tpu.memory_space<vmem>>)
      %mul3A_157 = arith.constant 80 : i32
      %mul3A_158 = arith.muli %mul3A_134, %mul3A_157 : i32
      %add3A_159 = arith.constant 48 : i32
      %add3A_160 = arith.addi %mul3A_158, %add3A_159 : i32
      %dma_wait3A_161 = arith.constant 48 : i32
      %dma_wait3A_162 = arith.constant 0 : i32
      %dma_wait3A_163 = tpu.memref_slice %arg8[%dma_wait3A_161, %dma_wait3A_162] : memref<80x128xf32, #tpu.memory_space<vmem>> -> memref<16x128xf32, #tpu.memory_space<vmem>>
      %dma_wait3A_164 = tpu.memref_slice %arg6[%add3A_160] : memref<10000xi32, #tpu.memory_space<vmem>> -> memref<16xi32, #tpu.memory_space<vmem>>
      %dma_wait3A_165 = arith.constant 0 : i32
      %dma_wait3A_166 = arith.constant 0 : i32
      %dma_wait3A_167 = tpu.memref_slice %arg4[%dma_wait3A_165, %dma_wait3A_166] : memref<10000x128xf32, #tpu.memory_space<hbm>> -> memref<10000x128xf32, #tpu.memory_space<hbm>>
      tpu.wait_indirect_dma semaphore(%arg14 : memref<!tpu.dma_semaphore, #tpu.memory_space<semaphore_mem>>) src(%dma_wait3A_167 : memref<10000x128xf32, #tpu.memory_space<hbm>>) dst(%dma_wait3A_163 : memref<16x128xf32, #tpu.memory_space<vmem>>)
      %mul3A_168 = arith.constant 80 : i32
      %mul3A_169 = arith.muli %mul3A_134, %mul3A_168 : i32
      %add3A_170 = arith.constant 64 : i32
      %add3A_171 = arith.addi %mul3A_169, %add3A_170 : i32
      %dma_wait3A_172 = arith.constant 64 : i32
      %dma_wait3A_173 = arith.constant 0 : i32
      %dma_wait3A_174 = tpu.memref_slice %arg8[%dma_wait3A_172, %dma_wait3A_173] : memref<80x128xf32, #tpu.memory_space<vmem>> -> memref<16x128xf32, #tpu.memory_space<vmem>>
      %dma_wait3A_175 = tpu.memref_slice %arg6[%add3A_171] : memref<10000xi32, #tpu.memory_space<vmem>> -> memref<16xi32, #tpu.memory_space<vmem>>
      %dma_wait3A_176 = arith.constant 0 : i32
      %dma_wait3A_177 = arith.constant 0 : i32
      %dma_wait3A_178 = tpu.memref_slice %arg4[%dma_wait3A_176, %dma_wait3A_177] : memref<10000x128xf32, #tpu.memory_space<hbm>> -> memref<10000x128xf32, #tpu.memory_space<hbm>>
      tpu.wait_indirect_dma semaphore(%arg15 : memref<!tpu.dma_semaphore, #tpu.memory_space<semaphore_mem>>) src(%dma_wait3A_178 : memref<10000x128xf32, #tpu.memory_space<hbm>>) dst(%dma_wait3A_174 : memref<16x128xf32, #tpu.memory_space<vmem>>)
      %gt3A = arith.constant 0 : i32
      %gt3A_179 = arith.cmpi sgt, %scan3A_132, %gt3A : i32
      %convert_element_type3A_180 = arith.extui %gt3A_179 : i1 to i32
      %cond3A_181 = arith.constant 0 : i32
      %cond3A_182 = arith.cmpi ne, %convert_element_type3A_180, %cond3A_181 : i32
      scf.if %cond3A_182 {
        %sub3A = arith.constant 1 : i32
        %sub3A_341 = arith.subi %mul3A_134, %sub3A : i32
        %dma_wait3A_342 = arith.constant 0 : i32
        %dma_wait3A_343 = tpu.memref_slice %arg7[%sub3A_341, %dma_wait3A_342] : memref<125x80xi32, #tpu.memory_space<vmem>> -> memref<1x80xi32, #tpu.memory_space<vmem>>
        %dma_wait3A_344 = tpu.memref_squeeze %dma_wait3A_343 : memref<1x80xi32, #tpu.memory_space<vmem>> -> memref<80xi32, #tpu.memory_space<vmem>>
        %dma_wait3A_345 = arith.constant 0 : i32
        %dma_wait3A_346 = arith.constant 0 : i32
        %dma_wait3A_347 = tpu.memref_slice %arg22[%dma_wait3A_345, %dma_wait3A_346] : memref<10000x128xf32, #tpu.memory_space<vmem_shared>> -> memref<10000x128xf32, #tpu.memory_space<vmem_shared>>
        tpu.wait_indirect_dma semaphore(%arg21 : memref<!tpu.dma_semaphore, #tpu.memory_space<semaphore_mem>>) src(%arg9 : memref<80x128xf32, #tpu.memory_space<vmem>>) dst(%dma_wait3A_347 : memref<10000x128xf32, #tpu.memory_space<vmem_shared>>)
      } else {
      }
      %add3A_183 = arith.constant 1 : i32
      %add3A_184 = arith.addi %mul3A_134, %add3A_183 : i32
      %mul3A_185 = arith.constant 80 : i32
      %mul3A_186 = arith.muli %add3A_184, %mul3A_185 : i32
      %add3A_187 = arith.constant 0 : i32
      %add3A_188 = arith.addi %mul3A_186, %add3A_187 : i32
      %dma_start3A_189 = arith.constant 0 : i32
      %dma_start3A_190 = arith.constant 0 : i32
      %dma_start3A_191 = tpu.memref_slice %arg9[%dma_start3A_189, %dma_start3A_190] : memref<80x128xf32, #tpu.memory_space<vmem>> -> memref<24x128xf32, #tpu.memory_space<vmem>>
      %dma_start3A_192 = tpu.memref_slice %arg6[%add3A_188] : memref<10000xi32, #tpu.memory_space<vmem>> -> memref<24xi32, #tpu.memory_space<vmem>>
      %dma_start3A_193 = arith.constant 0 : i32
      %dma_start3A_194 = arith.constant 0 : i32
      %dma_start3A_195 = tpu.memref_slice %arg4[%dma_start3A_193, %dma_start3A_194] : memref<10000x128xf32, #tpu.memory_space<hbm>> -> memref<10000x128xf32, #tpu.memory_space<hbm>>
      tpu.enqueue_indirect_dma source(%dma_start3A_195 : memref<10000x128xf32, #tpu.memory_space<hbm>>) target(%dma_start3A_191 : memref<24x128xf32, #tpu.memory_space<vmem>>) offsets(%dma_start3A_192 : memref<24xi32, #tpu.memory_space<vmem>>) semaphore(%arg16 : memref<!tpu.dma_semaphore, #tpu.memory_space<semaphore_mem>>)
      %mul3A_196 = arith.constant 80 : i32
      %mul3A_197 = arith.muli %add3A_184, %mul3A_196 : i32
      %add3A_198 = arith.constant 24 : i32
      %add3A_199 = arith.addi %mul3A_197, %add3A_198 : i32
      %dma_start3A_200 = arith.constant 24 : i32
      %dma_start3A_201 = arith.constant 0 : i32
      %dma_start3A_202 = tpu.memref_slice %arg9[%dma_start3A_200, %dma_start3A_201] : memref<80x128xf32, #tpu.memory_space<vmem>> -> memref<24x128xf32, #tpu.memory_space<vmem>>
      %dma_start3A_203 = tpu.memref_slice %arg6[%add3A_199] : memref<10000xi32, #tpu.memory_space<vmem>> -> memref<24xi32, #tpu.memory_space<vmem>>
      %dma_start3A_204 = arith.constant 0 : i32
      %dma_start3A_205 = arith.constant 0 : i32
      %dma_start3A_206 = tpu.memref_slice %arg4[%dma_start3A_204, %dma_start3A_205] : memref<10000x128xf32, #tpu.memory_space<hbm>> -> memref<10000x128xf32, #tpu.memory_space<hbm>>
      tpu.enqueue_indirect_dma source(%dma_start3A_206 : memref<10000x128xf32, #tpu.memory_space<hbm>>) target(%dma_start3A_202 : memref<24x128xf32, #tpu.memory_space<vmem>>) offsets(%dma_start3A_203 : memref<24xi32, #tpu.memory_space<vmem>>) semaphore(%arg17 : memref<!tpu.dma_semaphore, #tpu.memory_space<semaphore_mem>>)
      %mul3A_207 = arith.constant 80 : i32
      %mul3A_208 = arith.muli %add3A_184, %mul3A_207 : i32
      %add3A_209 = arith.constant 48 : i32
      %add3A_210 = arith.addi %mul3A_208, %add3A_209 : i32
      %dma_start3A_211 = arith.constant 48 : i32
      %dma_start3A_212 = arith.constant 0 : i32
      %dma_start3A_213 = tpu.memref_slice %arg9[%dma_start3A_211, %dma_start3A_212] : memref<80x128xf32, #tpu.memory_space<vmem>> -> memref<16x128xf32, #tpu.memory_space<vmem>>
      %dma_start3A_214 = tpu.memref_slice %arg6[%add3A_210] : memref<10000xi32, #tpu.memory_space<vmem>> -> memref<16xi32, #tpu.memory_space<vmem>>
      %dma_start3A_215 = arith.constant 0 : i32
      %dma_start3A_216 = arith.constant 0 : i32
      %dma_start3A_217 = tpu.memref_slice %arg4[%dma_start3A_215, %dma_start3A_216] : memref<10000x128xf32, #tpu.memory_space<hbm>> -> memref<10000x128xf32, #tpu.memory_space<hbm>>
      tpu.enqueue_indirect_dma source(%dma_start3A_217 : memref<10000x128xf32, #tpu.memory_space<hbm>>) target(%dma_start3A_213 : memref<16x128xf32, #tpu.memory_space<vmem>>) offsets(%dma_start3A_214 : memref<16xi32, #tpu.memory_space<vmem>>) semaphore(%arg18 : memref<!tpu.dma_semaphore, #tpu.memory_space<semaphore_mem>>)
      %mul3A_218 = arith.constant 80 : i32
      %mul3A_219 = arith.muli %add3A_184, %mul3A_218 : i32
      %add3A_220 = arith.constant 64 : i32
      %add3A_221 = arith.addi %mul3A_219, %add3A_220 : i32
      %dma_start3A_222 = arith.constant 64 : i32
      %dma_start3A_223 = arith.constant 0 : i32
      %dma_start3A_224 = tpu.memref_slice %arg9[%dma_start3A_222, %dma_start3A_223] : memref<80x128xf32, #tpu.memory_space<vmem>> -> memref<16x128xf32, #tpu.memory_space<vmem>>
      %dma_start3A_225 = tpu.memref_slice %arg6[%add3A_221] : memref<10000xi32, #tpu.memory_space<vmem>> -> memref<16xi32, #tpu.memory_space<vmem>>
      %dma_start3A_226 = arith.constant 0 : i32
      %dma_start3A_227 = arith.constant 0 : i32
      %dma_start3A_228 = tpu.memref_slice %arg4[%dma_start3A_226, %dma_start3A_227] : memref<10000x128xf32, #tpu.memory_space<hbm>> -> memref<10000x128xf32, #tpu.memory_space<hbm>>
      tpu.enqueue_indirect_dma source(%dma_start3A_228 : memref<10000x128xf32, #tpu.memory_space<hbm>>) target(%dma_start3A_224 : memref<16x128xf32, #tpu.memory_space<vmem>>) offsets(%dma_start3A_225 : memref<16xi32, #tpu.memory_space<vmem>>) semaphore(%arg19 : memref<!tpu.dma_semaphore, #tpu.memory_space<semaphore_mem>>)
      %dma_start3A_229 = arith.constant 0 : i32
      %dma_start3A_230 = tpu.memref_slice %arg7[%mul3A_134, %dma_start3A_229] : memref<125x80xi32, #tpu.memory_space<vmem>> -> memref<1x80xi32, #tpu.memory_space<vmem>>
      %dma_start3A_231 = tpu.memref_squeeze %dma_start3A_230 : memref<1x80xi32, #tpu.memory_space<vmem>> -> memref<80xi32, #tpu.memory_space<vmem>>
      %dma_start3A_232 = arith.constant 0 : i32
      %dma_start3A_233 = arith.constant 0 : i32
      %dma_start3A_234 = tpu.memref_slice %arg22[%dma_start3A_232, %dma_start3A_233] : memref<10000x128xf32, #tpu.memory_space<vmem_shared>> -> memref<10000x128xf32, #tpu.memory_space<vmem_shared>>
      tpu.enqueue_indirect_dma source(%arg8 : memref<80x128xf32, #tpu.memory_space<vmem>>) target(%dma_start3A_234 : memref<10000x128xf32, #tpu.memory_space<vmem_shared>>) offsets(%dma_start3A_231 : memref<80xi32, #tpu.memory_space<vmem>>) semaphore(%arg20 : memref<!tpu.dma_semaphore, #tpu.memory_space<semaphore_mem>>) {add = true}
      %add3A_235 = arith.constant 1 : i32
      %add3A_236 = arith.addi %mul3A_134, %add3A_235 : i32
      %mul3A_237 = arith.constant 80 : i32
      %mul3A_238 = arith.muli %add3A_236, %mul3A_237 : i32
      %add3A_239 = arith.constant 0 : i32
      %add3A_240 = arith.addi %mul3A_238, %add3A_239 : i32
      %dma_wait3A_241 = arith.constant 0 : i32
      %dma_wait3A_242 = arith.constant 0 : i32
      %dma_wait3A_243 = tpu.memref_slice %arg9[%dma_wait3A_241, %dma_wait3A_242] : memref<80x128xf32, #tpu.memory_space<vmem>> -> memref<24x128xf32, #tpu.memory_space<vmem>>
      %dma_wait3A_244 = tpu.memref_slice %arg6[%add3A_240] : memref<10000xi32, #tpu.memory_space<vmem>> -> memref<24xi32, #tpu.memory_space<vmem>>
      %dma_wait3A_245 = arith.constant 0 : i32
      %dma_wait3A_246 = arith.constant 0 : i32
      %dma_wait3A_247 = tpu.memref_slice %arg4[%dma_wait3A_245, %dma_wait3A_246] : memref<10000x128xf32, #tpu.memory_space<hbm>> -> memref<10000x128xf32, #tpu.memory_space<hbm>>
      tpu.wait_indirect_dma semaphore(%arg16 : memref<!tpu.dma_semaphore, #tpu.memory_space<semaphore_mem>>) src(%dma_wait3A_247 : memref<10000x128xf32, #tpu.memory_space<hbm>>) dst(%dma_wait3A_243 : memref<24x128xf32, #tpu.memory_space<vmem>>)
      %mul3A_248 = arith.constant 80 : i32
      %mul3A_249 = arith.muli %add3A_236, %mul3A_248 : i32
      %add3A_250 = arith.constant 24 : i32
      %add3A_251 = arith.addi %mul3A_249, %add3A_250 : i32
      %dma_wait3A_252 = arith.constant 24 : i32
      %dma_wait3A_253 = arith.constant 0 : i32
      %dma_wait3A_254 = tpu.memref_slice %arg9[%dma_wait3A_252, %dma_wait3A_253] : memref<80x128xf32, #tpu.memory_space<vmem>> -> memref<24x128xf32, #tpu.memory_space<vmem>>
      %dma_wait3A_255 = tpu.memref_slice %arg6[%add3A_251] : memref<10000xi32, #tpu.memory_space<vmem>> -> memref<24xi32, #tpu.memory_space<vmem>>
      %dma_wait3A_256 = arith.constant 0 : i32
      %dma_wait3A_257 = arith.constant 0 : i32
      %dma_wait3A_258 = tpu.memref_slice %arg4[%dma_wait3A_256, %dma_wait3A_257] : memref<10000x128xf32, #tpu.memory_space<hbm>> -> memref<10000x128xf32, #tpu.memory_space<hbm>>
      tpu.wait_indirect_dma semaphore(%arg17 : memref<!tpu.dma_semaphore, #tpu.memory_space<semaphore_mem>>) src(%dma_wait3A_258 : memref<10000x128xf32, #tpu.memory_space<hbm>>) dst(%dma_wait3A_254 : memref<24x128xf32, #tpu.memory_space<vmem>>)
      %mul3A_259 = arith.constant 80 : i32
      %mul3A_260 = arith.muli %add3A_236, %mul3A_259 : i32
      %add3A_261 = arith.constant 48 : i32
      %add3A_262 = arith.addi %mul3A_260, %add3A_261 : i32
      %dma_wait3A_263 = arith.constant 48 : i32
      %dma_wait3A_264 = arith.constant 0 : i32
      %dma_wait3A_265 = tpu.memref_slice %arg9[%dma_wait3A_263, %dma_wait3A_264] : memref<80x128xf32, #tpu.memory_space<vmem>> -> memref<16x128xf32, #tpu.memory_space<vmem>>
      %dma_wait3A_266 = tpu.memref_slice %arg6[%add3A_262] : memref<10000xi32, #tpu.memory_space<vmem>> -> memref<16xi32, #tpu.memory_space<vmem>>
      %dma_wait3A_267 = arith.constant 0 : i32
      %dma_wait3A_268 = arith.constant 0 : i32
      %dma_wait3A_269 = tpu.memref_slice %arg4[%dma_wait3A_267, %dma_wait3A_268] : memref<10000x128xf32, #tpu.memory_space<hbm>> -> memref<10000x128xf32, #tpu.memory_space<hbm>>
      tpu.wait_indirect_dma semaphore(%arg18 : memref<!tpu.dma_semaphore, #tpu.memory_space<semaphore_mem>>) src(%dma_wait3A_269 : memref<10000x128xf32, #tpu.memory_space<hbm>>) dst(%dma_wait3A_265 : memref<16x128xf32, #tpu.memory_space<vmem>>)
      %mul3A_270 = arith.constant 80 : i32
      %mul3A_271 = arith.muli %add3A_236, %mul3A_270 : i32
      %add3A_272 = arith.constant 64 : i32
      %add3A_273 = arith.addi %mul3A_271, %add3A_272 : i32
      %dma_wait3A_274 = arith.constant 64 : i32
      %dma_wait3A_275 = arith.constant 0 : i32
      %dma_wait3A_276 = tpu.memref_slice %arg9[%dma_wait3A_274, %dma_wait3A_275] : memref<80x128xf32, #tpu.memory_space<vmem>> -> memref<16x128xf32, #tpu.memory_space<vmem>>
      %dma_wait3A_277 = tpu.memref_slice %arg6[%add3A_273] : memref<10000xi32, #tpu.memory_space<vmem>> -> memref<16xi32, #tpu.memory_space<vmem>>
      %dma_wait3A_278 = arith.constant 0 : i32
      %dma_wait3A_279 = arith.constant 0 : i32
      %dma_wait3A_280 = tpu.memref_slice %arg4[%dma_wait3A_278, %dma_wait3A_279] : memref<10000x128xf32, #tpu.memory_space<hbm>> -> memref<10000x128xf32, #tpu.memory_space<hbm>>
      tpu.wait_indirect_dma semaphore(%arg19 : memref<!tpu.dma_semaphore, #tpu.memory_space<semaphore_mem>>) src(%dma_wait3A_280 : memref<10000x128xf32, #tpu.memory_space<hbm>>) dst(%dma_wait3A_276 : memref<16x128xf32, #tpu.memory_space<vmem>>)
      %dma_wait3A_281 = arith.constant 0 : i32
      %dma_wait3A_282 = tpu.memref_slice %arg7[%mul3A_134, %dma_wait3A_281] : memref<125x80xi32, #tpu.memory_space<vmem>> -> memref<1x80xi32, #tpu.memory_space<vmem>>
      %dma_wait3A_283 = tpu.memref_squeeze %dma_wait3A_282 : memref<1x80xi32, #tpu.memory_space<vmem>> -> memref<80xi32, #tpu.memory_space<vmem>>
      %dma_wait3A_284 = arith.constant 0 : i32
      %dma_wait3A_285 = arith.constant 0 : i32
      %dma_wait3A_286 = tpu.memref_slice %arg22[%dma_wait3A_284, %dma_wait3A_285] : memref<10000x128xf32, #tpu.memory_space<vmem_shared>> -> memref<10000x128xf32, #tpu.memory_space<vmem_shared>>
      tpu.wait_indirect_dma semaphore(%arg20 : memref<!tpu.dma_semaphore, #tpu.memory_space<semaphore_mem>>) src(%arg8 : memref<80x128xf32, #tpu.memory_space<vmem>>) dst(%dma_wait3A_286 : memref<10000x128xf32, #tpu.memory_space<vmem_shared>>)
      %add3A_287 = arith.constant 2 : i32
      %add3A_288 = arith.addi %mul3A_134, %add3A_287 : i32
      %mul3A_289 = arith.constant 80 : i32
      %mul3A_290 = arith.muli %add3A_288, %mul3A_289 : i32
      %add3A_291 = arith.constant 0 : i32
      %add3A_292 = arith.addi %mul3A_290, %add3A_291 : i32
      %dma_start3A_293 = arith.constant 0 : i32
      %dma_start3A_294 = arith.constant 0 : i32
      %dma_start3A_295 = tpu.memref_slice %arg8[%dma_start3A_293, %dma_start3A_294] : memref<80x128xf32, #tpu.memory_space<vmem>> -> memref<24x128xf32, #tpu.memory_space<vmem>>
      %dma_start3A_296 = tpu.memref_slice %arg6[%add3A_292] : memref<10000xi32, #tpu.memory_space<vmem>> -> memref<24xi32, #tpu.memory_space<vmem>>
      %dma_start3A_297 = arith.constant 0 : i32
      %dma_start3A_298 = arith.constant 0 : i32
      %dma_start3A_299 = tpu.memref_slice %arg4[%dma_start3A_297, %dma_start3A_298] : memref<10000x128xf32, #tpu.memory_space<hbm>> -> memref<10000x128xf32, #tpu.memory_space<hbm>>
      tpu.enqueue_indirect_dma source(%dma_start3A_299 : memref<10000x128xf32, #tpu.memory_space<hbm>>) target(%dma_start3A_295 : memref<24x128xf32, #tpu.memory_space<vmem>>) offsets(%dma_start3A_296 : memref<24xi32, #tpu.memory_space<vmem>>) semaphore(%arg12 : memref<!tpu.dma_semaphore, #tpu.memory_space<semaphore_mem>>)
      %mul3A_300 = arith.constant 80 : i32
      %mul3A_301 = arith.muli %add3A_288, %mul3A_300 : i32
      %add3A_302 = arith.constant 24 : i32
      %add3A_303 = arith.addi %mul3A_301, %add3A_302 : i32
      %dma_start3A_304 = arith.constant 24 : i32
      %dma_start3A_305 = arith.constant 0 : i32
      %dma_start3A_306 = tpu.memref_slice %arg8[%dma_start3A_304, %dma_start3A_305] : memref<80x128xf32, #tpu.memory_space<vmem>> -> memref<24x128xf32, #tpu.memory_space<vmem>>
      %dma_start3A_307 = tpu.memref_slice %arg6[%add3A_303] : memref<10000xi32, #tpu.memory_space<vmem>> -> memref<24xi32, #tpu.memory_space<vmem>>
      %dma_start3A_308 = arith.constant 0 : i32
      %dma_start3A_309 = arith.constant 0 : i32
      %dma_start3A_310 = tpu.memref_slice %arg4[%dma_start3A_308, %dma_start3A_309] : memref<10000x128xf32, #tpu.memory_space<hbm>> -> memref<10000x128xf32, #tpu.memory_space<hbm>>
      tpu.enqueue_indirect_dma source(%dma_start3A_310 : memref<10000x128xf32, #tpu.memory_space<hbm>>) target(%dma_start3A_306 : memref<24x128xf32, #tpu.memory_space<vmem>>) offsets(%dma_start3A_307 : memref<24xi32, #tpu.memory_space<vmem>>) semaphore(%arg13 : memref<!tpu.dma_semaphore, #tpu.memory_space<semaphore_mem>>)
      %mul3A_311 = arith.constant 80 : i32
      %mul3A_312 = arith.muli %add3A_288, %mul3A_311 : i32
      %add3A_313 = arith.constant 48 : i32
      %add3A_314 = arith.addi %mul3A_312, %add3A_313 : i32
      %dma_start3A_315 = arith.constant 48 : i32
      %dma_start3A_316 = arith.constant 0 : i32
      %dma_start3A_317 = tpu.memref_slice %arg8[%dma_start3A_315, %dma_start3A_316] : memref<80x128xf32, #tpu.memory_space<vmem>> -> memref<16x128xf32, #tpu.memory_space<vmem>>
      %dma_start3A_318 = tpu.memref_slice %arg6[%add3A_314] : memref<10000xi32, #tpu.memory_space<vmem>> -> memref<16xi32, #tpu.memory_space<vmem>>
      %dma_start3A_319 = arith.constant 0 : i32
      %dma_start3A_320 = arith.constant 0 : i32
      %dma_start3A_321 = tpu.memref_slice %arg4[%dma_start3A_319, %dma_start3A_320] : memref<10000x128xf32, #tpu.memory_space<hbm>> -> memref<10000x128xf32, #tpu.memory_space<hbm>>
      tpu.enqueue_indirect_dma source(%dma_start3A_321 : memref<10000x128xf32, #tpu.memory_space<hbm>>) target(%dma_start3A_317 : memref<16x128xf32, #tpu.memory_space<vmem>>) offsets(%dma_start3A_318 : memref<16xi32, #tpu.memory_space<vmem>>) semaphore(%arg14 : memref<!tpu.dma_semaphore, #tpu.memory_space<semaphore_mem>>)
      %mul3A_322 = arith.constant 80 : i32
      %mul3A_323 = arith.muli %add3A_288, %mul3A_322 : i32
      %add3A_324 = arith.constant 64 : i32
      %add3A_325 = arith.addi %mul3A_323, %add3A_324 : i32
      %dma_start3A_326 = arith.constant 64 : i32
      %dma_start3A_327 = arith.constant 0 : i32
      %dma_start3A_328 = tpu.memref_slice %arg8[%dma_start3A_326, %dma_start3A_327] : memref<80x128xf32, #tpu.memory_space<vmem>> -> memref<16x128xf32, #tpu.memory_space<vmem>>
      %dma_start3A_329 = tpu.memref_slice %arg6[%add3A_325] : memref<10000xi32, #tpu.memory_space<vmem>> -> memref<16xi32, #tpu.memory_space<vmem>>
      %dma_start3A_330 = arith.constant 0 : i32
      %dma_start3A_331 = arith.constant 0 : i32
      %dma_start3A_332 = tpu.memref_slice %arg4[%dma_start3A_330, %dma_start3A_331] : memref<10000x128xf32, #tpu.memory_space<hbm>> -> memref<10000x128xf32, #tpu.memory_space<hbm>>
      tpu.enqueue_indirect_dma source(%dma_start3A_332 : memref<10000x128xf32, #tpu.memory_space<hbm>>) target(%dma_start3A_328 : memref<16x128xf32, #tpu.memory_space<vmem>>) offsets(%dma_start3A_329 : memref<16xi32, #tpu.memory_space<vmem>>) semaphore(%arg15 : memref<!tpu.dma_semaphore, #tpu.memory_space<semaphore_mem>>)
      %add3A_333 = arith.constant 1 : i32
      %add3A_334 = arith.addi %mul3A_134, %add3A_333 : i32
      %dma_start3A_335 = arith.constant 0 : i32
      %dma_start3A_336 = tpu.memref_slice %arg7[%add3A_334, %dma_start3A_335] : memref<125x80xi32, #tpu.memory_space<vmem>> -> memref<1x80xi32, #tpu.memory_space<vmem>>
      %dma_start3A_337 = tpu.memref_squeeze %dma_start3A_336 : memref<1x80xi32, #tpu.memory_space<vmem>> -> memref<80xi32, #tpu.memory_space<vmem>>
      %dma_start3A_338 = arith.constant 0 : i32
      %dma_start3A_339 = arith.constant 0 : i32
      %dma_start3A_340 = tpu.memref_slice %arg22[%dma_start3A_338, %dma_start3A_339] : memref<10000x128xf32, #tpu.memory_space<vmem_shared>> -> memref<10000x128xf32, #tpu.memory_space<vmem_shared>>
      tpu.enqueue_indirect_dma source(%arg9 : memref<80x128xf32, #tpu.memory_space<vmem>>) target(%dma_start3A_340 : memref<10000x128xf32, #tpu.memory_space<vmem_shared>>) offsets(%dma_start3A_337 : memref<80xi32, #tpu.memory_space<vmem>>) semaphore(%arg21 : memref<!tpu.dma_semaphore, #tpu.memory_space<semaphore_mem>>) {add = true}
    }
    %scan3A_67 = arith.constant 62 : i32
    %dma_wait3A_68 = arith.constant 0 : i32
    %dma_wait3A_69 = arith.constant 0 : i32
    %dma_wait3A_70 = tpu.memref_slice %arg8[%dma_wait3A_68, %dma_wait3A_69] : memref<80x128xf32, #tpu.memory_space<vmem>> -> memref<24x128xf32, #tpu.memory_space<vmem>>
    %dma_wait3A_71 = arith.constant 9920 : i32
    %dma_wait3A_72 = tpu.memref_slice %arg6[%dma_wait3A_71] : memref<10000xi32, #tpu.memory_space<vmem>> -> memref<24xi32, #tpu.memory_space<vmem>>
    %dma_wait3A_73 = arith.constant 0 : i32
    %dma_wait3A_74 = arith.constant 0 : i32
    %dma_wait3A_75 = tpu.memref_slice %arg4[%dma_wait3A_73, %dma_wait3A_74] : memref<10000x128xf32, #tpu.memory_space<hbm>> -> memref<10000x128xf32, #tpu.memory_space<hbm>>
    tpu.wait_indirect_dma semaphore(%arg12 : memref<!tpu.dma_semaphore, #tpu.memory_space<semaphore_mem>>) src(%dma_wait3A_75 : memref<10000x128xf32, #tpu.memory_space<hbm>>) dst(%dma_wait3A_70 : memref<24x128xf32, #tpu.memory_space<vmem>>)
    %dma_wait3A_76 = arith.constant 24 : i32
    %dma_wait3A_77 = arith.constant 0 : i32
    %dma_wait3A_78 = tpu.memref_slice %arg8[%dma_wait3A_76, %dma_wait3A_77] : memref<80x128xf32, #tpu.memory_space<vmem>> -> memref<24x128xf32, #tpu.memory_space<vmem>>
    %dma_wait3A_79 = arith.constant 9944 : i32
    %dma_wait3A_80 = tpu.memref_slice %arg6[%dma_wait3A_79] : memref<10000xi32, #tpu.memory_space<vmem>> -> memref<24xi32, #tpu.memory_space<vmem>>
    %dma_wait3A_81 = arith.constant 0 : i32
    %dma_wait3A_82 = arith.constant 0 : i32
    %dma_wait3A_83 = tpu.memref_slice %arg4[%dma_wait3A_81, %dma_wait3A_82] : memref<10000x128xf32, #tpu.memory_space<hbm>> -> memref<10000x128xf32, #tpu.memory_space<hbm>>
    tpu.wait_indirect_dma semaphore(%arg13 : memref<!tpu.dma_semaphore, #tpu.memory_space<semaphore_mem>>) src(%dma_wait3A_83 : memref<10000x128xf32, #tpu.memory_space<hbm>>) dst(%dma_wait3A_78 : memref<24x128xf32, #tpu.memory_space<vmem>>)
    %dma_wait3A_84 = arith.constant 48 : i32
    %dma_wait3A_85 = arith.constant 0 : i32
    %dma_wait3A_86 = tpu.memref_slice %arg8[%dma_wait3A_84, %dma_wait3A_85] : memref<80x128xf32, #tpu.memory_space<vmem>> -> memref<16x128xf32, #tpu.memory_space<vmem>>
    %dma_wait3A_87 = arith.constant 9968 : i32
    %dma_wait3A_88 = tpu.memref_slice %arg6[%dma_wait3A_87] : memref<10000xi32, #tpu.memory_space<vmem>> -> memref<16xi32, #tpu.memory_space<vmem>>
    %dma_wait3A_89 = arith.constant 0 : i32
    %dma_wait3A_90 = arith.constant 0 : i32
    %dma_wait3A_91 = tpu.memref_slice %arg4[%dma_wait3A_89, %dma_wait3A_90] : memref<10000x128xf32, #tpu.memory_space<hbm>> -> memref<10000x128xf32, #tpu.memory_space<hbm>>
    tpu.wait_indirect_dma semaphore(%arg14 : memref<!tpu.dma_semaphore, #tpu.memory_space<semaphore_mem>>) src(%dma_wait3A_91 : memref<10000x128xf32, #tpu.memory_space<hbm>>) dst(%dma_wait3A_86 : memref<16x128xf32, #tpu.memory_space<vmem>>)
    %dma_wait3A_92 = arith.constant 64 : i32
    %dma_wait3A_93 = arith.constant 0 : i32
    %dma_wait3A_94 = tpu.memref_slice %arg8[%dma_wait3A_92, %dma_wait3A_93] : memref<80x128xf32, #tpu.memory_space<vmem>> -> memref<16x128xf32, #tpu.memory_space<vmem>>
    %dma_wait3A_95 = arith.constant 9984 : i32
    %dma_wait3A_96 = tpu.memref_slice %arg6[%dma_wait3A_95] : memref<10000xi32, #tpu.memory_space<vmem>> -> memref<16xi32, #tpu.memory_space<vmem>>
    %dma_wait3A_97 = arith.constant 0 : i32
    %dma_wait3A_98 = arith.constant 0 : i32
    %dma_wait3A_99 = tpu.memref_slice %arg4[%dma_wait3A_97, %dma_wait3A_98] : memref<10000x128xf32, #tpu.memory_space<hbm>> -> memref<10000x128xf32, #tpu.memory_space<hbm>>
    tpu.wait_indirect_dma semaphore(%arg15 : memref<!tpu.dma_semaphore, #tpu.memory_space<semaphore_mem>>) src(%dma_wait3A_99 : memref<10000x128xf32, #tpu.memory_space<hbm>>) dst(%dma_wait3A_94 : memref<16x128xf32, #tpu.memory_space<vmem>>)
    %dma_wait3A_100 = arith.constant 123 : i32
    %dma_wait3A_101 = arith.constant 0 : i32
    %dma_wait3A_102 = tpu.memref_slice %arg7[%dma_wait3A_100, %dma_wait3A_101] : memref<125x80xi32, #tpu.memory_space<vmem>> -> memref<1x80xi32, #tpu.memory_space<vmem>>
    %dma_wait3A_103 = tpu.memref_squeeze %dma_wait3A_102 : memref<1x80xi32, #tpu.memory_space<vmem>> -> memref<80xi32, #tpu.memory_space<vmem>>
    %dma_wait3A_104 = arith.constant 0 : i32
    %dma_wait3A_105 = arith.constant 0 : i32
    %dma_wait3A_106 = tpu.memref_slice %arg22[%dma_wait3A_104, %dma_wait3A_105] : memref<10000x128xf32, #tpu.memory_space<vmem_shared>> -> memref<10000x128xf32, #tpu.memory_space<vmem_shared>>
    tpu.wait_indirect_dma semaphore(%arg21 : memref<!tpu.dma_semaphore, #tpu.memory_space<semaphore_mem>>) src(%arg9 : memref<80x128xf32, #tpu.memory_space<vmem>>) dst(%dma_wait3A_106 : memref<10000x128xf32, #tpu.memory_space<vmem_shared>>)
    %dma_start3A_107 = arith.constant 124 : i32
    %dma_start3A_108 = arith.constant 0 : i32
    %dma_start3A_109 = tpu.memref_slice %arg7[%dma_start3A_107, %dma_start3A_108] : memref<125x80xi32, #tpu.memory_space<vmem>> -> memref<1x80xi32, #tpu.memory_space<vmem>>
    %dma_start3A_110 = tpu.memref_squeeze %dma_start3A_109 : memref<1x80xi32, #tpu.memory_space<vmem>> -> memref<80xi32, #tpu.memory_space<vmem>>
    %dma_start3A_111 = arith.constant 0 : i32
    %dma_start3A_112 = arith.constant 0 : i32
    %dma_start3A_113 = tpu.memref_slice %arg22[%dma_start3A_111, %dma_start3A_112] : memref<10000x128xf32, #tpu.memory_space<vmem_shared>> -> memref<10000x128xf32, #tpu.memory_space<vmem_shared>>
    tpu.enqueue_indirect_dma source(%arg8 : memref<80x128xf32, #tpu.memory_space<vmem>>) target(%dma_start3A_113 : memref<10000x128xf32, #tpu.memory_space<vmem_shared>>) offsets(%dma_start3A_110 : memref<80xi32, #tpu.memory_space<vmem>>) semaphore(%arg20 : memref<!tpu.dma_semaphore, #tpu.memory_space<semaphore_mem>>) {add = true}
    %dma_wait3A_114 = arith.constant 124 : i32
    %dma_wait3A_115 = arith.constant 0 : i32
    %dma_wait3A_116 = tpu.memref_slice %arg7[%dma_wait3A_114, %dma_wait3A_115] : memref<125x80xi32, #tpu.memory_space<vmem>> -> memref<1x80xi32, #tpu.memory_space<vmem>>
    %dma_wait3A_117 = tpu.memref_squeeze %dma_wait3A_116 : memref<1x80xi32, #tpu.memory_space<vmem>> -> memref<80xi32, #tpu.memory_space<vmem>>
    %dma_wait3A_118 = arith.constant 0 : i32
    %dma_wait3A_119 = arith.constant 0 : i32
    %dma_wait3A_120 = tpu.memref_slice %arg22[%dma_wait3A_118, %dma_wait3A_119] : memref<10000x128xf32, #tpu.memory_space<vmem_shared>> -> memref<10000x128xf32, #tpu.memory_space<vmem_shared>>
    tpu.wait_indirect_dma semaphore(%arg20 : memref<!tpu.dma_semaphore, #tpu.memory_space<semaphore_mem>>) src(%arg8 : memref<80x128xf32, #tpu.memory_space<vmem>>) dst(%dma_wait3A_120 : memref<10000x128xf32, #tpu.memory_space<vmem_shared>>)
    %barrier3A_121 = arith.constant 0 : index
    tpu.barrier barrier_id(%barrier3A_121)
    %lt3A_122 = arith.constant 15 : i32
    %lt3A_123 = arith.cmpi slt, %arg1, %lt3A_122 : i32
    %convert_element_type3A_124 = arith.extui %lt3A_123 : i1 to i32
    %cond3A_125 = arith.constant 0 : i32
    %cond3A_126 = arith.cmpi ne, %convert_element_type3A_124, %cond3A_125 : i32
    scf.if %cond3A_126 {
      "tpu.region"() ({
        %run_scoped3A = tpu.sem_alloc : memref<!tpu.dma_semaphore, #tpu.memory_space<semaphore_mem>>
        %dma_start3A_132 = arith.constant 0 : i32
        %dma_start3A_133 = tpu.memref_slice %arg5[%arg0, %mul3A_2, %dma_start3A_132] : memref<2x10000x128xf32, #tpu.memory_space<hbm>> -> memref<1x640x128xf32, #tpu.memory_space<hbm>>
        %dma_start3A_134 = tpu.memref_squeeze %dma_start3A_133 : memref<1x640x128xf32, #tpu.memory_space<hbm>> -> memref<640x128xf32, #tpu.memory_space<hbm>>
        %dma_start3A_135 = arith.constant 0 : i32
        %dma_start3A_136 = tpu.memref_slice %arg22[%mul3A_2, %dma_start3A_135] : memref<10000x128xf32, #tpu.memory_space<vmem_shared>> -> memref<640x128xf32, #tpu.memory_space<vmem_shared>>
        tpu.enqueue_dma source(%dma_start3A_136 : memref<640x128xf32, #tpu.memory_space<vmem_shared>>) target(%dma_start3A_134 : memref<640x128xf32, #tpu.memory_space<hbm>>) target_semaphore(%run_scoped3A : memref<!tpu.dma_semaphore, #tpu.memory_space<semaphore_mem>>)
        %dma_wait3A_137 = arith.constant 0 : i32
        %dma_wait3A_138 = tpu.memref_slice %arg5[%arg0, %mul3A_2, %dma_wait3A_137] : memref<2x10000x128xf32, #tpu.memory_space<hbm>> -> memref<1x640x128xf32, #tpu.memory_space<hbm>>
        %dma_wait3A_139 = tpu.memref_squeeze %dma_wait3A_138 : memref<1x640x128xf32, #tpu.memory_space<hbm>> -> memref<640x128xf32, #tpu.memory_space<hbm>>
        %dma_wait3A_140 = arith.constant 0 : i32
        %dma_wait3A_141 = tpu.memref_slice %arg22[%mul3A_2, %dma_wait3A_140] : memref<10000x128xf32, #tpu.memory_space<vmem_shared>> -> memref<640x128xf32, #tpu.memory_space<vmem_shared>>
        tpu.wait_dma2 semaphore(%run_scoped3A : memref<!tpu.dma_semaphore, #tpu.memory_space<semaphore_mem>>) src(%dma_wait3A_141 : memref<640x128xf32, #tpu.memory_space<vmem_shared>>) dst(%dma_wait3A_139 : memref<640x128xf32, #tpu.memory_space<hbm>>)
        tpu.yield
      }) : () -> ()
    } else {
    }
    %eq3A_127 = arith.constant 15 : i32
    %eq3A_128 = arith.cmpi eq, %arg1, %eq3A_127 : i32
    %convert_element_type3A_129 = arith.extui %eq3A_128 : i1 to i32
    %cond3A_130 = arith.constant 0 : i32
    %cond3A_131 = arith.cmpi ne, %convert_element_type3A_129, %cond3A_130 : i32
    scf.if %cond3A_131 {
      "tpu.region"() ({
        %run_scoped3A = tpu.sem_alloc : memref<!tpu.dma_semaphore, #tpu.memory_space<semaphore_mem>>
        %dma_start3A_132 = arith.constant 9600 : i32
        %dma_start3A_133 = arith.constant 0 : i32
        %dma_start3A_134 = tpu.memref_slice %arg5[%arg0, %dma_start3A_132, %dma_start3A_133] : memref<2x10000x128xf32, #tpu.memory_space<hbm>> -> memref<1x400x128xf32, #tpu.memory_space<hbm>>
        %dma_start3A_135 = tpu.memref_squeeze %dma_start3A_134 : memref<1x400x128xf32, #tpu.memory_space<hbm>> -> memref<400x128xf32, #tpu.memory_space<hbm>>
        %dma_start3A_136 = arith.constant 9600 : i32
        %dma_start3A_137 = arith.constant 0 : i32
        %dma_start3A_138 = tpu.memref_slice %arg22[%dma_start3A_136, %dma_start3A_137] : memref<10000x128xf32, #tpu.memory_space<vmem_shared>> -> memref<400x128xf32, #tpu.memory_space<vmem_shared>>
        tpu.enqueue_dma source(%dma_start3A_138 : memref<400x128xf32, #tpu.memory_space<vmem_shared>>) target(%dma_start3A_135 : memref<400x128xf32, #tpu.memory_space<hbm>>) target_semaphore(%run_scoped3A : memref<!tpu.dma_semaphore, #tpu.memory_space<semaphore_mem>>)
        %dma_wait3A_139 = arith.constant 9600 : i32
        %dma_wait3A_140 = arith.constant 0 : i32
        %dma_wait3A_141 = tpu.memref_slice %arg5[%arg0, %dma_wait3A_139, %dma_wait3A_140] : memref<2x10000x128xf32, #tpu.memory_space<hbm>> -> memref<1x400x128xf32, #tpu.memory_space<hbm>>
        %dma_wait3A_142 = tpu.memref_squeeze %dma_wait3A_141 : memref<1x400x128xf32, #tpu.memory_space<hbm>> -> memref<400x128xf32, #tpu.memory_space<hbm>>
        %dma_wait3A_143 = arith.constant 9600 : i32
        %dma_wait3A_144 = arith.constant 0 : i32
        %dma_wait3A_145 = tpu.memref_slice %arg22[%dma_wait3A_143, %dma_wait3A_144] : memref<10000x128xf32, #tpu.memory_space<vmem_shared>> -> memref<400x128xf32, #tpu.memory_space<vmem_shared>>
        tpu.wait_dma2 semaphore(%run_scoped3A : memref<!tpu.dma_semaphore, #tpu.memory_space<semaphore_mem>>) src(%dma_wait3A_145 : memref<400x128xf32, #tpu.memory_space<vmem_shared>>) dst(%dma_wait3A_142 : memref<400x128xf32, #tpu.memory_space<hbm>>)
        tpu.yield
      }) : () -> ()
    } else {
    }
    return
  }
}

#map = affine_map<(d0, d1) -> (0, 0, 0)>
#map1 = affine_map<(d0, d1) -> (0, 0)>
module attributes {stable_mosaic.version = 14 : i64} {
  func.func @_deg_body(%arg0: i32, %arg1: i32, %arg2: memref<32x125x80xi32, #tpu.memory_space<hbm>>, %arg3: memref<2x10240xf32, #tpu.memory_space<hbm>>, %arg4: memref<80xf32, #tpu.memory_space<vmem>>, %arg5: memref<125x80xi32, #tpu.memory_space<vmem>>, %arg6: memref<!tpu.dma_semaphore, #tpu.memory_space<semaphore_mem>>, %arg7: memref<!tpu.dma_semaphore, #tpu.memory_space<semaphore_mem>>, %arg8: memref<!tpu.dma_semaphore, #tpu.memory_space<semaphore_mem>>, %arg9: memref<!tpu.dma_semaphore, #tpu.memory_space<semaphore_mem>>, %arg10: memref<!tpu.dma_semaphore, #tpu.memory_space<semaphore_mem>>, %arg11: memref<10240xf32, #tpu.memory_space<vmem_shared>>) attributes {dimension_semantics = [#tpu.dimension_semantics<core_parallel>, #tpu.dimension_semantics<subcore_parallel>], iteration_bounds = array<i64: 2, 16>, scalar_prefetch = 0 : i64, scratch_operands = 8 : i64, tpu.core_type = #tpu.core_type<sc_vector_subcore>, window_params = [{transform_indices = #map}, {transform_indices = #map1}]} {
    %mul3A = arith.constant 2 : i32
    %mul3A_0 = arith.muli %arg1, %mul3A : i32
    %add3A = arith.addi %mul3A_0, %arg0 : i32
    %mul3A_1 = arith.constant 640 : i32
    %mul3A_2 = arith.muli %arg1, %mul3A_1 : i32
    %dma_start3A = arith.constant 0 : i32
    %dma_start3A_3 = arith.constant 0 : i32
    %dma_start3A_4 = tpu.memref_slice %arg2[%add3A, %dma_start3A, %dma_start3A_3] : memref<32x125x80xi32, #tpu.memory_space<hbm>> -> memref<1x125x80xi32, #tpu.memory_space<hbm>>
    %dma_start3A_5 = tpu.memref_squeeze %dma_start3A_4 : memref<1x125x80xi32, #tpu.memory_space<hbm>> -> memref<125x80xi32, #tpu.memory_space<hbm>>
    %dma_start3A_6 = arith.constant 0 : i32
    %dma_start3A_7 = arith.constant 0 : i32
    %dma_start3A_8 = tpu.memref_slice %arg2[%add3A, %dma_start3A_6, %dma_start3A_7] : memref<32x125x80xi32, #tpu.memory_space<hbm>> -> memref<1x125x80xi32, #tpu.memory_space<hbm>>
    %dma_start3A_9 = tpu.memref_squeeze %dma_start3A_8 : memref<1x125x80xi32, #tpu.memory_space<hbm>> -> memref<125x80xi32, #tpu.memory_space<hbm>>
    tpu.enqueue_dma source(%dma_start3A_9 : memref<125x80xi32, #tpu.memory_space<hbm>>) target(%arg5 : memref<125x80xi32, #tpu.memory_space<vmem>>) target_semaphore(%arg6 : memref<!tpu.dma_semaphore, #tpu.memory_space<semaphore_mem>>)
    %scan3A = arith.constant 0 : i32
    %scan3A_10 = arith.constant 0 : i32
    %scan3A_11 = arith.constant 5 : i32
    %scan3A_12 = arith.addi %scan3A_10, %scan3A_11 : i32
    %scan3A_13 = arith.constant 1 : i32
    scf.for %scan3A_75 = %scan3A_10 to %scan3A_12 step %scan3A_13  : i32 {
      %broadcast_in_dim3A = arith.constant 0.000000e+00 : f32
      %broadcast_in_dim3A_76 = vector.broadcast %broadcast_in_dim3A : f32 to vector<16xf32>
      %mul3A_77 = arith.constant 16 : i32
      %mul3A_78 = arith.muli %scan3A_75, %mul3A_77 : i32
      %swap3A = arith.index_cast %mul3A_78 : i32 to index
      %swap3A_79 = tpu.vector_load %arg4[%swap3A] {strides = array<i32>} : memref<80xf32, #tpu.memory_space<vmem>>, vector<16xf32>,
      %swap3A_80 = vector.shape_cast %swap3A_79 : vector<16xf32> to vector<16xf32>
      %swap3A_81 = vector.shape_cast %broadcast_in_dim3A_76 : vector<16xf32> to vector<16xf32>
      tpu.vector_store %arg4[%swap3A], %swap3A_81 {strides = array<i32>} : memref<80xf32, #tpu.memory_space<vmem>>, vector<16xf32>,
    }
    %scan3A_14 = arith.constant 5 : i32
    %add3A_15 = arith.constant 0 : i32
    %add3A_16 = arith.addi %mul3A_2, %add3A_15 : i32
    "tpu.region"() ({
      %run_scoped3A_75 = tpu.sem_alloc : memref<!tpu.dma_semaphore, #tpu.memory_space<semaphore_mem>>
      %dma_start3A_76 = tpu.memref_slice %arg11[%add3A_16] : memref<10240xf32, #tpu.memory_space<vmem_shared>> -> memref<80xf32, #tpu.memory_space<vmem_shared>>
      %dma_start3A_77 = tpu.memref_slice %arg11[%add3A_16] : memref<10240xf32, #tpu.memory_space<vmem_shared>> -> memref<80xf32, #tpu.memory_space<vmem_shared>>
      tpu.enqueue_dma source(%arg4 : memref<80xf32, #tpu.memory_space<vmem>>) target(%dma_start3A_77 : memref<80xf32, #tpu.memory_space<vmem_shared>>) target_semaphore(%run_scoped3A_75 : memref<!tpu.dma_semaphore, #tpu.memory_space<semaphore_mem>>)
      %dma_wait3A_78 = tpu.memref_slice %arg11[%add3A_16] : memref<10240xf32, #tpu.memory_space<vmem_shared>> -> memref<80xf32, #tpu.memory_space<vmem_shared>>
      %dma_wait3A_79 = tpu.memref_slice %arg11[%add3A_16] : memref<10240xf32, #tpu.memory_space<vmem_shared>> -> memref<80xf32, #tpu.memory_space<vmem_shared>>
      tpu.wait_dma2 semaphore(%run_scoped3A_75 : memref<!tpu.dma_semaphore, #tpu.memory_space<semaphore_mem>>) src(%arg4 : memref<80xf32, #tpu.memory_space<vmem>>) dst(%dma_wait3A_79 : memref<80xf32, #tpu.memory_space<vmem_shared>>)
      tpu.yield
    }) : () -> ()
    %add3A_17 = arith.constant 80 : i32
    %add3A_18 = arith.addi %mul3A_2, %add3A_17 : i32
    "tpu.region"() ({
      %run_scoped3A_75 = tpu.sem_alloc : memref<!tpu.dma_semaphore, #tpu.memory_space<semaphore_mem>>
      %dma_start3A_76 = tpu.memref_slice %arg11[%add3A_18] : memref<10240xf32, #tpu.memory_space<vmem_shared>> -> memref<80xf32, #tpu.memory_space<vmem_shared>>
      %dma_start3A_77 = tpu.memref_slice %arg11[%add3A_18] : memref<10240xf32, #tpu.memory_space<vmem_shared>> -> memref<80xf32, #tpu.memory_space<vmem_shared>>
      tpu.enqueue_dma source(%arg4 : memref<80xf32, #tpu.memory_space<vmem>>) target(%dma_start3A_77 : memref<80xf32, #tpu.memory_space<vmem_shared>>) target_semaphore(%run_scoped3A_75 : memref<!tpu.dma_semaphore, #tpu.memory_space<semaphore_mem>>)
      %dma_wait3A_78 = tpu.memref_slice %arg11[%add3A_18] : memref<10240xf32, #tpu.memory_space<vmem_shared>> -> memref<80xf32, #tpu.memory_space<vmem_shared>>
      %dma_wait3A_79 = tpu.memref_slice %arg11[%add3A_18] : memref<10240xf32, #tpu.memory_space<vmem_shared>> -> memref<80xf32, #tpu.memory_space<vmem_shared>>
      tpu.wait_dma2 semaphore(%run_scoped3A_75 : memref<!tpu.dma_semaphore, #tpu.memory_space<semaphore_mem>>) src(%arg4 : memref<80xf32, #tpu.memory_space<vmem>>) dst(%dma_wait3A_79 : memref<80xf32, #tpu.memory_space<vmem_shared>>)
      tpu.yield
    }) : () -> ()
    %add3A_19 = arith.constant 160 : i32
    %add3A_20 = arith.addi %mul3A_2, %add3A_19 : i32
    "tpu.region"() ({
      %run_scoped3A_75 = tpu.sem_alloc : memref<!tpu.dma_semaphore, #tpu.memory_space<semaphore_mem>>
      %dma_start3A_76 = tpu.memref_slice %arg11[%add3A_20] : memref<10240xf32, #tpu.memory_space<vmem_shared>> -> memref<80xf32, #tpu.memory_space<vmem_shared>>
      %dma_start3A_77 = tpu.memref_slice %arg11[%add3A_20] : memref<10240xf32, #tpu.memory_space<vmem_shared>> -> memref<80xf32, #tpu.memory_space<vmem_shared>>
      tpu.enqueue_dma source(%arg4 : memref<80xf32, #tpu.memory_space<vmem>>) target(%dma_start3A_77 : memref<80xf32, #tpu.memory_space<vmem_shared>>) target_semaphore(%run_scoped3A_75 : memref<!tpu.dma_semaphore, #tpu.memory_space<semaphore_mem>>)
      %dma_wait3A_78 = tpu.memref_slice %arg11[%add3A_20] : memref<10240xf32, #tpu.memory_space<vmem_shared>> -> memref<80xf32, #tpu.memory_space<vmem_shared>>
      %dma_wait3A_79 = tpu.memref_slice %arg11[%add3A_20] : memref<10240xf32, #tpu.memory_space<vmem_shared>> -> memref<80xf32, #tpu.memory_space<vmem_shared>>
      tpu.wait_dma2 semaphore(%run_scoped3A_75 : memref<!tpu.dma_semaphore, #tpu.memory_space<semaphore_mem>>) src(%arg4 : memref<80xf32, #tpu.memory_space<vmem>>) dst(%dma_wait3A_79 : memref<80xf32, #tpu.memory_space<vmem_shared>>)
      tpu.yield
    }) : () -> ()
    %add3A_21 = arith.constant 240 : i32
    %add3A_22 = arith.addi %mul3A_2, %add3A_21 : i32
    "tpu.region"() ({
      %run_scoped3A_75 = tpu.sem_alloc : memref<!tpu.dma_semaphore, #tpu.memory_space<semaphore_mem>>
      %dma_start3A_76 = tpu.memref_slice %arg11[%add3A_22] : memref<10240xf32, #tpu.memory_space<vmem_shared>> -> memref<80xf32, #tpu.memory_space<vmem_shared>>
      %dma_start3A_77 = tpu.memref_slice %arg11[%add3A_22] : memref<10240xf32, #tpu.memory_space<vmem_shared>> -> memref<80xf32, #tpu.memory_space<vmem_shared>>
      tpu.enqueue_dma source(%arg4 : memref<80xf32, #tpu.memory_space<vmem>>) target(%dma_start3A_77 : memref<80xf32, #tpu.memory_space<vmem_shared>>) target_semaphore(%run_scoped3A_75 : memref<!tpu.dma_semaphore, #tpu.memory_space<semaphore_mem>>)
      %dma_wait3A_78 = tpu.memref_slice %arg11[%add3A_22] : memref<10240xf32, #tpu.memory_space<vmem_shared>> -> memref<80xf32, #tpu.memory_space<vmem_shared>>
      %dma_wait3A_79 = tpu.memref_slice %arg11[%add3A_22] : memref<10240xf32, #tpu.memory_space<vmem_shared>> -> memref<80xf32, #tpu.memory_space<vmem_shared>>
      tpu.wait_dma2 semaphore(%run_scoped3A_75 : memref<!tpu.dma_semaphore, #tpu.memory_space<semaphore_mem>>) src(%arg4 : memref<80xf32, #tpu.memory_space<vmem>>) dst(%dma_wait3A_79 : memref<80xf32, #tpu.memory_space<vmem_shared>>)
      tpu.yield
    }) : () -> ()
    %add3A_23 = arith.constant 320 : i32
    %add3A_24 = arith.addi %mul3A_2, %add3A_23 : i32
    "tpu.region"() ({
      %run_scoped3A_75 = tpu.sem_alloc : memref<!tpu.dma_semaphore, #tpu.memory_space<semaphore_mem>>
      %dma_start3A_76 = tpu.memref_slice %arg11[%add3A_24] : memref<10240xf32, #tpu.memory_space<vmem_shared>> -> memref<80xf32, #tpu.memory_space<vmem_shared>>
      %dma_start3A_77 = tpu.memref_slice %arg11[%add3A_24] : memref<10240xf32, #tpu.memory_space<vmem_shared>> -> memref<80xf32, #tpu.memory_space<vmem_shared>>
      tpu.enqueue_dma source(%arg4 : memref<80xf32, #tpu.memory_space<vmem>>) target(%dma_start3A_77 : memref<80xf32, #tpu.memory_space<vmem_shared>>) target_semaphore(%run_scoped3A_75 : memref<!tpu.dma_semaphore, #tpu.memory_space<semaphore_mem>>)
      %dma_wait3A_78 = tpu.memref_slice %arg11[%add3A_24] : memref<10240xf32, #tpu.memory_space<vmem_shared>> -> memref<80xf32, #tpu.memory_space<vmem_shared>>
      %dma_wait3A_79 = tpu.memref_slice %arg11[%add3A_24] : memref<10240xf32, #tpu.memory_space<vmem_shared>> -> memref<80xf32, #tpu.memory_space<vmem_shared>>
      tpu.wait_dma2 semaphore(%run_scoped3A_75 : memref<!tpu.dma_semaphore, #tpu.memory_space<semaphore_mem>>) src(%arg4 : memref<80xf32, #tpu.memory_space<vmem>>) dst(%dma_wait3A_79 : memref<80xf32, #tpu.memory_space<vmem_shared>>)
      tpu.yield
    }) : () -> ()
    %add3A_25 = arith.constant 400 : i32
    %add3A_26 = arith.addi %mul3A_2, %add3A_25 : i32
    "tpu.region"() ({
      %run_scoped3A_75 = tpu.sem_alloc : memref<!tpu.dma_semaphore, #tpu.memory_space<semaphore_mem>>
      %dma_start3A_76 = tpu.memref_slice %arg11[%add3A_26] : memref<10240xf32, #tpu.memory_space<vmem_shared>> -> memref<80xf32, #tpu.memory_space<vmem_shared>>
      %dma_start3A_77 = tpu.memref_slice %arg11[%add3A_26] : memref<10240xf32, #tpu.memory_space<vmem_shared>> -> memref<80xf32, #tpu.memory_space<vmem_shared>>
      tpu.enqueue_dma source(%arg4 : memref<80xf32, #tpu.memory_space<vmem>>) target(%dma_start3A_77 : memref<80xf32, #tpu.memory_space<vmem_shared>>) target_semaphore(%run_scoped3A_75 : memref<!tpu.dma_semaphore, #tpu.memory_space<semaphore_mem>>)
      %dma_wait3A_78 = tpu.memref_slice %arg11[%add3A_26] : memref<10240xf32, #tpu.memory_space<vmem_shared>> -> memref<80xf32, #tpu.memory_space<vmem_shared>>
      %dma_wait3A_79 = tpu.memref_slice %arg11[%add3A_26] : memref<10240xf32, #tpu.memory_space<vmem_shared>> -> memref<80xf32, #tpu.memory_space<vmem_shared>>
      tpu.wait_dma2 semaphore(%run_scoped3A_75 : memref<!tpu.dma_semaphore, #tpu.memory_space<semaphore_mem>>) src(%arg4 : memref<80xf32, #tpu.memory_space<vmem>>) dst(%dma_wait3A_79 : memref<80xf32, #tpu.memory_space<vmem_shared>>)
      tpu.yield
    }) : () -> ()
    %add3A_27 = arith.constant 480 : i32
    %add3A_28 = arith.addi %mul3A_2, %add3A_27 : i32
    "tpu.region"() ({
      %run_scoped3A_75 = tpu.sem_alloc : memref<!tpu.dma_semaphore, #tpu.memory_space<semaphore_mem>>
      %dma_start3A_76 = tpu.memref_slice %arg11[%add3A_28] : memref<10240xf32, #tpu.memory_space<vmem_shared>> -> memref<80xf32, #tpu.memory_space<vmem_shared>>
      %dma_start3A_77 = tpu.memref_slice %arg11[%add3A_28] : memref<10240xf32, #tpu.memory_space<vmem_shared>> -> memref<80xf32, #tpu.memory_space<vmem_shared>>
      tpu.enqueue_dma source(%arg4 : memref<80xf32, #tpu.memory_space<vmem>>) target(%dma_start3A_77 : memref<80xf32, #tpu.memory_space<vmem_shared>>) target_semaphore(%run_scoped3A_75 : memref<!tpu.dma_semaphore, #tpu.memory_space<semaphore_mem>>)
      %dma_wait3A_78 = tpu.memref_slice %arg11[%add3A_28] : memref<10240xf32, #tpu.memory_space<vmem_shared>> -> memref<80xf32, #tpu.memory_space<vmem_shared>>
      %dma_wait3A_79 = tpu.memref_slice %arg11[%add3A_28] : memref<10240xf32, #tpu.memory_space<vmem_shared>> -> memref<80xf32, #tpu.memory_space<vmem_shared>>
      tpu.wait_dma2 semaphore(%run_scoped3A_75 : memref<!tpu.dma_semaphore, #tpu.memory_space<semaphore_mem>>) src(%arg4 : memref<80xf32, #tpu.memory_space<vmem>>) dst(%dma_wait3A_79 : memref<80xf32, #tpu.memory_space<vmem_shared>>)
      tpu.yield
    }) : () -> ()
    %add3A_29 = arith.constant 560 : i32
    %add3A_30 = arith.addi %mul3A_2, %add3A_29 : i32
    "tpu.region"() ({
      %run_scoped3A_75 = tpu.sem_alloc : memref<!tpu.dma_semaphore, #tpu.memory_space<semaphore_mem>>
      %dma_start3A_76 = tpu.memref_slice %arg11[%add3A_30] : memref<10240xf32, #tpu.memory_space<vmem_shared>> -> memref<80xf32, #tpu.memory_space<vmem_shared>>
      %dma_start3A_77 = tpu.memref_slice %arg11[%add3A_30] : memref<10240xf32, #tpu.memory_space<vmem_shared>> -> memref<80xf32, #tpu.memory_space<vmem_shared>>
      tpu.enqueue_dma source(%arg4 : memref<80xf32, #tpu.memory_space<vmem>>) target(%dma_start3A_77 : memref<80xf32, #tpu.memory_space<vmem_shared>>) target_semaphore(%run_scoped3A_75 : memref<!tpu.dma_semaphore, #tpu.memory_space<semaphore_mem>>)
      %dma_wait3A_78 = tpu.memref_slice %arg11[%add3A_30] : memref<10240xf32, #tpu.memory_space<vmem_shared>> -> memref<80xf32, #tpu.memory_space<vmem_shared>>
      %dma_wait3A_79 = tpu.memref_slice %arg11[%add3A_30] : memref<10240xf32, #tpu.memory_space<vmem_shared>> -> memref<80xf32, #tpu.memory_space<vmem_shared>>
      tpu.wait_dma2 semaphore(%run_scoped3A_75 : memref<!tpu.dma_semaphore, #tpu.memory_space<semaphore_mem>>) src(%arg4 : memref<80xf32, #tpu.memory_space<vmem>>) dst(%dma_wait3A_79 : memref<80xf32, #tpu.memory_space<vmem_shared>>)
      tpu.yield
    }) : () -> ()
    %scan3A_31 = arith.constant 0 : i32
    %scan3A_32 = arith.constant 0 : i32
    %scan3A_33 = arith.constant 5 : i32
    %scan3A_34 = arith.addi %scan3A_32, %scan3A_33 : i32
    %scan3A_35 = arith.constant 1 : i32
    scf.for %scan3A_75 = %scan3A_32 to %scan3A_34 step %scan3A_35  : i32 {
      %broadcast_in_dim3A = arith.constant 1.000000e+00 : f32
      %broadcast_in_dim3A_76 = vector.broadcast %broadcast_in_dim3A : f32 to vector<16xf32>
      %mul3A_77 = arith.constant 16 : i32
      %mul3A_78 = arith.muli %scan3A_75, %mul3A_77 : i32
      %swap3A = arith.index_cast %mul3A_78 : i32 to index
      %swap3A_79 = tpu.vector_load %arg4[%swap3A] {strides = array<i32>} : memref<80xf32, #tpu.memory_space<vmem>>, vector<16xf32>,
      %swap3A_80 = vector.shape_cast %swap3A_79 : vector<16xf32> to vector<16xf32>
      %swap3A_81 = vector.shape_cast %broadcast_in_dim3A_76 : vector<16xf32> to vector<16xf32>
      tpu.vector_store %arg4[%swap3A], %swap3A_81 {strides = array<i32>} : memref<80xf32, #tpu.memory_space<vmem>>, vector<16xf32>,
    }
    %scan3A_36 = arith.constant 5 : i32
    %dma_wait3A = arith.constant 0 : i32
    %dma_wait3A_37 = arith.constant 0 : i32
    %dma_wait3A_38 = tpu.memref_slice %arg2[%add3A, %dma_wait3A, %dma_wait3A_37] : memref<32x125x80xi32, #tpu.memory_space<hbm>> -> memref<1x125x80xi32, #tpu.memory_space<hbm>>
    %dma_wait3A_39 = tpu.memref_squeeze %dma_wait3A_38 : memref<1x125x80xi32, #tpu.memory_space<hbm>> -> memref<125x80xi32, #tpu.memory_space<hbm>>
    %dma_wait3A_40 = arith.constant 0 : i32
    %dma_wait3A_41 = arith.constant 0 : i32
    %dma_wait3A_42 = tpu.memref_slice %arg2[%add3A, %dma_wait3A_40, %dma_wait3A_41] : memref<32x125x80xi32, #tpu.memory_space<hbm>> -> memref<1x125x80xi32, #tpu.memory_space<hbm>>
    %dma_wait3A_43 = tpu.memref_squeeze %dma_wait3A_42 : memref<1x125x80xi32, #tpu.memory_space<hbm>> -> memref<125x80xi32, #tpu.memory_space<hbm>>
    tpu.wait_dma2 semaphore(%arg6 : memref<!tpu.dma_semaphore, #tpu.memory_space<semaphore_mem>>) src(%dma_wait3A_43 : memref<125x80xi32, #tpu.memory_space<hbm>>) dst(%arg5 : memref<125x80xi32, #tpu.memory_space<vmem>>)
    %barrier3A = arith.constant 0 : index
    tpu.barrier barrier_id(%barrier3A)
    %scan3A_44 = arith.constant 0 : i32
    %scan3A_45 = arith.constant 0 : i32
    %scan3A_46 = arith.constant 31 : i32
    %scan3A_47 = arith.addi %scan3A_45, %scan3A_46 : i32
    %scan3A_48 = arith.constant 1 : i32
    scf.for %scan3A_75 = %scan3A_45 to %scan3A_47 step %scan3A_48  : i32 {
      %gt3A = arith.constant 0 : i32
      %gt3A_76 = arith.cmpi sgt, %scan3A_75, %gt3A : i32
      %convert_element_type3A = arith.extui %gt3A_76 : i1 to i32
      %cond3A = arith.constant 0 : i32
      %cond3A_77 = arith.cmpi ne, %convert_element_type3A, %cond3A : i32
      scf.if %cond3A_77 {
        %dma_wait3A_129 = arith.constant 0 : i32
        %dma_wait3A_130 = arith.constant 0 : i32
        %dma_wait3A_131 = tpu.memref_slice %arg5[%dma_wait3A_129, %dma_wait3A_130] : memref<125x80xi32, #tpu.memory_space<vmem>> -> memref<1x80xi32, #tpu.memory_space<vmem>>
        %dma_wait3A_132 = tpu.memref_squeeze %dma_wait3A_131 : memref<1x80xi32, #tpu.memory_space<vmem>> -> memref<80xi32, #tpu.memory_space<vmem>>
        %dma_wait3A_133 = arith.constant 0 : i32
        %dma_wait3A_134 = tpu.memref_slice %arg11[%dma_wait3A_133] : memref<10240xf32, #tpu.memory_space<vmem_shared>> -> memref<10240xf32, #tpu.memory_space<vmem_shared>>
        tpu.wait_indirect_dma semaphore(%arg7 : memref<!tpu.dma_semaphore, #tpu.memory_space<semaphore_mem>>) src(%arg4 : memref<80xf32, #tpu.memory_space<vmem>>) dst(%dma_wait3A_134 : memref<10240xf32, #tpu.memory_space<vmem_shared>>)
      } else {
      }
      %mul3A_78 = arith.constant 4 : i32
      %mul3A_79 = arith.muli %scan3A_75, %mul3A_78 : i32
      %add3A_80 = arith.constant 0 : i32
      %add3A_81 = arith.addi %mul3A_79, %add3A_80 : i32
      %dma_start3A_82 = arith.constant 0 : i32
      %dma_start3A_83 = tpu.memref_slice %arg5[%add3A_81, %dma_start3A_82] : memref<125x80xi32, #tpu.memory_space<vmem>> -> memref<1x80xi32, #tpu.memory_space<vmem>>
      %dma_start3A_84 = tpu.memref_squeeze %dma_start3A_83 : memref<1x80xi32, #tpu.memory_space<vmem>> -> memref<80xi32, #tpu.memory_space<vmem>>
      %dma_start3A_85 = arith.constant 0 : i32
      %dma_start3A_86 = tpu.memref_slice %arg11[%dma_start3A_85] : memref<10240xf32, #tpu.memory_space<vmem_shared>> -> memref<10240xf32, #tpu.memory_space<vmem_shared>>
      tpu.enqueue_indirect_dma source(%arg4 : memref<80xf32, #tpu.memory_space<vmem>>) target(%dma_start3A_86 : memref<10240xf32, #tpu.memory_space<vmem_shared>>) offsets(%dma_start3A_84 : memref<80xi32, #tpu.memory_space<vmem>>) semaphore(%arg7 : memref<!tpu.dma_semaphore, #tpu.memory_space<semaphore_mem>>) {add = true}
      %gt3A_87 = arith.constant 0 : i32
      %gt3A_88 = arith.cmpi sgt, %scan3A_75, %gt3A_87 : i32
      %convert_element_type3A_89 = arith.extui %gt3A_88 : i1 to i32
      %cond3A_90 = arith.constant 0 : i32
      %cond3A_91 = arith.cmpi ne, %convert_element_type3A_89, %cond3A_90 : i32
      scf.if %cond3A_91 {
        %dma_wait3A_129 = arith.constant 0 : i32
        %dma_wait3A_130 = arith.constant 0 : i32
        %dma_wait3A_131 = tpu.memref_slice %arg5[%dma_wait3A_129, %dma_wait3A_130] : memref<125x80xi32, #tpu.memory_space<vmem>> -> memref<1x80xi32, #tpu.memory_space<vmem>>
        %dma_wait3A_132 = tpu.memref_squeeze %dma_wait3A_131 : memref<1x80xi32, #tpu.memory_space<vmem>> -> memref<80xi32, #tpu.memory_space<vmem>>
        %dma_wait3A_133 = arith.constant 0 : i32
        %dma_wait3A_134 = tpu.memref_slice %arg11[%dma_wait3A_133] : memref<10240xf32, #tpu.memory_space<vmem_shared>> -> memref<10240xf32, #tpu.memory_space<vmem_shared>>
        tpu.wait_indirect_dma semaphore(%arg8 : memref<!tpu.dma_semaphore, #tpu.memory_space<semaphore_mem>>) src(%arg4 : memref<80xf32, #tpu.memory_space<vmem>>) dst(%dma_wait3A_134 : memref<10240xf32, #tpu.memory_space<vmem_shared>>)
      } else {
      }
      %mul3A_92 = arith.constant 4 : i32
      %mul3A_93 = arith.muli %scan3A_75, %mul3A_92 : i32
      %add3A_94 = arith.constant 1 : i32
      %add3A_95 = arith.addi %mul3A_93, %add3A_94 : i32
      %dma_start3A_96 = arith.constant 0 : i32
      %dma_start3A_97 = tpu.memref_slice %arg5[%add3A_95, %dma_start3A_96] : memref<125x80xi32, #tpu.memory_space<vmem>> -> memref<1x80xi32, #tpu.memory_space<vmem>>
      %dma_start3A_98 = tpu.memref_squeeze %dma_start3A_97 : memref<1x80xi32, #tpu.memory_space<vmem>> -> memref<80xi32, #tpu.memory_space<vmem>>
      %dma_start3A_99 = arith.constant 0 : i32
      %dma_start3A_100 = tpu.memref_slice %arg11[%dma_start3A_99] : memref<10240xf32, #tpu.memory_space<vmem_shared>> -> memref<10240xf32, #tpu.memory_space<vmem_shared>>
      tpu.enqueue_indirect_dma source(%arg4 : memref<80xf32, #tpu.memory_space<vmem>>) target(%dma_start3A_100 : memref<10240xf32, #tpu.memory_space<vmem_shared>>) offsets(%dma_start3A_98 : memref<80xi32, #tpu.memory_space<vmem>>) semaphore(%arg8 : memref<!tpu.dma_semaphore, #tpu.memory_space<semaphore_mem>>) {add = true}
      %gt3A_101 = arith.constant 0 : i32
      %gt3A_102 = arith.cmpi sgt, %scan3A_75, %gt3A_101 : i32
      %convert_element_type3A_103 = arith.extui %gt3A_102 : i1 to i32
      %cond3A_104 = arith.constant 0 : i32
      %cond3A_105 = arith.cmpi ne, %convert_element_type3A_103, %cond3A_104 : i32
      scf.if %cond3A_105 {
        %dma_wait3A_129 = arith.constant 0 : i32
        %dma_wait3A_130 = arith.constant 0 : i32
        %dma_wait3A_131 = tpu.memref_slice %arg5[%dma_wait3A_129, %dma_wait3A_130] : memref<125x80xi32, #tpu.memory_space<vmem>> -> memref<1x80xi32, #tpu.memory_space<vmem>>
        %dma_wait3A_132 = tpu.memref_squeeze %dma_wait3A_131 : memref<1x80xi32, #tpu.memory_space<vmem>> -> memref<80xi32, #tpu.memory_space<vmem>>
        %dma_wait3A_133 = arith.constant 0 : i32
        %dma_wait3A_134 = tpu.memref_slice %arg11[%dma_wait3A_133] : memref<10240xf32, #tpu.memory_space<vmem_shared>> -> memref<10240xf32, #tpu.memory_space<vmem_shared>>
        tpu.wait_indirect_dma semaphore(%arg9 : memref<!tpu.dma_semaphore, #tpu.memory_space<semaphore_mem>>) src(%arg4 : memref<80xf32, #tpu.memory_space<vmem>>) dst(%dma_wait3A_134 : memref<10240xf32, #tpu.memory_space<vmem_shared>>)
      } else {
      }
      %mul3A_106 = arith.constant 4 : i32
      %mul3A_107 = arith.muli %scan3A_75, %mul3A_106 : i32
      %add3A_108 = arith.constant 2 : i32
      %add3A_109 = arith.addi %mul3A_107, %add3A_108 : i32
      %dma_start3A_110 = arith.constant 0 : i32
      %dma_start3A_111 = tpu.memref_slice %arg5[%add3A_109, %dma_start3A_110] : memref<125x80xi32, #tpu.memory_space<vmem>> -> memref<1x80xi32, #tpu.memory_space<vmem>>
      %dma_start3A_112 = tpu.memref_squeeze %dma_start3A_111 : memref<1x80xi32, #tpu.memory_space<vmem>> -> memref<80xi32, #tpu.memory_space<vmem>>
      %dma_start3A_113 = arith.constant 0 : i32
      %dma_start3A_114 = tpu.memref_slice %arg11[%dma_start3A_113] : memref<10240xf32, #tpu.memory_space<vmem_shared>> -> memref<10240xf32, #tpu.memory_space<vmem_shared>>
      tpu.enqueue_indirect_dma source(%arg4 : memref<80xf32, #tpu.memory_space<vmem>>) target(%dma_start3A_114 : memref<10240xf32, #tpu.memory_space<vmem_shared>>) offsets(%dma_start3A_112 : memref<80xi32, #tpu.memory_space<vmem>>) semaphore(%arg9 : memref<!tpu.dma_semaphore, #tpu.memory_space<semaphore_mem>>) {add = true}
      %gt3A_115 = arith.constant 0 : i32
      %gt3A_116 = arith.cmpi sgt, %scan3A_75, %gt3A_115 : i32
      %convert_element_type3A_117 = arith.extui %gt3A_116 : i1 to i32
      %cond3A_118 = arith.constant 0 : i32
      %cond3A_119 = arith.cmpi ne, %convert_element_type3A_117, %cond3A_118 : i32
      scf.if %cond3A_119 {
        %dma_wait3A_129 = arith.constant 0 : i32
        %dma_wait3A_130 = arith.constant 0 : i32
        %dma_wait3A_131 = tpu.memref_slice %arg5[%dma_wait3A_129, %dma_wait3A_130] : memref<125x80xi32, #tpu.memory_space<vmem>> -> memref<1x80xi32, #tpu.memory_space<vmem>>
        %dma_wait3A_132 = tpu.memref_squeeze %dma_wait3A_131 : memref<1x80xi32, #tpu.memory_space<vmem>> -> memref<80xi32, #tpu.memory_space<vmem>>
        %dma_wait3A_133 = arith.constant 0 : i32
        %dma_wait3A_134 = tpu.memref_slice %arg11[%dma_wait3A_133] : memref<10240xf32, #tpu.memory_space<vmem_shared>> -> memref<10240xf32, #tpu.memory_space<vmem_shared>>
        tpu.wait_indirect_dma semaphore(%arg10 : memref<!tpu.dma_semaphore, #tpu.memory_space<semaphore_mem>>) src(%arg4 : memref<80xf32, #tpu.memory_space<vmem>>) dst(%dma_wait3A_134 : memref<10240xf32, #tpu.memory_space<vmem_shared>>)
      } else {
      }
      %mul3A_120 = arith.constant 4 : i32
      %mul3A_121 = arith.muli %scan3A_75, %mul3A_120 : i32
      %add3A_122 = arith.constant 3 : i32
      %add3A_123 = arith.addi %mul3A_121, %add3A_122 : i32
      %dma_start3A_124 = arith.constant 0 : i32
      %dma_start3A_125 = tpu.memref_slice %arg5[%add3A_123, %dma_start3A_124] : memref<125x80xi32, #tpu.memory_space<vmem>> -> memref<1x80xi32, #tpu.memory_space<vmem>>
      %dma_start3A_126 = tpu.memref_squeeze %dma_start3A_125 : memref<1x80xi32, #tpu.memory_space<vmem>> -> memref<80xi32, #tpu.memory_space<vmem>>
      %dma_start3A_127 = arith.constant 0 : i32
      %dma_start3A_128 = tpu.memref_slice %arg11[%dma_start3A_127] : memref<10240xf32, #tpu.memory_space<vmem_shared>> -> memref<10240xf32, #tpu.memory_space<vmem_shared>>
      tpu.enqueue_indirect_dma source(%arg4 : memref<80xf32, #tpu.memory_space<vmem>>) target(%dma_start3A_128 : memref<10240xf32, #tpu.memory_space<vmem_shared>>) offsets(%dma_start3A_126 : memref<80xi32, #tpu.memory_space<vmem>>) semaphore(%arg10 : memref<!tpu.dma_semaphore, #tpu.memory_space<semaphore_mem>>) {add = true}
    }
    %scan3A_49 = arith.constant 31 : i32
    %dma_wait3A_50 = arith.constant 0 : i32
    %dma_wait3A_51 = arith.constant 0 : i32
    %dma_wait3A_52 = tpu.memref_slice %arg5[%dma_wait3A_50, %dma_wait3A_51] : memref<125x80xi32, #tpu.memory_space<vmem>> -> memref<1x80xi32, #tpu.memory_space<vmem>>
    %dma_wait3A_53 = tpu.memref_squeeze %dma_wait3A_52 : memref<1x80xi32, #tpu.memory_space<vmem>> -> memref<80xi32, #tpu.memory_space<vmem>>
    %dma_wait3A_54 = arith.constant 0 : i32
    %dma_wait3A_55 = tpu.memref_slice %arg11[%dma_wait3A_54] : memref<10240xf32, #tpu.memory_space<vmem_shared>> -> memref<10240xf32, #tpu.memory_space<vmem_shared>>
    tpu.wait_indirect_dma semaphore(%arg7 : memref<!tpu.dma_semaphore, #tpu.memory_space<semaphore_mem>>) src(%arg4 : memref<80xf32, #tpu.memory_space<vmem>>) dst(%dma_wait3A_55 : memref<10240xf32, #tpu.memory_space<vmem_shared>>)
    %dma_wait3A_56 = arith.constant 0 : i32
    %dma_wait3A_57 = arith.constant 0 : i32
    %dma_wait3A_58 = tpu.memref_slice %arg5[%dma_wait3A_56, %dma_wait3A_57] : memref<125x80xi32, #tpu.memory_space<vmem>> -> memref<1x80xi32, #tpu.memory_space<vmem>>
    %dma_wait3A_59 = tpu.memref_squeeze %dma_wait3A_58 : memref<1x80xi32, #tpu.memory_space<vmem>> -> memref<80xi32, #tpu.memory_space<vmem>>
    %dma_wait3A_60 = arith.constant 0 : i32
    %dma_wait3A_61 = tpu.memref_slice %arg11[%dma_wait3A_60] : memref<10240xf32, #tpu.memory_space<vmem_shared>> -> memref<10240xf32, #tpu.memory_space<vmem_shared>>
    tpu.wait_indirect_dma semaphore(%arg8 : memref<!tpu.dma_semaphore, #tpu.memory_space<semaphore_mem>>) src(%arg4 : memref<80xf32, #tpu.memory_space<vmem>>) dst(%dma_wait3A_61 : memref<10240xf32, #tpu.memory_space<vmem_shared>>)
    %dma_wait3A_62 = arith.constant 0 : i32
    %dma_wait3A_63 = arith.constant 0 : i32
    %dma_wait3A_64 = tpu.memref_slice %arg5[%dma_wait3A_62, %dma_wait3A_63] : memref<125x80xi32, #tpu.memory_space<vmem>> -> memref<1x80xi32, #tpu.memory_space<vmem>>
    %dma_wait3A_65 = tpu.memref_squeeze %dma_wait3A_64 : memref<1x80xi32, #tpu.memory_space<vmem>> -> memref<80xi32, #tpu.memory_space<vmem>>
    %dma_wait3A_66 = arith.constant 0 : i32
    %dma_wait3A_67 = tpu.memref_slice %arg11[%dma_wait3A_66] : memref<10240xf32, #tpu.memory_space<vmem_shared>> -> memref<10240xf32, #tpu.memory_space<vmem_shared>>
    tpu.wait_indirect_dma semaphore(%arg9 : memref<!tpu.dma_semaphore, #tpu.memory_space<semaphore_mem>>) src(%arg4 : memref<80xf32, #tpu.memory_space<vmem>>) dst(%dma_wait3A_67 : memref<10240xf32, #tpu.memory_space<vmem_shared>>)
    %dma_wait3A_68 = arith.constant 0 : i32
    %dma_wait3A_69 = arith.constant 0 : i32
    %dma_wait3A_70 = tpu.memref_slice %arg5[%dma_wait3A_68, %dma_wait3A_69] : memref<125x80xi32, #tpu.memory_space<vmem>> -> memref<1x80xi32, #tpu.memory_space<vmem>>
    %dma_wait3A_71 = tpu.memref_squeeze %dma_wait3A_70 : memref<1x80xi32, #tpu.memory_space<vmem>> -> memref<80xi32, #tpu.memory_space<vmem>>
    %dma_wait3A_72 = arith.constant 0 : i32
    %dma_wait3A_73 = tpu.memref_slice %arg11[%dma_wait3A_72] : memref<10240xf32, #tpu.memory_space<vmem_shared>> -> memref<10240xf32, #tpu.memory_space<vmem_shared>>
    tpu.wait_indirect_dma semaphore(%arg10 : memref<!tpu.dma_semaphore, #tpu.memory_space<semaphore_mem>>) src(%arg4 : memref<80xf32, #tpu.memory_space<vmem>>) dst(%dma_wait3A_73 : memref<10240xf32, #tpu.memory_space<vmem_shared>>)
    %run_scoped3A = arith.constant 124 : i32
    "tpu.region"() ({
      %run_scoped3A_75 = tpu.sem_alloc : memref<!tpu.dma_semaphore, #tpu.memory_space<semaphore_mem>>
      %dma_start3A_76 = arith.constant 0 : i32
      %dma_start3A_77 = tpu.memref_slice %arg5[%run_scoped3A, %dma_start3A_76] : memref<125x80xi32, #tpu.memory_space<vmem>> -> memref<1x80xi32, #tpu.memory_space<vmem>>
      %dma_start3A_78 = tpu.memref_squeeze %dma_start3A_77 : memref<1x80xi32, #tpu.memory_space<vmem>> -> memref<80xi32, #tpu.memory_space<vmem>>
      %dma_start3A_79 = arith.constant 0 : i32
      %dma_start3A_80 = tpu.memref_slice %arg11[%dma_start3A_79] : memref<10240xf32, #tpu.memory_space<vmem_shared>> -> memref<10240xf32, #tpu.memory_space<vmem_shared>>
      tpu.enqueue_indirect_dma source(%arg4 : memref<80xf32, #tpu.memory_space<vmem>>) target(%dma_start3A_80 : memref<10240xf32, #tpu.memory_space<vmem_shared>>) offsets(%dma_start3A_78 : memref<80xi32, #tpu.memory_space<vmem>>) semaphore(%run_scoped3A_75 : memref<!tpu.dma_semaphore, #tpu.memory_space<semaphore_mem>>) {add = true}
      %dma_wait3A_81 = arith.constant 0 : i32
      %dma_wait3A_82 = tpu.memref_slice %arg5[%run_scoped3A, %dma_wait3A_81] : memref<125x80xi32, #tpu.memory_space<vmem>> -> memref<1x80xi32, #tpu.memory_space<vmem>>
      %dma_wait3A_83 = tpu.memref_squeeze %dma_wait3A_82 : memref<1x80xi32, #tpu.memory_space<vmem>> -> memref<80xi32, #tpu.memory_space<vmem>>
      %dma_wait3A_84 = arith.constant 0 : i32
      %dma_wait3A_85 = tpu.memref_slice %arg11[%dma_wait3A_84] : memref<10240xf32, #tpu.memory_space<vmem_shared>> -> memref<10240xf32, #tpu.memory_space<vmem_shared>>
      tpu.wait_indirect_dma semaphore(%run_scoped3A_75 : memref<!tpu.dma_semaphore, #tpu.memory_space<semaphore_mem>>) src(%arg4 : memref<80xf32, #tpu.memory_space<vmem>>) dst(%dma_wait3A_85 : memref<10240xf32, #tpu.memory_space<vmem_shared>>)
      tpu.yield
    }) : () -> ()
    %barrier3A_74 = arith.constant 0 : index
    tpu.barrier barrier_id(%barrier3A_74)
    "tpu.region"() ({
      %run_scoped3A_75 = tpu.sem_alloc : memref<!tpu.dma_semaphore, #tpu.memory_space<semaphore_mem>>
      %dma_start3A_76 = tpu.memref_slice %arg3[%arg0, %mul3A_2] : memref<2x10240xf32, #tpu.memory_space<hbm>> -> memref<1x640xf32, #tpu.memory_space<hbm>>
      %dma_start3A_77 = tpu.memref_squeeze %dma_start3A_76 : memref<1x640xf32, #tpu.memory_space<hbm>> -> memref<640xf32, #tpu.memory_space<hbm>>
      %dma_start3A_78 = tpu.memref_slice %arg11[%mul3A_2] : memref<10240xf32, #tpu.memory_space<vmem_shared>> -> memref<640xf32, #tpu.memory_space<vmem_shared>>
      tpu.enqueue_dma source(%dma_start3A_78 : memref<640xf32, #tpu.memory_space<vmem_shared>>) target(%dma_start3A_77 : memref<640xf32, #tpu.memory_space<hbm>>) target_semaphore(%run_scoped3A_75 : memref<!tpu.dma_semaphore, #tpu.memory_space<semaphore_mem>>)
      %dma_wait3A_79 = tpu.memref_slice %arg3[%arg0, %mul3A_2] : memref<2x10240xf32, #tpu.memory_space<hbm>> -> memref<1x640xf32, #tpu.memory_space<hbm>>
      %dma_wait3A_80 = tpu.memref_squeeze %dma_wait3A_79 : memref<1x640xf32, #tpu.memory_space<hbm>> -> memref<640xf32, #tpu.memory_space<hbm>>
      %dma_wait3A_81 = tpu.memref_slice %arg11[%mul3A_2] : memref<10240xf32, #tpu.memory_space<vmem_shared>> -> memref<640xf32, #tpu.memory_space<vmem_shared>>
      tpu.wait_dma2 semaphore(%run_scoped3A_75 : memref<!tpu.dma_semaphore, #tpu.memory_space<semaphore_mem>>) src(%dma_wait3A_81 : memref<640xf32, #tpu.memory_space<vmem_shared>>) dst(%dma_wait3A_80 : memref<640xf32, #tpu.memory_space<hbm>>)
      tpu.yield
    }) : () -> ()
    return
  }
}

#map = affine_map<(d0, d1) -> (0)>
#map1 = affine_map<(d0, d1) -> (0, 0, 0)>
#map2 = affine_map<(d0, d1) -> (0, 0)>
module attributes {stable_mosaic.version = 14 : i64} {
  func.func @_agg_body(%arg0: i32, %arg1: i32, %arg2: memref<320000xi32, #tpu.memory_space<hbm>>, %arg3: memref<32x125x80xi32, #tpu.memory_space<hbm>>, %arg4: memref<10000x128xf32, #tpu.memory_space<hbm>>, %arg5: memref<2x10000x128xf32, #tpu.memory_space<hbm>>, %arg6: memref<10000xi32, #tpu.memory_space<vmem>>, %arg7: memref<125x80xi32, #tpu.memory_space<vmem>>, %arg8: memref<80x128xf32, #tpu.memory_space<vmem>>, %arg9: memref<80x128xf32, #tpu.memory_space<vmem>>, %arg10: memref<!tpu.dma_semaphore, #tpu.memory_space<semaphore_mem>>, %arg11: memref<!tpu.dma_semaphore, #tpu.memory_space<semaphore_mem>>, %arg12: memref<!tpu.dma_semaphore, #tpu.memory_space<semaphore_mem>>, %arg13: memref<!tpu.dma_semaphore, #tpu.memory_space<semaphore_mem>>, %arg14: memref<!tpu.dma_semaphore, #tpu.memory_space<semaphore_mem>>, %arg15: memref<!tpu.dma_semaphore, #tpu.memory_space<semaphore_mem>>, %arg16: memref<!tpu.dma_semaphore, #tpu.memory_space<semaphore_mem>>, %arg17: memref<!tpu.dma_semaphore, #tpu.memory_space<semaphore_mem>>, %arg18: memref<!tpu.dma_semaphore, #tpu.memory_space<semaphore_mem>>, %arg19: memref<!tpu.dma_semaphore, #tpu.memory_space<semaphore_mem>>, %arg20: memref<!tpu.dma_semaphore, #tpu.memory_space<semaphore_mem>>, %arg21: memref<!tpu.dma_semaphore, #tpu.memory_space<semaphore_mem>>, %arg22: memref<10000x128xf32, #tpu.memory_space<vmem_shared>>) attributes {dimension_semantics = [#tpu.dimension_semantics<core_parallel>, #tpu.dimension_semantics<subcore_parallel>], iteration_bounds = array<i64: 2, 16>, scalar_prefetch = 0 : i64, scratch_operands = 17 : i64, tpu.core_type = #tpu.core_type<sc_vector_subcore>, window_params = [{transform_indices = #map}, {transform_indices = #map1}, {transform_indices = #map2}, {transform_indices = #map1}]} {
    %mul3A = arith.constant 2 : i32
    %mul3A_0 = arith.muli %arg1, %mul3A : i32
    %add3A = arith.addi %mul3A_0, %arg0 : i32
    %mul3A_1 = arith.constant 640 : i32
    %mul3A_2 = arith.muli %arg1, %mul3A_1 : i32
    %mul3A_3 = arith.constant 10000 : i32
    %mul3A_4 = arith.muli %add3A, %mul3A_3 : i32
    %dma_start3A = tpu.memref_slice %arg2[%mul3A_4] : memref<320000xi32, #tpu.memory_space<hbm>> -> memref<10000xi32, #tpu.memory_space<hbm>>
    %dma_start3A_5 = tpu.memref_slice %arg2[%mul3A_4] : memref<320000xi32, #tpu.memory_space<hbm>> -> memref<10000xi32, #tpu.memory_space<hbm>>
    tpu.enqueue_dma source(%dma_start3A_5 : memref<10000xi32, #tpu.memory_space<hbm>>) target(%arg6 : memref<10000xi32, #tpu.memory_space<vmem>>) target_semaphore(%arg10 : memref<!tpu.dma_semaphore, #tpu.memory_space<semaphore_mem>>)
    %dma_start3A_6 = arith.constant 0 : i32
    %dma_start3A_7 = arith.constant 0 : i32
    %dma_start3A_8 = tpu.memref_slice %arg3[%add3A, %dma_start3A_6, %dma_start3A_7] : memref<32x125x80xi32, #tpu.memory_space<hbm>> -> memref<1x125x80xi32, #tpu.memory_space<hbm>>
    %dma_start3A_9 = tpu.memref_squeeze %dma_start3A_8 : memref<1x125x80xi32, #tpu.memory_space<hbm>> -> memref<125x80xi32, #tpu.memory_space<hbm>>
    %dma_start3A_10 = arith.constant 0 : i32
    %dma_start3A_11 = arith.constant 0 : i32
    %dma_start3A_12 = tpu.memref_slice %arg3[%add3A, %dma_start3A_10, %dma_start3A_11] : memref<32x125x80xi32, #tpu.memory_space<hbm>> -> memref<1x125x80xi32, #tpu.memory_space<hbm>>
    %dma_start3A_13 = tpu.memref_squeeze %dma_start3A_12 : memref<1x125x80xi32, #tpu.memory_space<hbm>> -> memref<125x80xi32, #tpu.memory_space<hbm>>
    tpu.enqueue_dma source(%dma_start3A_13 : memref<125x80xi32, #tpu.memory_space<hbm>>) target(%arg7 : memref<125x80xi32, #tpu.memory_space<vmem>>) target_semaphore(%arg11 : memref<!tpu.dma_semaphore, #tpu.memory_space<semaphore_mem>>)
    %lt3A = arith.constant 15 : i32
    %lt3A_14 = arith.cmpi slt, %arg1, %lt3A : i32
    %convert_element_type3A = arith.extui %lt3A_14 : i1 to i32
    %cond3A = arith.constant 0 : i32
    %cond3A_15 = arith.cmpi ne, %convert_element_type3A, %cond3A : i32
    scf.if %cond3A_15 {
      "tpu.region"() ({
        %run_scoped3A = tpu.sem_alloc : memref<!tpu.dma_semaphore, #tpu.memory_space<semaphore_mem>>
        %dma_start3A_132 = arith.constant 0 : i32
        %dma_start3A_133 = tpu.memref_slice %arg22[%mul3A_2, %dma_start3A_132] : memref<10000x128xf32, #tpu.memory_space<vmem_shared>> -> memref<640x128xf32, #tpu.memory_space<vmem_shared>>
        %dma_start3A_134 = arith.constant 0 : i32
        %dma_start3A_135 = tpu.memref_slice %arg4[%mul3A_2, %dma_start3A_134] : memref<10000x128xf32, #tpu.memory_space<hbm>> -> memref<640x128xf32, #tpu.memory_space<hbm>>
        tpu.enqueue_dma source(%dma_start3A_135 : memref<640x128xf32, #tpu.memory_space<hbm>>) target(%dma_start3A_133 : memref<640x128xf32, #tpu.memory_space<vmem_shared>>) target_semaphore(%run_scoped3A : memref<!tpu.dma_semaphore, #tpu.memory_space<semaphore_mem>>)
        %dma_wait3A_136 = arith.constant 0 : i32
        %dma_wait3A_137 = tpu.memref_slice %arg22[%mul3A_2, %dma_wait3A_136] : memref<10000x128xf32, #tpu.memory_space<vmem_shared>> -> memref<640x128xf32, #tpu.memory_space<vmem_shared>>
        %dma_wait3A_138 = arith.constant 0 : i32
        %dma_wait3A_139 = tpu.memref_slice %arg4[%mul3A_2, %dma_wait3A_138] : memref<10000x128xf32, #tpu.memory_space<hbm>> -> memref<640x128xf32, #tpu.memory_space<hbm>>
        tpu.wait_dma2 semaphore(%run_scoped3A : memref<!tpu.dma_semaphore, #tpu.memory_space<semaphore_mem>>) src(%dma_wait3A_139 : memref<640x128xf32, #tpu.memory_space<hbm>>) dst(%dma_wait3A_137 : memref<640x128xf32, #tpu.memory_space<vmem_shared>>)
        tpu.yield
      }) : () -> ()
    } else {
    }
    %eq3A = arith.constant 15 : i32
    %eq3A_16 = arith.cmpi eq, %arg1, %eq3A : i32
    %convert_element_type3A_17 = arith.extui %eq3A_16 : i1 to i32
    %cond3A_18 = arith.constant 0 : i32
    %cond3A_19 = arith.cmpi ne, %convert_element_type3A_17, %cond3A_18 : i32
    scf.if %cond3A_19 {
      "tpu.region"() ({
        %run_scoped3A = tpu.sem_alloc : memref<!tpu.dma_semaphore, #tpu.memory_space<semaphore_mem>>
        %dma_start3A_132 = arith.constant 9600 : i32
        %dma_start3A_133 = arith.constant 0 : i32
        %dma_start3A_134 = tpu.memref_slice %arg22[%dma_start3A_132, %dma_start3A_133] : memref<10000x128xf32, #tpu.memory_space<vmem_shared>> -> memref<400x128xf32, #tpu.memory_space<vmem_shared>>
        %dma_start3A_135 = arith.constant 9600 : i32
        %dma_start3A_136 = arith.constant 0 : i32
        %dma_start3A_137 = tpu.memref_slice %arg4[%dma_start3A_135, %dma_start3A_136] : memref<10000x128xf32, #tpu.memory_space<hbm>> -> memref<400x128xf32, #tpu.memory_space<hbm>>
        tpu.enqueue_dma source(%dma_start3A_137 : memref<400x128xf32, #tpu.memory_space<hbm>>) target(%dma_start3A_134 : memref<400x128xf32, #tpu.memory_space<vmem_shared>>) target_semaphore(%run_scoped3A : memref<!tpu.dma_semaphore, #tpu.memory_space<semaphore_mem>>)
        %dma_wait3A_138 = arith.constant 9600 : i32
        %dma_wait3A_139 = arith.constant 0 : i32
        %dma_wait3A_140 = tpu.memref_slice %arg22[%dma_wait3A_138, %dma_wait3A_139] : memref<10000x128xf32, #tpu.memory_space<vmem_shared>> -> memref<400x128xf32, #tpu.memory_space<vmem_shared>>
        %dma_wait3A_141 = arith.constant 9600 : i32
        %dma_wait3A_142 = arith.constant 0 : i32
        %dma_wait3A_143 = tpu.memref_slice %arg4[%dma_wait3A_141, %dma_wait3A_142] : memref<10000x128xf32, #tpu.memory_space<hbm>> -> memref<400x128xf32, #tpu.memory_space<hbm>>
        tpu.wait_dma2 semaphore(%run_scoped3A : memref<!tpu.dma_semaphore, #tpu.memory_space<semaphore_mem>>) src(%dma_wait3A_143 : memref<400x128xf32, #tpu.memory_space<hbm>>) dst(%dma_wait3A_140 : memref<400x128xf32, #tpu.memory_space<vmem_shared>>)
        tpu.yield
      }) : () -> ()
    } else {
    }
    %mul3A_20 = arith.constant 10000 : i32
    %mul3A_21 = arith.muli %add3A, %mul3A_20 : i32
    %dma_wait3A = tpu.memref_slice %arg2[%mul3A_21] : memref<320000xi32, #tpu.memory_space<hbm>> -> memref<10000xi32, #tpu.memory_space<hbm>>
    %dma_wait3A_22 = tpu.memref_slice %arg2[%mul3A_21] : memref<320000xi32, #tpu.memory_space<hbm>> -> memref<10000xi32, #tpu.memory_space<hbm>>
    tpu.wait_dma2 semaphore(%arg10 : memref<!tpu.dma_semaphore, #tpu.memory_space<semaphore_mem>>) src(%dma_wait3A_22 : memref<10000xi32, #tpu.memory_space<hbm>>) dst(%arg6 : memref<10000xi32, #tpu.memory_space<vmem>>)
    %dma_wait3A_23 = arith.constant 0 : i32
    %dma_wait3A_24 = arith.constant 0 : i32
    %dma_wait3A_25 = tpu.memref_slice %arg3[%add3A, %dma_wait3A_23, %dma_wait3A_24] : memref<32x125x80xi32, #tpu.memory_space<hbm>> -> memref<1x125x80xi32, #tpu.memory_space<hbm>>
    %dma_wait3A_26 = tpu.memref_squeeze %dma_wait3A_25 : memref<1x125x80xi32, #tpu.memory_space<hbm>> -> memref<125x80xi32, #tpu.memory_space<hbm>>
    %dma_wait3A_27 = arith.constant 0 : i32
    %dma_wait3A_28 = arith.constant 0 : i32
    %dma_wait3A_29 = tpu.memref_slice %arg3[%add3A, %dma_wait3A_27, %dma_wait3A_28] : memref<32x125x80xi32, #tpu.memory_space<hbm>> -> memref<1x125x80xi32, #tpu.memory_space<hbm>>
    %dma_wait3A_30 = tpu.memref_squeeze %dma_wait3A_29 : memref<1x125x80xi32, #tpu.memory_space<hbm>> -> memref<125x80xi32, #tpu.memory_space<hbm>>
    tpu.wait_dma2 semaphore(%arg11 : memref<!tpu.dma_semaphore, #tpu.memory_space<semaphore_mem>>) src(%dma_wait3A_30 : memref<125x80xi32, #tpu.memory_space<hbm>>) dst(%arg7 : memref<125x80xi32, #tpu.memory_space<vmem>>)
    %dma_start3A_31 = arith.constant 0 : i32
    %dma_start3A_32 = arith.constant 0 : i32
    %dma_start3A_33 = tpu.memref_slice %arg8[%dma_start3A_31, %dma_start3A_32] : memref<80x128xf32, #tpu.memory_space<vmem>> -> memref<24x128xf32, #tpu.memory_space<vmem>>
    %dma_start3A_34 = arith.constant 0 : i32
    %dma_start3A_35 = tpu.memref_slice %arg6[%dma_start3A_34] : memref<10000xi32, #tpu.memory_space<vmem>> -> memref<24xi32, #tpu.memory_space<vmem>>
    %dma_start3A_36 = arith.constant 0 : i32
    %dma_start3A_37 = arith.constant 0 : i32
    %dma_start3A_38 = tpu.memref_slice %arg4[%dma_start3A_36, %dma_start3A_37] : memref<10000x128xf32, #tpu.memory_space<hbm>> -> memref<10000x128xf32, #tpu.memory_space<hbm>>
    tpu.enqueue_indirect_dma source(%dma_start3A_38 : memref<10000x128xf32, #tpu.memory_space<hbm>>) target(%dma_start3A_33 : memref<24x128xf32, #tpu.memory_space<vmem>>) offsets(%dma_start3A_35 : memref<24xi32, #tpu.memory_space<vmem>>) semaphore(%arg12 : memref<!tpu.dma_semaphore, #tpu.memory_space<semaphore_mem>>)
    %dma_start3A_39 = arith.constant 24 : i32
    %dma_start3A_40 = arith.constant 0 : i32
    %dma_start3A_41 = tpu.memref_slice %arg8[%dma_start3A_39, %dma_start3A_40] : memref<80x128xf32, #tpu.memory_space<vmem>> -> memref<24x128xf32, #tpu.memory_space<vmem>>
    %dma_start3A_42 = arith.constant 24 : i32
    %dma_start3A_43 = tpu.memref_slice %arg6[%dma_start3A_42] : memref<10000xi32, #tpu.memory_space<vmem>> -> memref<24xi32, #tpu.memory_space<vmem>>
    %dma_start3A_44 = arith.constant 0 : i32
    %dma_start3A_45 = arith.constant 0 : i32
    %dma_start3A_46 = tpu.memref_slice %arg4[%dma_start3A_44, %dma_start3A_45] : memref<10000x128xf32, #tpu.memory_space<hbm>> -> memref<10000x128xf32, #tpu.memory_space<hbm>>
    tpu.enqueue_indirect_dma source(%dma_start3A_46 : memref<10000x128xf32, #tpu.memory_space<hbm>>) target(%dma_start3A_41 : memref<24x128xf32, #tpu.memory_space<vmem>>) offsets(%dma_start3A_43 : memref<24xi32, #tpu.memory_space<vmem>>) semaphore(%arg13 : memref<!tpu.dma_semaphore, #tpu.memory_space<semaphore_mem>>)
    %dma_start3A_47 = arith.constant 48 : i32
    %dma_start3A_48 = arith.constant 0 : i32
    %dma_start3A_49 = tpu.memref_slice %arg8[%dma_start3A_47, %dma_start3A_48] : memref<80x128xf32, #tpu.memory_space<vmem>> -> memref<16x128xf32, #tpu.memory_space<vmem>>
    %dma_start3A_50 = arith.constant 48 : i32
    %dma_start3A_51 = tpu.memref_slice %arg6[%dma_start3A_50] : memref<10000xi32, #tpu.memory_space<vmem>> -> memref<16xi32, #tpu.memory_space<vmem>>
    %dma_start3A_52 = arith.constant 0 : i32
    %dma_start3A_53 = arith.constant 0 : i32
    %dma_start3A_54 = tpu.memref_slice %arg4[%dma_start3A_52, %dma_start3A_53] : memref<10000x128xf32, #tpu.memory_space<hbm>> -> memref<10000x128xf32, #tpu.memory_space<hbm>>
    tpu.enqueue_indirect_dma source(%dma_start3A_54 : memref<10000x128xf32, #tpu.memory_space<hbm>>) target(%dma_start3A_49 : memref<16x128xf32, #tpu.memory_space<vmem>>) offsets(%dma_start3A_51 : memref<16xi32, #tpu.memory_space<vmem>>) semaphore(%arg14 : memref<!tpu.dma_semaphore, #tpu.memory_space<semaphore_mem>>)
    %dma_start3A_55 = arith.constant 64 : i32
    %dma_start3A_56 = arith.constant 0 : i32
    %dma_start3A_57 = tpu.memref_slice %arg8[%dma_start3A_55, %dma_start3A_56] : memref<80x128xf32, #tpu.memory_space<vmem>> -> memref<16x128xf32, #tpu.memory_space<vmem>>
    %dma_start3A_58 = arith.constant 64 : i32
    %dma_start3A_59 = tpu.memref_slice %arg6[%dma_start3A_58] : memref<10000xi32, #tpu.memory_space<vmem>> -> memref<16xi32, #tpu.memory_space<vmem>>
    %dma_start3A_60 = arith.constant 0 : i32
    %dma_start3A_61 = arith.constant 0 : i32
    %dma_start3A_62 = tpu.memref_slice %arg4[%dma_start3A_60, %dma_start3A_61] : memref<10000x128xf32, #tpu.memory_space<hbm>> -> memref<10000x128xf32, #tpu.memory_space<hbm>>
    tpu.enqueue_indirect_dma source(%dma_start3A_62 : memref<10000x128xf32, #tpu.memory_space<hbm>>) target(%dma_start3A_57 : memref<16x128xf32, #tpu.memory_space<vmem>>) offsets(%dma_start3A_59 : memref<16xi32, #tpu.memory_space<vmem>>) semaphore(%arg15 : memref<!tpu.dma_semaphore, #tpu.memory_space<semaphore_mem>>)
    %barrier3A = arith.constant 0 : index
    tpu.barrier barrier_id(%barrier3A)
    %scan3A = arith.constant 0 : i32
    %scan3A_63 = arith.constant 0 : i32
    %scan3A_64 = arith.constant 62 : i32
    %scan3A_65 = arith.addi %scan3A_63, %scan3A_64 : i32
    %scan3A_66 = arith.constant 1 : i32
    scf.for %scan3A_132 = %scan3A_63 to %scan3A_65 step %scan3A_66  : i32 {
      %mul3A_133 = arith.constant 2 : i32
      %mul3A_134 = arith.muli %mul3A_133, %scan3A_132 : i32
      %mul3A_135 = arith.constant 80 : i32
      %mul3A_136 = arith.muli %mul3A_134, %mul3A_135 : i32
      %add3A_137 = arith.constant 0 : i32
      %add3A_138 = arith.addi %mul3A_136, %add3A_137 : i32
      %dma_wait3A_139 = arith.constant 0 : i32
      %dma_wait3A_140 = arith.constant 0 : i32
      %dma_wait3A_141 = tpu.memref_slice %arg8[%dma_wait3A_139, %dma_wait3A_140] : memref<80x128xf32, #tpu.memory_space<vmem>> -> memref<24x128xf32, #tpu.memory_space<vmem>>
      %dma_wait3A_142 = tpu.memref_slice %arg6[%add3A_138] : memref<10000xi32, #tpu.memory_space<vmem>> -> memref<24xi32, #tpu.memory_space<vmem>>
      %dma_wait3A_143 = arith.constant 0 : i32
      %dma_wait3A_144 = arith.constant 0 : i32
      %dma_wait3A_145 = tpu.memref_slice %arg4[%dma_wait3A_143, %dma_wait3A_144] : memref<10000x128xf32, #tpu.memory_space<hbm>> -> memref<10000x128xf32, #tpu.memory_space<hbm>>
      tpu.wait_indirect_dma semaphore(%arg12 : memref<!tpu.dma_semaphore, #tpu.memory_space<semaphore_mem>>) src(%dma_wait3A_145 : memref<10000x128xf32, #tpu.memory_space<hbm>>) dst(%dma_wait3A_141 : memref<24x128xf32, #tpu.memory_space<vmem>>)
      %mul3A_146 = arith.constant 80 : i32
      %mul3A_147 = arith.muli %mul3A_134, %mul3A_146 : i32
      %add3A_148 = arith.constant 24 : i32
      %add3A_149 = arith.addi %mul3A_147, %add3A_148 : i32
      %dma_wait3A_150 = arith.constant 24 : i32
      %dma_wait3A_151 = arith.constant 0 : i32
      %dma_wait3A_152 = tpu.memref_slice %arg8[%dma_wait3A_150, %dma_wait3A_151] : memref<80x128xf32, #tpu.memory_space<vmem>> -> memref<24x128xf32, #tpu.memory_space<vmem>>
      %dma_wait3A_153 = tpu.memref_slice %arg6[%add3A_149] : memref<10000xi32, #tpu.memory_space<vmem>> -> memref<24xi32, #tpu.memory_space<vmem>>
      %dma_wait3A_154 = arith.constant 0 : i32
      %dma_wait3A_155 = arith.constant 0 : i32
      %dma_wait3A_156 = tpu.memref_slice %arg4[%dma_wait3A_154, %dma_wait3A_155] : memref<10000x128xf32, #tpu.memory_space<hbm>> -> memref<10000x128xf32, #tpu.memory_space<hbm>>
      tpu.wait_indirect_dma semaphore(%arg13 : memref<!tpu.dma_semaphore, #tpu.memory_space<semaphore_mem>>) src(%dma_wait3A_156 : memref<10000x128xf32, #tpu.memory_space<hbm>>) dst(%dma_wait3A_152 : memref<24x128xf32, #tpu.memory_space<vmem>>)
      %mul3A_157 = arith.constant 80 : i32
      %mul3A_158 = arith.muli %mul3A_134, %mul3A_157 : i32
      %add3A_159 = arith.constant 48 : i32
      %add3A_160 = arith.addi %mul3A_158, %add3A_159 : i32
      %dma_wait3A_161 = arith.constant 48 : i32
      %dma_wait3A_162 = arith.constant 0 : i32
      %dma_wait3A_163 = tpu.memref_slice %arg8[%dma_wait3A_161, %dma_wait3A_162] : memref<80x128xf32, #tpu.memory_space<vmem>> -> memref<16x128xf32, #tpu.memory_space<vmem>>
      %dma_wait3A_164 = tpu.memref_slice %arg6[%add3A_160] : memref<10000xi32, #tpu.memory_space<vmem>> -> memref<16xi32, #tpu.memory_space<vmem>>
      %dma_wait3A_165 = arith.constant 0 : i32
      %dma_wait3A_166 = arith.constant 0 : i32
      %dma_wait3A_167 = tpu.memref_slice %arg4[%dma_wait3A_165, %dma_wait3A_166] : memref<10000x128xf32, #tpu.memory_space<hbm>> -> memref<10000x128xf32, #tpu.memory_space<hbm>>
      tpu.wait_indirect_dma semaphore(%arg14 : memref<!tpu.dma_semaphore, #tpu.memory_space<semaphore_mem>>) src(%dma_wait3A_167 : memref<10000x128xf32, #tpu.memory_space<hbm>>) dst(%dma_wait3A_163 : memref<16x128xf32, #tpu.memory_space<vmem>>)
      %mul3A_168 = arith.constant 80 : i32
      %mul3A_169 = arith.muli %mul3A_134, %mul3A_168 : i32
      %add3A_170 = arith.constant 64 : i32
      %add3A_171 = arith.addi %mul3A_169, %add3A_170 : i32
      %dma_wait3A_172 = arith.constant 64 : i32
      %dma_wait3A_173 = arith.constant 0 : i32
      %dma_wait3A_174 = tpu.memref_slice %arg8[%dma_wait3A_172, %dma_wait3A_173] : memref<80x128xf32, #tpu.memory_space<vmem>> -> memref<16x128xf32, #tpu.memory_space<vmem>>
      %dma_wait3A_175 = tpu.memref_slice %arg6[%add3A_171] : memref<10000xi32, #tpu.memory_space<vmem>> -> memref<16xi32, #tpu.memory_space<vmem>>
      %dma_wait3A_176 = arith.constant 0 : i32
      %dma_wait3A_177 = arith.constant 0 : i32
      %dma_wait3A_178 = tpu.memref_slice %arg4[%dma_wait3A_176, %dma_wait3A_177] : memref<10000x128xf32, #tpu.memory_space<hbm>> -> memref<10000x128xf32, #tpu.memory_space<hbm>>
      tpu.wait_indirect_dma semaphore(%arg15 : memref<!tpu.dma_semaphore, #tpu.memory_space<semaphore_mem>>) src(%dma_wait3A_178 : memref<10000x128xf32, #tpu.memory_space<hbm>>) dst(%dma_wait3A_174 : memref<16x128xf32, #tpu.memory_space<vmem>>)
      %gt3A = arith.constant 0 : i32
      %gt3A_179 = arith.cmpi sgt, %scan3A_132, %gt3A : i32
      %convert_element_type3A_180 = arith.extui %gt3A_179 : i1 to i32
      %cond3A_181 = arith.constant 0 : i32
      %cond3A_182 = arith.cmpi ne, %convert_element_type3A_180, %cond3A_181 : i32
      scf.if %cond3A_182 {
        %sub3A = arith.constant 1 : i32
        %sub3A_341 = arith.subi %mul3A_134, %sub3A : i32
        %dma_wait3A_342 = arith.constant 0 : i32
        %dma_wait3A_343 = tpu.memref_slice %arg7[%sub3A_341, %dma_wait3A_342] : memref<125x80xi32, #tpu.memory_space<vmem>> -> memref<1x80xi32, #tpu.memory_space<vmem>>
        %dma_wait3A_344 = tpu.memref_squeeze %dma_wait3A_343 : memref<1x80xi32, #tpu.memory_space<vmem>> -> memref<80xi32, #tpu.memory_space<vmem>>
        %dma_wait3A_345 = arith.constant 0 : i32
        %dma_wait3A_346 = arith.constant 0 : i32
        %dma_wait3A_347 = tpu.memref_slice %arg22[%dma_wait3A_345, %dma_wait3A_346] : memref<10000x128xf32, #tpu.memory_space<vmem_shared>> -> memref<10000x128xf32, #tpu.memory_space<vmem_shared>>
        tpu.wait_indirect_dma semaphore(%arg21 : memref<!tpu.dma_semaphore, #tpu.memory_space<semaphore_mem>>) src(%arg9 : memref<80x128xf32, #tpu.memory_space<vmem>>) dst(%dma_wait3A_347 : memref<10000x128xf32, #tpu.memory_space<vmem_shared>>)
      } else {
      }
      %add3A_183 = arith.constant 1 : i32
      %add3A_184 = arith.addi %mul3A_134, %add3A_183 : i32
      %mul3A_185 = arith.constant 80 : i32
      %mul3A_186 = arith.muli %add3A_184, %mul3A_185 : i32
      %add3A_187 = arith.constant 0 : i32
      %add3A_188 = arith.addi %mul3A_186, %add3A_187 : i32
      %dma_start3A_189 = arith.constant 0 : i32
      %dma_start3A_190 = arith.constant 0 : i32
      %dma_start3A_191 = tpu.memref_slice %arg9[%dma_start3A_189, %dma_start3A_190] : memref<80x128xf32, #tpu.memory_space<vmem>> -> memref<24x128xf32, #tpu.memory_space<vmem>>
      %dma_start3A_192 = tpu.memref_slice %arg6[%add3A_188] : memref<10000xi32, #tpu.memory_space<vmem>> -> memref<24xi32, #tpu.memory_space<vmem>>
      %dma_start3A_193 = arith.constant 0 : i32
      %dma_start3A_194 = arith.constant 0 : i32
      %dma_start3A_195 = tpu.memref_slice %arg4[%dma_start3A_193, %dma_start3A_194] : memref<10000x128xf32, #tpu.memory_space<hbm>> -> memref<10000x128xf32, #tpu.memory_space<hbm>>
      tpu.enqueue_indirect_dma source(%dma_start3A_195 : memref<10000x128xf32, #tpu.memory_space<hbm>>) target(%dma_start3A_191 : memref<24x128xf32, #tpu.memory_space<vmem>>) offsets(%dma_start3A_192 : memref<24xi32, #tpu.memory_space<vmem>>) semaphore(%arg16 : memref<!tpu.dma_semaphore, #tpu.memory_space<semaphore_mem>>)
      %mul3A_196 = arith.constant 80 : i32
      %mul3A_197 = arith.muli %add3A_184, %mul3A_196 : i32
      %add3A_198 = arith.constant 24 : i32
      %add3A_199 = arith.addi %mul3A_197, %add3A_198 : i32
      %dma_start3A_200 = arith.constant 24 : i32
      %dma_start3A_201 = arith.constant 0 : i32
      %dma_start3A_202 = tpu.memref_slice %arg9[%dma_start3A_200, %dma_start3A_201] : memref<80x128xf32, #tpu.memory_space<vmem>> -> memref<24x128xf32, #tpu.memory_space<vmem>>
      %dma_start3A_203 = tpu.memref_slice %arg6[%add3A_199] : memref<10000xi32, #tpu.memory_space<vmem>> -> memref<24xi32, #tpu.memory_space<vmem>>
      %dma_start3A_204 = arith.constant 0 : i32
      %dma_start3A_205 = arith.constant 0 : i32
      %dma_start3A_206 = tpu.memref_slice %arg4[%dma_start3A_204, %dma_start3A_205] : memref<10000x128xf32, #tpu.memory_space<hbm>> -> memref<10000x128xf32, #tpu.memory_space<hbm>>
      tpu.enqueue_indirect_dma source(%dma_start3A_206 : memref<10000x128xf32, #tpu.memory_space<hbm>>) target(%dma_start3A_202 : memref<24x128xf32, #tpu.memory_space<vmem>>) offsets(%dma_start3A_203 : memref<24xi32, #tpu.memory_space<vmem>>) semaphore(%arg17 : memref<!tpu.dma_semaphore, #tpu.memory_space<semaphore_mem>>)
      %mul3A_207 = arith.constant 80 : i32
      %mul3A_208 = arith.muli %add3A_184, %mul3A_207 : i32
      %add3A_209 = arith.constant 48 : i32
      %add3A_210 = arith.addi %mul3A_208, %add3A_209 : i32
      %dma_start3A_211 = arith.constant 48 : i32
      %dma_start3A_212 = arith.constant 0 : i32
      %dma_start3A_213 = tpu.memref_slice %arg9[%dma_start3A_211, %dma_start3A_212] : memref<80x128xf32, #tpu.memory_space<vmem>> -> memref<16x128xf32, #tpu.memory_space<vmem>>
      %dma_start3A_214 = tpu.memref_slice %arg6[%add3A_210] : memref<10000xi32, #tpu.memory_space<vmem>> -> memref<16xi32, #tpu.memory_space<vmem>>
      %dma_start3A_215 = arith.constant 0 : i32
      %dma_start3A_216 = arith.constant 0 : i32
      %dma_start3A_217 = tpu.memref_slice %arg4[%dma_start3A_215, %dma_start3A_216] : memref<10000x128xf32, #tpu.memory_space<hbm>> -> memref<10000x128xf32, #tpu.memory_space<hbm>>
      tpu.enqueue_indirect_dma source(%dma_start3A_217 : memref<10000x128xf32, #tpu.memory_space<hbm>>) target(%dma_start3A_213 : memref<16x128xf32, #tpu.memory_space<vmem>>) offsets(%dma_start3A_214 : memref<16xi32, #tpu.memory_space<vmem>>) semaphore(%arg18 : memref<!tpu.dma_semaphore, #tpu.memory_space<semaphore_mem>>)
      %mul3A_218 = arith.constant 80 : i32
      %mul3A_219 = arith.muli %add3A_184, %mul3A_218 : i32
      %add3A_220 = arith.constant 64 : i32
      %add3A_221 = arith.addi %mul3A_219, %add3A_220 : i32
      %dma_start3A_222 = arith.constant 64 : i32
      %dma_start3A_223 = arith.constant 0 : i32
      %dma_start3A_224 = tpu.memref_slice %arg9[%dma_start3A_222, %dma_start3A_223] : memref<80x128xf32, #tpu.memory_space<vmem>> -> memref<16x128xf32, #tpu.memory_space<vmem>>
      %dma_start3A_225 = tpu.memref_slice %arg6[%add3A_221] : memref<10000xi32, #tpu.memory_space<vmem>> -> memref<16xi32, #tpu.memory_space<vmem>>
      %dma_start3A_226 = arith.constant 0 : i32
      %dma_start3A_227 = arith.constant 0 : i32
      %dma_start3A_228 = tpu.memref_slice %arg4[%dma_start3A_226, %dma_start3A_227] : memref<10000x128xf32, #tpu.memory_space<hbm>> -> memref<10000x128xf32, #tpu.memory_space<hbm>>
      tpu.enqueue_indirect_dma source(%dma_start3A_228 : memref<10000x128xf32, #tpu.memory_space<hbm>>) target(%dma_start3A_224 : memref<16x128xf32, #tpu.memory_space<vmem>>) offsets(%dma_start3A_225 : memref<16xi32, #tpu.memory_space<vmem>>) semaphore(%arg19 : memref<!tpu.dma_semaphore, #tpu.memory_space<semaphore_mem>>)
      %dma_start3A_229 = arith.constant 0 : i32
      %dma_start3A_230 = tpu.memref_slice %arg7[%mul3A_134, %dma_start3A_229] : memref<125x80xi32, #tpu.memory_space<vmem>> -> memref<1x80xi32, #tpu.memory_space<vmem>>
      %dma_start3A_231 = tpu.memref_squeeze %dma_start3A_230 : memref<1x80xi32, #tpu.memory_space<vmem>> -> memref<80xi32, #tpu.memory_space<vmem>>
      %dma_start3A_232 = arith.constant 0 : i32
      %dma_start3A_233 = arith.constant 0 : i32
      %dma_start3A_234 = tpu.memref_slice %arg22[%dma_start3A_232, %dma_start3A_233] : memref<10000x128xf32, #tpu.memory_space<vmem_shared>> -> memref<10000x128xf32, #tpu.memory_space<vmem_shared>>
      tpu.enqueue_indirect_dma source(%arg8 : memref<80x128xf32, #tpu.memory_space<vmem>>) target(%dma_start3A_234 : memref<10000x128xf32, #tpu.memory_space<vmem_shared>>) offsets(%dma_start3A_231 : memref<80xi32, #tpu.memory_space<vmem>>) semaphore(%arg20 : memref<!tpu.dma_semaphore, #tpu.memory_space<semaphore_mem>>) {add = true}
      %add3A_235 = arith.constant 1 : i32
      %add3A_236 = arith.addi %mul3A_134, %add3A_235 : i32
      %mul3A_237 = arith.constant 80 : i32
      %mul3A_238 = arith.muli %add3A_236, %mul3A_237 : i32
      %add3A_239 = arith.constant 0 : i32
      %add3A_240 = arith.addi %mul3A_238, %add3A_239 : i32
      %dma_wait3A_241 = arith.constant 0 : i32
      %dma_wait3A_242 = arith.constant 0 : i32
      %dma_wait3A_243 = tpu.memref_slice %arg9[%dma_wait3A_241, %dma_wait3A_242] : memref<80x128xf32, #tpu.memory_space<vmem>> -> memref<24x128xf32, #tpu.memory_space<vmem>>
      %dma_wait3A_244 = tpu.memref_slice %arg6[%add3A_240] : memref<10000xi32, #tpu.memory_space<vmem>> -> memref<24xi32, #tpu.memory_space<vmem>>
      %dma_wait3A_245 = arith.constant 0 : i32
      %dma_wait3A_246 = arith.constant 0 : i32
      %dma_wait3A_247 = tpu.memref_slice %arg4[%dma_wait3A_245, %dma_wait3A_246] : memref<10000x128xf32, #tpu.memory_space<hbm>> -> memref<10000x128xf32, #tpu.memory_space<hbm>>
      tpu.wait_indirect_dma semaphore(%arg16 : memref<!tpu.dma_semaphore, #tpu.memory_space<semaphore_mem>>) src(%dma_wait3A_247 : memref<10000x128xf32, #tpu.memory_space<hbm>>) dst(%dma_wait3A_243 : memref<24x128xf32, #tpu.memory_space<vmem>>)
      %mul3A_248 = arith.constant 80 : i32
      %mul3A_249 = arith.muli %add3A_236, %mul3A_248 : i32
      %add3A_250 = arith.constant 24 : i32
      %add3A_251 = arith.addi %mul3A_249, %add3A_250 : i32
      %dma_wait3A_252 = arith.constant 24 : i32
      %dma_wait3A_253 = arith.constant 0 : i32
      %dma_wait3A_254 = tpu.memref_slice %arg9[%dma_wait3A_252, %dma_wait3A_253] : memref<80x128xf32, #tpu.memory_space<vmem>> -> memref<24x128xf32, #tpu.memory_space<vmem>>
      %dma_wait3A_255 = tpu.memref_slice %arg6[%add3A_251] : memref<10000xi32, #tpu.memory_space<vmem>> -> memref<24xi32, #tpu.memory_space<vmem>>
      %dma_wait3A_256 = arith.constant 0 : i32
      %dma_wait3A_257 = arith.constant 0 : i32
      %dma_wait3A_258 = tpu.memref_slice %arg4[%dma_wait3A_256, %dma_wait3A_257] : memref<10000x128xf32, #tpu.memory_space<hbm>> -> memref<10000x128xf32, #tpu.memory_space<hbm>>
      tpu.wait_indirect_dma semaphore(%arg17 : memref<!tpu.dma_semaphore, #tpu.memory_space<semaphore_mem>>) src(%dma_wait3A_258 : memref<10000x128xf32, #tpu.memory_space<hbm>>) dst(%dma_wait3A_254 : memref<24x128xf32, #tpu.memory_space<vmem>>)
      %mul3A_259 = arith.constant 80 : i32
      %mul3A_260 = arith.muli %add3A_236, %mul3A_259 : i32
      %add3A_261 = arith.constant 48 : i32
      %add3A_262 = arith.addi %mul3A_260, %add3A_261 : i32
      %dma_wait3A_263 = arith.constant 48 : i32
      %dma_wait3A_264 = arith.constant 0 : i32
      %dma_wait3A_265 = tpu.memref_slice %arg9[%dma_wait3A_263, %dma_wait3A_264] : memref<80x128xf32, #tpu.memory_space<vmem>> -> memref<16x128xf32, #tpu.memory_space<vmem>>
      %dma_wait3A_266 = tpu.memref_slice %arg6[%add3A_262] : memref<10000xi32, #tpu.memory_space<vmem>> -> memref<16xi32, #tpu.memory_space<vmem>>
      %dma_wait3A_267 = arith.constant 0 : i32
      %dma_wait3A_268 = arith.constant 0 : i32
      %dma_wait3A_269 = tpu.memref_slice %arg4[%dma_wait3A_267, %dma_wait3A_268] : memref<10000x128xf32, #tpu.memory_space<hbm>> -> memref<10000x128xf32, #tpu.memory_space<hbm>>
      tpu.wait_indirect_dma semaphore(%arg18 : memref<!tpu.dma_semaphore, #tpu.memory_space<semaphore_mem>>) src(%dma_wait3A_269 : memref<10000x128xf32, #tpu.memory_space<hbm>>) dst(%dma_wait3A_265 : memref<16x128xf32, #tpu.memory_space<vmem>>)
      %mul3A_270 = arith.constant 80 : i32
      %mul3A_271 = arith.muli %add3A_236, %mul3A_270 : i32
      %add3A_272 = arith.constant 64 : i32
      %add3A_273 = arith.addi %mul3A_271, %add3A_272 : i32
      %dma_wait3A_274 = arith.constant 64 : i32
      %dma_wait3A_275 = arith.constant 0 : i32
      %dma_wait3A_276 = tpu.memref_slice %arg9[%dma_wait3A_274, %dma_wait3A_275] : memref<80x128xf32, #tpu.memory_space<vmem>> -> memref<16x128xf32, #tpu.memory_space<vmem>>
      %dma_wait3A_277 = tpu.memref_slice %arg6[%add3A_273] : memref<10000xi32, #tpu.memory_space<vmem>> -> memref<16xi32, #tpu.memory_space<vmem>>
      %dma_wait3A_278 = arith.constant 0 : i32
      %dma_wait3A_279 = arith.constant 0 : i32
      %dma_wait3A_280 = tpu.memref_slice %arg4[%dma_wait3A_278, %dma_wait3A_279] : memref<10000x128xf32, #tpu.memory_space<hbm>> -> memref<10000x128xf32, #tpu.memory_space<hbm>>
      tpu.wait_indirect_dma semaphore(%arg19 : memref<!tpu.dma_semaphore, #tpu.memory_space<semaphore_mem>>) src(%dma_wait3A_280 : memref<10000x128xf32, #tpu.memory_space<hbm>>) dst(%dma_wait3A_276 : memref<16x128xf32, #tpu.memory_space<vmem>>)
      %dma_wait3A_281 = arith.constant 0 : i32
      %dma_wait3A_282 = tpu.memref_slice %arg7[%mul3A_134, %dma_wait3A_281] : memref<125x80xi32, #tpu.memory_space<vmem>> -> memref<1x80xi32, #tpu.memory_space<vmem>>
      %dma_wait3A_283 = tpu.memref_squeeze %dma_wait3A_282 : memref<1x80xi32, #tpu.memory_space<vmem>> -> memref<80xi32, #tpu.memory_space<vmem>>
      %dma_wait3A_284 = arith.constant 0 : i32
      %dma_wait3A_285 = arith.constant 0 : i32
      %dma_wait3A_286 = tpu.memref_slice %arg22[%dma_wait3A_284, %dma_wait3A_285] : memref<10000x128xf32, #tpu.memory_space<vmem_shared>> -> memref<10000x128xf32, #tpu.memory_space<vmem_shared>>
      tpu.wait_indirect_dma semaphore(%arg20 : memref<!tpu.dma_semaphore, #tpu.memory_space<semaphore_mem>>) src(%arg8 : memref<80x128xf32, #tpu.memory_space<vmem>>) dst(%dma_wait3A_286 : memref<10000x128xf32, #tpu.memory_space<vmem_shared>>)
      %add3A_287 = arith.constant 2 : i32
      %add3A_288 = arith.addi %mul3A_134, %add3A_287 : i32
      %mul3A_289 = arith.constant 80 : i32
      %mul3A_290 = arith.muli %add3A_288, %mul3A_289 : i32
      %add3A_291 = arith.constant 0 : i32
      %add3A_292 = arith.addi %mul3A_290, %add3A_291 : i32
      %dma_start3A_293 = arith.constant 0 : i32
      %dma_start3A_294 = arith.constant 0 : i32
      %dma_start3A_295 = tpu.memref_slice %arg8[%dma_start3A_293, %dma_start3A_294] : memref<80x128xf32, #tpu.memory_space<vmem>> -> memref<24x128xf32, #tpu.memory_space<vmem>>
      %dma_start3A_296 = tpu.memref_slice %arg6[%add3A_292] : memref<10000xi32, #tpu.memory_space<vmem>> -> memref<24xi32, #tpu.memory_space<vmem>>
      %dma_start3A_297 = arith.constant 0 : i32
      %dma_start3A_298 = arith.constant 0 : i32
      %dma_start3A_299 = tpu.memref_slice %arg4[%dma_start3A_297, %dma_start3A_298] : memref<10000x128xf32, #tpu.memory_space<hbm>> -> memref<10000x128xf32, #tpu.memory_space<hbm>>
      tpu.enqueue_indirect_dma source(%dma_start3A_299 : memref<10000x128xf32, #tpu.memory_space<hbm>>) target(%dma_start3A_295 : memref<24x128xf32, #tpu.memory_space<vmem>>) offsets(%dma_start3A_296 : memref<24xi32, #tpu.memory_space<vmem>>) semaphore(%arg12 : memref<!tpu.dma_semaphore, #tpu.memory_space<semaphore_mem>>)
      %mul3A_300 = arith.constant 80 : i32
      %mul3A_301 = arith.muli %add3A_288, %mul3A_300 : i32
      %add3A_302 = arith.constant 24 : i32
      %add3A_303 = arith.addi %mul3A_301, %add3A_302 : i32
      %dma_start3A_304 = arith.constant 24 : i32
      %dma_start3A_305 = arith.constant 0 : i32
      %dma_start3A_306 = tpu.memref_slice %arg8[%dma_start3A_304, %dma_start3A_305] : memref<80x128xf32, #tpu.memory_space<vmem>> -> memref<24x128xf32, #tpu.memory_space<vmem>>
      %dma_start3A_307 = tpu.memref_slice %arg6[%add3A_303] : memref<10000xi32, #tpu.memory_space<vmem>> -> memref<24xi32, #tpu.memory_space<vmem>>
      %dma_start3A_308 = arith.constant 0 : i32
      %dma_start3A_309 = arith.constant 0 : i32
      %dma_start3A_310 = tpu.memref_slice %arg4[%dma_start3A_308, %dma_start3A_309] : memref<10000x128xf32, #tpu.memory_space<hbm>> -> memref<10000x128xf32, #tpu.memory_space<hbm>>
      tpu.enqueue_indirect_dma source(%dma_start3A_310 : memref<10000x128xf32, #tpu.memory_space<hbm>>) target(%dma_start3A_306 : memref<24x128xf32, #tpu.memory_space<vmem>>) offsets(%dma_start3A_307 : memref<24xi32, #tpu.memory_space<vmem>>) semaphore(%arg13 : memref<!tpu.dma_semaphore, #tpu.memory_space<semaphore_mem>>)
      %mul3A_311 = arith.constant 80 : i32
      %mul3A_312 = arith.muli %add3A_288, %mul3A_311 : i32
      %add3A_313 = arith.constant 48 : i32
      %add3A_314 = arith.addi %mul3A_312, %add3A_313 : i32
      %dma_start3A_315 = arith.constant 48 : i32
      %dma_start3A_316 = arith.constant 0 : i32
      %dma_start3A_317 = tpu.memref_slice %arg8[%dma_start3A_315, %dma_start3A_316] : memref<80x128xf32, #tpu.memory_space<vmem>> -> memref<16x128xf32, #tpu.memory_space<vmem>>
      %dma_start3A_318 = tpu.memref_slice %arg6[%add3A_314] : memref<10000xi32, #tpu.memory_space<vmem>> -> memref<16xi32, #tpu.memory_space<vmem>>
      %dma_start3A_319 = arith.constant 0 : i32
      %dma_start3A_320 = arith.constant 0 : i32
      %dma_start3A_321 = tpu.memref_slice %arg4[%dma_start3A_319, %dma_start3A_320] : memref<10000x128xf32, #tpu.memory_space<hbm>> -> memref<10000x128xf32, #tpu.memory_space<hbm>>
      tpu.enqueue_indirect_dma source(%dma_start3A_321 : memref<10000x128xf32, #tpu.memory_space<hbm>>) target(%dma_start3A_317 : memref<16x128xf32, #tpu.memory_space<vmem>>) offsets(%dma_start3A_318 : memref<16xi32, #tpu.memory_space<vmem>>) semaphore(%arg14 : memref<!tpu.dma_semaphore, #tpu.memory_space<semaphore_mem>>)
      %mul3A_322 = arith.constant 80 : i32
      %mul3A_323 = arith.muli %add3A_288, %mul3A_322 : i32
      %add3A_324 = arith.constant 64 : i32
      %add3A_325 = arith.addi %mul3A_323, %add3A_324 : i32
      %dma_start3A_326 = arith.constant 64 : i32
      %dma_start3A_327 = arith.constant 0 : i32
      %dma_start3A_328 = tpu.memref_slice %arg8[%dma_start3A_326, %dma_start3A_327] : memref<80x128xf32, #tpu.memory_space<vmem>> -> memref<16x128xf32, #tpu.memory_space<vmem>>
      %dma_start3A_329 = tpu.memref_slice %arg6[%add3A_325] : memref<10000xi32, #tpu.memory_space<vmem>> -> memref<16xi32, #tpu.memory_space<vmem>>
      %dma_start3A_330 = arith.constant 0 : i32
      %dma_start3A_331 = arith.constant 0 : i32
      %dma_start3A_332 = tpu.memref_slice %arg4[%dma_start3A_330, %dma_start3A_331] : memref<10000x128xf32, #tpu.memory_space<hbm>> -> memref<10000x128xf32, #tpu.memory_space<hbm>>
      tpu.enqueue_indirect_dma source(%dma_start3A_332 : memref<10000x128xf32, #tpu.memory_space<hbm>>) target(%dma_start3A_328 : memref<16x128xf32, #tpu.memory_space<vmem>>) offsets(%dma_start3A_329 : memref<16xi32, #tpu.memory_space<vmem>>) semaphore(%arg15 : memref<!tpu.dma_semaphore, #tpu.memory_space<semaphore_mem>>)
      %add3A_333 = arith.constant 1 : i32
      %add3A_334 = arith.addi %mul3A_134, %add3A_333 : i32
      %dma_start3A_335 = arith.constant 0 : i32
      %dma_start3A_336 = tpu.memref_slice %arg7[%add3A_334, %dma_start3A_335] : memref<125x80xi32, #tpu.memory_space<vmem>> -> memref<1x80xi32, #tpu.memory_space<vmem>>
      %dma_start3A_337 = tpu.memref_squeeze %dma_start3A_336 : memref<1x80xi32, #tpu.memory_space<vmem>> -> memref<80xi32, #tpu.memory_space<vmem>>
      %dma_start3A_338 = arith.constant 0 : i32
      %dma_start3A_339 = arith.constant 0 : i32
      %dma_start3A_340 = tpu.memref_slice %arg22[%dma_start3A_338, %dma_start3A_339] : memref<10000x128xf32, #tpu.memory_space<vmem_shared>> -> memref<10000x128xf32, #tpu.memory_space<vmem_shared>>
      tpu.enqueue_indirect_dma source(%arg9 : memref<80x128xf32, #tpu.memory_space<vmem>>) target(%dma_start3A_340 : memref<10000x128xf32, #tpu.memory_space<vmem_shared>>) offsets(%dma_start3A_337 : memref<80xi32, #tpu.memory_space<vmem>>) semaphore(%arg21 : memref<!tpu.dma_semaphore, #tpu.memory_space<semaphore_mem>>) {add = true}
    }
    %scan3A_67 = arith.constant 62 : i32
    %dma_wait3A_68 = arith.constant 0 : i32
    %dma_wait3A_69 = arith.constant 0 : i32
    %dma_wait3A_70 = tpu.memref_slice %arg8[%dma_wait3A_68, %dma_wait3A_69] : memref<80x128xf32, #tpu.memory_space<vmem>> -> memref<24x128xf32, #tpu.memory_space<vmem>>
    %dma_wait3A_71 = arith.constant 9920 : i32
    %dma_wait3A_72 = tpu.memref_slice %arg6[%dma_wait3A_71] : memref<10000xi32, #tpu.memory_space<vmem>> -> memref<24xi32, #tpu.memory_space<vmem>>
    %dma_wait3A_73 = arith.constant 0 : i32
    %dma_wait3A_74 = arith.constant 0 : i32
    %dma_wait3A_75 = tpu.memref_slice %arg4[%dma_wait3A_73, %dma_wait3A_74] : memref<10000x128xf32, #tpu.memory_space<hbm>> -> memref<10000x128xf32, #tpu.memory_space<hbm>>
    tpu.wait_indirect_dma semaphore(%arg12 : memref<!tpu.dma_semaphore, #tpu.memory_space<semaphore_mem>>) src(%dma_wait3A_75 : memref<10000x128xf32, #tpu.memory_space<hbm>>) dst(%dma_wait3A_70 : memref<24x128xf32, #tpu.memory_space<vmem>>)
    %dma_wait3A_76 = arith.constant 24 : i32
    %dma_wait3A_77 = arith.constant 0 : i32
    %dma_wait3A_78 = tpu.memref_slice %arg8[%dma_wait3A_76, %dma_wait3A_77] : memref<80x128xf32, #tpu.memory_space<vmem>> -> memref<24x128xf32, #tpu.memory_space<vmem>>
    %dma_wait3A_79 = arith.constant 9944 : i32
    %dma_wait3A_80 = tpu.memref_slice %arg6[%dma_wait3A_79] : memref<10000xi32, #tpu.memory_space<vmem>> -> memref<24xi32, #tpu.memory_space<vmem>>
    %dma_wait3A_81 = arith.constant 0 : i32
    %dma_wait3A_82 = arith.constant 0 : i32
    %dma_wait3A_83 = tpu.memref_slice %arg4[%dma_wait3A_81, %dma_wait3A_82] : memref<10000x128xf32, #tpu.memory_space<hbm>> -> memref<10000x128xf32, #tpu.memory_space<hbm>>
    tpu.wait_indirect_dma semaphore(%arg13 : memref<!tpu.dma_semaphore, #tpu.memory_space<semaphore_mem>>) src(%dma_wait3A_83 : memref<10000x128xf32, #tpu.memory_space<hbm>>) dst(%dma_wait3A_78 : memref<24x128xf32, #tpu.memory_space<vmem>>)
    %dma_wait3A_84 = arith.constant 48 : i32
    %dma_wait3A_85 = arith.constant 0 : i32
    %dma_wait3A_86 = tpu.memref_slice %arg8[%dma_wait3A_84, %dma_wait3A_85] : memref<80x128xf32, #tpu.memory_space<vmem>> -> memref<16x128xf32, #tpu.memory_space<vmem>>
    %dma_wait3A_87 = arith.constant 9968 : i32
    %dma_wait3A_88 = tpu.memref_slice %arg6[%dma_wait3A_87] : memref<10000xi32, #tpu.memory_space<vmem>> -> memref<16xi32, #tpu.memory_space<vmem>>
    %dma_wait3A_89 = arith.constant 0 : i32
    %dma_wait3A_90 = arith.constant 0 : i32
    %dma_wait3A_91 = tpu.memref_slice %arg4[%dma_wait3A_89, %dma_wait3A_90] : memref<10000x128xf32, #tpu.memory_space<hbm>> -> memref<10000x128xf32, #tpu.memory_space<hbm>>
    tpu.wait_indirect_dma semaphore(%arg14 : memref<!tpu.dma_semaphore, #tpu.memory_space<semaphore_mem>>) src(%dma_wait3A_91 : memref<10000x128xf32, #tpu.memory_space<hbm>>) dst(%dma_wait3A_86 : memref<16x128xf32, #tpu.memory_space<vmem>>)
    %dma_wait3A_92 = arith.constant 64 : i32
    %dma_wait3A_93 = arith.constant 0 : i32
    %dma_wait3A_94 = tpu.memref_slice %arg8[%dma_wait3A_92, %dma_wait3A_93] : memref<80x128xf32, #tpu.memory_space<vmem>> -> memref<16x128xf32, #tpu.memory_space<vmem>>
    %dma_wait3A_95 = arith.constant 9984 : i32
    %dma_wait3A_96 = tpu.memref_slice %arg6[%dma_wait3A_95] : memref<10000xi32, #tpu.memory_space<vmem>> -> memref<16xi32, #tpu.memory_space<vmem>>
    %dma_wait3A_97 = arith.constant 0 : i32
    %dma_wait3A_98 = arith.constant 0 : i32
    %dma_wait3A_99 = tpu.memref_slice %arg4[%dma_wait3A_97, %dma_wait3A_98] : memref<10000x128xf32, #tpu.memory_space<hbm>> -> memref<10000x128xf32, #tpu.memory_space<hbm>>
    tpu.wait_indirect_dma semaphore(%arg15 : memref<!tpu.dma_semaphore, #tpu.memory_space<semaphore_mem>>) src(%dma_wait3A_99 : memref<10000x128xf32, #tpu.memory_space<hbm>>) dst(%dma_wait3A_94 : memref<16x128xf32, #tpu.memory_space<vmem>>)
    %dma_wait3A_100 = arith.constant 123 : i32
    %dma_wait3A_101 = arith.constant 0 : i32
    %dma_wait3A_102 = tpu.memref_slice %arg7[%dma_wait3A_100, %dma_wait3A_101] : memref<125x80xi32, #tpu.memory_space<vmem>> -> memref<1x80xi32, #tpu.memory_space<vmem>>
    %dma_wait3A_103 = tpu.memref_squeeze %dma_wait3A_102 : memref<1x80xi32, #tpu.memory_space<vmem>> -> memref<80xi32, #tpu.memory_space<vmem>>
    %dma_wait3A_104 = arith.constant 0 : i32
    %dma_wait3A_105 = arith.constant 0 : i32
    %dma_wait3A_106 = tpu.memref_slice %arg22[%dma_wait3A_104, %dma_wait3A_105] : memref<10000x128xf32, #tpu.memory_space<vmem_shared>> -> memref<10000x128xf32, #tpu.memory_space<vmem_shared>>
    tpu.wait_indirect_dma semaphore(%arg21 : memref<!tpu.dma_semaphore, #tpu.memory_space<semaphore_mem>>) src(%arg9 : memref<80x128xf32, #tpu.memory_space<vmem>>) dst(%dma_wait3A_106 : memref<10000x128xf32, #tpu.memory_space<vmem_shared>>)
    %dma_start3A_107 = arith.constant 124 : i32
    %dma_start3A_108 = arith.constant 0 : i32
    %dma_start3A_109 = tpu.memref_slice %arg7[%dma_start3A_107, %dma_start3A_108] : memref<125x80xi32, #tpu.memory_space<vmem>> -> memref<1x80xi32, #tpu.memory_space<vmem>>
    %dma_start3A_110 = tpu.memref_squeeze %dma_start3A_109 : memref<1x80xi32, #tpu.memory_space<vmem>> -> memref<80xi32, #tpu.memory_space<vmem>>
    %dma_start3A_111 = arith.constant 0 : i32
    %dma_start3A_112 = arith.constant 0 : i32
    %dma_start3A_113 = tpu.memref_slice %arg22[%dma_start3A_111, %dma_start3A_112] : memref<10000x128xf32, #tpu.memory_space<vmem_shared>> -> memref<10000x128xf32, #tpu.memory_space<vmem_shared>>
    tpu.enqueue_indirect_dma source(%arg8 : memref<80x128xf32, #tpu.memory_space<vmem>>) target(%dma_start3A_113 : memref<10000x128xf32, #tpu.memory_space<vmem_shared>>) offsets(%dma_start3A_110 : memref<80xi32, #tpu.memory_space<vmem>>) semaphore(%arg20 : memref<!tpu.dma_semaphore, #tpu.memory_space<semaphore_mem>>) {add = true}
    %dma_wait3A_114 = arith.constant 124 : i32
    %dma_wait3A_115 = arith.constant 0 : i32
    %dma_wait3A_116 = tpu.memref_slice %arg7[%dma_wait3A_114, %dma_wait3A_115] : memref<125x80xi32, #tpu.memory_space<vmem>> -> memref<1x80xi32, #tpu.memory_space<vmem>>
    %dma_wait3A_117 = tpu.memref_squeeze %dma_wait3A_116 : memref<1x80xi32, #tpu.memory_space<vmem>> -> memref<80xi32, #tpu.memory_space<vmem>>
    %dma_wait3A_118 = arith.constant 0 : i32
    %dma_wait3A_119 = arith.constant 0 : i32
    %dma_wait3A_120 = tpu.memref_slice %arg22[%dma_wait3A_118, %dma_wait3A_119] : memref<10000x128xf32, #tpu.memory_space<vmem_shared>> -> memref<10000x128xf32, #tpu.memory_space<vmem_shared>>
    tpu.wait_indirect_dma semaphore(%arg20 : memref<!tpu.dma_semaphore, #tpu.memory_space<semaphore_mem>>) src(%arg8 : memref<80x128xf32, #tpu.memory_space<vmem>>) dst(%dma_wait3A_120 : memref<10000x128xf32, #tpu.memory_space<vmem_shared>>)
    %barrier3A_121 = arith.constant 0 : index
    tpu.barrier barrier_id(%barrier3A_121)
    %lt3A_122 = arith.constant 15 : i32
    %lt3A_123 = arith.cmpi slt, %arg1, %lt3A_122 : i32
    %convert_element_type3A_124 = arith.extui %lt3A_123 : i1 to i32
    %cond3A_125 = arith.constant 0 : i32
    %cond3A_126 = arith.cmpi ne, %convert_element_type3A_124, %cond3A_125 : i32
    scf.if %cond3A_126 {
      "tpu.region"() ({
        %run_scoped3A = tpu.sem_alloc : memref<!tpu.dma_semaphore, #tpu.memory_space<semaphore_mem>>
        %dma_start3A_132 = arith.constant 0 : i32
        %dma_start3A_133 = tpu.memref_slice %arg5[%arg0, %mul3A_2, %dma_start3A_132] : memref<2x10000x128xf32, #tpu.memory_space<hbm>> -> memref<1x640x128xf32, #tpu.memory_space<hbm>>
        %dma_start3A_134 = tpu.memref_squeeze %dma_start3A_133 : memref<1x640x128xf32, #tpu.memory_space<hbm>> -> memref<640x128xf32, #tpu.memory_space<hbm>>
        %dma_start3A_135 = arith.constant 0 : i32
        %dma_start3A_136 = tpu.memref_slice %arg22[%mul3A_2, %dma_start3A_135] : memref<10000x128xf32, #tpu.memory_space<vmem_shared>> -> memref<640x128xf32, #tpu.memory_space<vmem_shared>>
        tpu.enqueue_dma source(%dma_start3A_136 : memref<640x128xf32, #tpu.memory_space<vmem_shared>>) target(%dma_start3A_134 : memref<640x128xf32, #tpu.memory_space<hbm>>) target_semaphore(%run_scoped3A : memref<!tpu.dma_semaphore, #tpu.memory_space<semaphore_mem>>)
        %dma_wait3A_137 = arith.constant 0 : i32
        %dma_wait3A_138 = tpu.memref_slice %arg5[%arg0, %mul3A_2, %dma_wait3A_137] : memref<2x10000x128xf32, #tpu.memory_space<hbm>> -> memref<1x640x128xf32, #tpu.memory_space<hbm>>
        %dma_wait3A_139 = tpu.memref_squeeze %dma_wait3A_138 : memref<1x640x128xf32, #tpu.memory_space<hbm>> -> memref<640x128xf32, #tpu.memory_space<hbm>>
        %dma_wait3A_140 = arith.constant 0 : i32
        %dma_wait3A_141 = tpu.memref_slice %arg22[%mul3A_2, %dma_wait3A_140] : memref<10000x128xf32, #tpu.memory_space<vmem_shared>> -> memref<640x128xf32, #tpu.memory_space<vmem_shared>>
        tpu.wait_dma2 semaphore(%run_scoped3A : memref<!tpu.dma_semaphore, #tpu.memory_space<semaphore_mem>>) src(%dma_wait3A_141 : memref<640x128xf32, #tpu.memory_space<vmem_shared>>) dst(%dma_wait3A_139 : memref<640x128xf32, #tpu.memory_space<hbm>>)
        tpu.yield
      }) : () -> ()
    } else {
    }
    %eq3A_127 = arith.constant 15 : i32
    %eq3A_128 = arith.cmpi eq, %arg1, %eq3A_127 : i32
    %convert_element_type3A_129 = arith.extui %eq3A_128 : i1 to i32
    %cond3A_130 = arith.constant 0 : i32
    %cond3A_131 = arith.cmpi ne, %convert_element_type3A_129, %cond3A_130 : i32
    scf.if %cond3A_131 {
      "tpu.region"() ({
        %run_scoped3A = tpu.sem_alloc : memref<!tpu.dma_semaphore, #tpu.memory_space<semaphore_mem>>
        %dma_start3A_132 = arith.constant 9600 : i32
        %dma_start3A_133 = arith.constant 0 : i32
        %dma_start3A_134 = tpu.memref_slice %arg5[%arg0, %dma_start3A_132, %dma_start3A_133] : memref<2x10000x128xf32, #tpu.memory_space<hbm>> -> memref<1x400x128xf32, #tpu.memory_space<hbm>>
        %dma_start3A_135 = tpu.memref_squeeze %dma_start3A_134 : memref<1x400x128xf32, #tpu.memory_space<hbm>> -> memref<400x128xf32, #tpu.memory_space<hbm>>
        %dma_start3A_136 = arith.constant 9600 : i32
        %dma_start3A_137 = arith.constant 0 : i32
        %dma_start3A_138 = tpu.memref_slice %arg22[%dma_start3A_136, %dma_start3A_137] : memref<10000x128xf32, #tpu.memory_space<vmem_shared>> -> memref<400x128xf32, #tpu.memory_space<vmem_shared>>
        tpu.enqueue_dma source(%dma_start3A_138 : memref<400x128xf32, #tpu.memory_space<vmem_shared>>) target(%dma_start3A_135 : memref<400x128xf32, #tpu.memory_space<hbm>>) target_semaphore(%run_scoped3A : memref<!tpu.dma_semaphore, #tpu.memory_space<semaphore_mem>>)
        %dma_wait3A_139 = arith.constant 9600 : i32
        %dma_wait3A_140 = arith.constant 0 : i32
        %dma_wait3A_141 = tpu.memref_slice %arg5[%arg0, %dma_wait3A_139, %dma_wait3A_140] : memref<2x10000x128xf32, #tpu.memory_space<hbm>> -> memref<1x400x128xf32, #tpu.memory_space<hbm>>
        %dma_wait3A_142 = tpu.memref_squeeze %dma_wait3A_141 : memref<1x400x128xf32, #tpu.memory_space<hbm>> -> memref<400x128xf32, #tpu.memory_space<hbm>>
        %dma_wait3A_143 = arith.constant 9600 : i32
        %dma_wait3A_144 = arith.constant 0 : i32
        %dma_wait3A_145 = tpu.memref_slice %arg22[%dma_wait3A_143, %dma_wait3A_144] : memref<10000x128xf32, #tpu.memory_space<vmem_shared>> -> memref<400x128xf32, #tpu.memory_space<vmem_shared>>
        tpu.wait_dma2 semaphore(%run_scoped3A : memref<!tpu.dma_semaphore, #tpu.memory_space<semaphore_mem>>) src(%dma_wait3A_145 : memref<400x128xf32, #tpu.memory_space<vmem_shared>>) dst(%dma_wait3A_142 : memref<400x128xf32, #tpu.memory_space<hbm>>)
        tpu.yield
      }) : () -> ()
    } else {
    }
    return
  }
}

module attributes {stable_mosaic.version = 14 : i64} {
  func.func @_mm_body(%arg0: i32, %arg1: memref<1000x128xf32, #tpu.memory_space<vmem>>, %arg2: memref<128x128xf32, #tpu.memory_space<vmem>>, %arg3: memref<1000x128xf32, #tpu.memory_space<vmem>>) attributes {dimension_semantics = [#tpu.dimension_semantics<arbitrary>], iteration_bounds = array<i64: 10>, scalar_prefetch = 0 : i64, scratch_operands = 0 : i64, tpu.core_type = #tpu.core_type<tc>, window_params = [{transform_indices = @transform_0, window_bounds = array<i64: 1000, 128>}, {pipeline_mode = #tpu.pipeline_mode<synchronous>, transform_indices = @transform_1, window_bounds = array<i64: 128, 128>}, {transform_indices = @transform_2, window_bounds = array<i64: 1000, 128>}]} {
    %get3A = arith.constant 0 : index
    %get3A_0 = arith.constant 0 : index
    %get3A_1 = vector.load %arg1[%get3A, %get3A_0] : memref<1000x128xf32, #tpu.memory_space<vmem>>, vector<1000x128xf32>
    %get3A_2 = arith.constant 0 : index
    %get3A_3 = arith.constant 0 : index
    %get3A_4 = vector.load %arg2[%get3A_2, %get3A_3] : memref<128x128xf32, #tpu.memory_space<vmem>>, vector<128x128xf32>
    %dot_general3A = arith.constant dense<0.000000e+00> : vector<1000x128xf32>
    %dot_general3A_5 = tpu.matmul %get3A_1, %get3A_4, %dot_general3A {dimension_numbers = #tpu.dot_dimension_numbers<[1], [0], [0], [1], [0, 0, 1, 1], [], []>, transpose_lhs_hint = false} : vector<1000x128xf32>, vector<128x128xf32>, vector<1000x128xf32> -> vector<1000x128xf32>
    %swap3A = arith.constant 0 : index
    %swap3A_6 = arith.constant 0 : index
    %swap3A_7 = vector.load %arg3[%swap3A, %swap3A_6] : memref<1000x128xf32, #tpu.memory_space<vmem>>, vector<1000x128xf32>
    tpu.vector_store %arg3[%swap3A, %swap3A_6], %dot_general3A_5 {strides = array<i32>} : memref<1000x128xf32, #tpu.memory_space<vmem>>, vector<1000x128xf32>,
    return
  }
  func.func @transform_0(%arg0: i32) -> (i32, i32) {
    %c0_i32 = arith.constant 0 : i32
    %c0_i32_0 = arith.constant 0 : i32
    return %arg0, %c0_i32 : i32, i32
  }
  func.func @transform_1(%arg0: i32) -> (i32, i32) {
    %c0_i32 = arith.constant 0 : i32
    %c0_i32_0 = arith.constant 0 : i32
    %c0_i32_1 = arith.constant 0 : i32
    return %c0_i32, %c0_i32_0 : i32, i32
  }
  func.func @transform_2(%arg0: i32) -> (i32, i32) {
    %c0_i32 = arith.constant 0 : i32
    %c0_i32_0 = arith.constant 0 : i32
    return %arg0, %c0_i32 : i32, i32
  }
}

module attributes {stable_mosaic.version = 14 : i64} {
  func.func @_scale_body(%arg0: i32, %arg1: memref<1x1000x1xf32, #tpu.memory_space<vmem>>, %arg2: memref<1x1000x1xf32, #tpu.memory_space<vmem>>, %arg3: memref<1000x128xf32, #tpu.memory_space<vmem>>, %arg4: memref<1000x128xf32, #tpu.memory_space<vmem>>, %arg5: memref<1000x1xf32, #tpu.memory_space<vmem>>) attributes {dimension_semantics = [#tpu.dimension_semantics<arbitrary>], iteration_bounds = array<i64: 10>, scalar_prefetch = 0 : i64, scratch_operands = 0 : i64, tpu.core_type = #tpu.core_type<tc>, window_params = [{transform_indices = @transform_0, window_bounds = array<i64: 1, 1000, 1>}, {transform_indices = @transform_1, window_bounds = array<i64: 1, 1000, 1>}, {transform_indices = @transform_2, window_bounds = array<i64: 1000, 128>}, {transform_indices = @transform_3, window_bounds = array<i64: 1000, 128>}, {transform_indices = @transform_4, window_bounds = array<i64: 1000, 1>}]} {
    %get3A = arith.constant 0 : index
    %get3A_0 = arith.constant 0 : index
    %get3A_1 = arith.constant 0 : index
    %get3A_2 = vector.load %arg1[%get3A, %get3A_0, %get3A_1] : memref<1x1000x1xf32, #tpu.memory_space<vmem>>, vector<1x1000x1xf32>
    %get3A_3 = vector.shape_cast %get3A_2 : vector<1x1000x1xf32> to vector<1000x1xf32>
    %add3A = arith.constant 1.000000e+00 : f32
    %add3A_4 = vector.broadcast %add3A : f32 to vector<1000x1xf32>
    %add3A_5 = arith.addf %add3A_4, %get3A_3 : vector<1000x1xf32>
    %get3A_6 = arith.constant 0 : index
    %get3A_7 = arith.constant 0 : index
    %get3A_8 = arith.constant 0 : index
    %get3A_9 = vector.load %arg2[%get3A_6, %get3A_7, %get3A_8] : memref<1x1000x1xf32, #tpu.memory_space<vmem>>, vector<1x1000x1xf32>
    %get3A_10 = vector.shape_cast %get3A_9 : vector<1x1000x1xf32> to vector<1000x1xf32>
    %add3A_11 = arith.addf %add3A_5, %get3A_10 : vector<1000x1xf32>
    %rsqrt3A = math.rsqrt %add3A_11 : vector<1000x1xf32>
    %get3A_12 = arith.constant 0 : index
    %get3A_13 = arith.constant 0 : index
    %get3A_14 = vector.load %arg3[%get3A_12, %get3A_13] : memref<1000x128xf32, #tpu.memory_space<vmem>>, vector<1000x128xf32>
    %mul3A = vector.broadcast %rsqrt3A : vector<1000x1xf32> to vector<1000x128xf32>
    %mul3A_15 = arith.mulf %get3A_14, %mul3A : vector<1000x128xf32>
    %swap3A = arith.constant 0 : index
    %swap3A_16 = arith.constant 0 : index
    %swap3A_17 = vector.load %arg4[%swap3A, %swap3A_16] : memref<1000x128xf32, #tpu.memory_space<vmem>>, vector<1000x128xf32>
    tpu.vector_store %arg4[%swap3A, %swap3A_16], %mul3A_15 {strides = array<i32>} : memref<1000x128xf32, #tpu.memory_space<vmem>>, vector<1000x128xf32>,
    %swap3A_18 = arith.constant 0 : index
    %swap3A_19 = arith.constant 0 : index
    %swap3A_20 = vector.load %arg5[%swap3A_18, %swap3A_19] : memref<1000x1xf32, #tpu.memory_space<vmem>>, vector<1000x1xf32>
    tpu.vector_store %arg5[%swap3A_18, %swap3A_19], %rsqrt3A {strides = array<i32>} : memref<1000x1xf32, #tpu.memory_space<vmem>>, vector<1000x1xf32>,
    return
  }
  func.func @transform_0(%arg0: i32) -> (i32, i32, i32) {
    %c0_i32 = arith.constant 0 : i32
    %c0_i32_0 = arith.constant 0 : i32
    %c0_i32_1 = arith.constant 0 : i32
    return %c0_i32, %arg0, %c0_i32_0 : i32, i32, i32
  }
  func.func @transform_1(%arg0: i32) -> (i32, i32, i32) {
    %c1_i32 = arith.constant 1 : i32
    %c0_i32 = arith.constant 0 : i32
    %c0_i32_0 = arith.constant 0 : i32
    return %c1_i32, %arg0, %c0_i32 : i32, i32, i32
  }
  func.func @transform_2(%arg0: i32) -> (i32, i32) {
    %c0_i32 = arith.constant 0 : i32
    %c0_i32_0 = arith.constant 0 : i32
    return %arg0, %c0_i32 : i32, i32
  }
  func.func @transform_3(%arg0: i32) -> (i32, i32) {
    %c0_i32 = arith.constant 0 : i32
    %c0_i32_0 = arith.constant 0 : i32
    return %arg0, %c0_i32 : i32, i32
  }
  func.func @transform_4(%arg0: i32) -> (i32, i32) {
    %c0_i32 = arith.constant 0 : i32
    %c0_i32_0 = arith.constant 0 : i32
    return %arg0, %c0_i32 : i32, i32
  }
}

module attributes {stable_mosaic.version = 14 : i64} {
  func.func @_mid_body(%arg0: i32, %arg1: memref<1x1000x128xf32, #tpu.memory_space<vmem>>, %arg2: memref<1x1000x128xf32, #tpu.memory_space<vmem>>, %arg3: memref<1000x128xf32, #tpu.memory_space<vmem>>, %arg4: memref<1000x128xf32, #tpu.memory_space<vmem>>, %arg5: memref<1000x1xf32, #tpu.memory_space<vmem>>, %arg6: memref<128x128xf32, #tpu.memory_space<vmem>>, %arg7: memref<1x128xf32, #tpu.memory_space<vmem>>, %arg8: memref<1000x128xf32, #tpu.memory_space<vmem>>) attributes {dimension_semantics = [#tpu.dimension_semantics<arbitrary>], iteration_bounds = array<i64: 10>, scalar_prefetch = 0 : i64, scratch_operands = 0 : i64, tpu.core_type = #tpu.core_type<tc>, window_params = [{transform_indices = @transform_0, window_bounds = array<i64: 1, 1000, 128>}, {transform_indices = @transform_1, window_bounds = array<i64: 1, 1000, 128>}, {transform_indices = @transform_2, window_bounds = array<i64: 1000, 128>}, {transform_indices = @transform_3, window_bounds = array<i64: 1000, 128>}, {transform_indices = @transform_4, window_bounds = array<i64: 1000, 1>}, {pipeline_mode = #tpu.pipeline_mode<synchronous>, transform_indices = @transform_5, window_bounds = array<i64: 128, 128>}, {pipeline_mode = #tpu.pipeline_mode<synchronous>, transform_indices = @transform_6, window_bounds = array<i64: 1, 128>}, {transform_indices = @transform_7, window_bounds = array<i64: 1000, 128>}]} {
    %get3A = arith.constant 0 : index
    %get3A_0 = arith.constant 0 : index
    %get3A_1 = vector.load %arg5[%get3A, %get3A_0] : memref<1000x1xf32, #tpu.memory_space<vmem>>, vector<1000x1xf32>
    %get3A_2 = arith.constant 0 : index
    %get3A_3 = arith.constant 0 : index
    %get3A_4 = arith.constant 0 : index
    %get3A_5 = vector.load %arg1[%get3A_2, %get3A_3, %get3A_4] : memref<1x1000x128xf32, #tpu.memory_space<vmem>>, vector<1x1000x128xf32>
    %get3A_6 = vector.shape_cast %get3A_5 : vector<1x1000x128xf32> to vector<1000x128xf32>
    %get3A_7 = arith.constant 0 : index
    %get3A_8 = arith.constant 0 : index
    %get3A_9 = arith.constant 0 : index
    %get3A_10 = vector.load %arg2[%get3A_7, %get3A_8, %get3A_9] : memref<1x1000x128xf32, #tpu.memory_space<vmem>>, vector<1x1000x128xf32>
    %get3A_11 = vector.shape_cast %get3A_10 : vector<1x1000x128xf32> to vector<1000x128xf32>
    %add3A = arith.addf %get3A_6, %get3A_11 : vector<1000x128xf32>
    %get3A_12 = arith.constant 0 : index
    %get3A_13 = arith.constant 0 : index
    %get3A_14 = vector.load %arg3[%get3A_12, %get3A_13] : memref<1000x128xf32, #tpu.memory_space<vmem>>, vector<1000x128xf32>
    %sub3A = arith.subf %add3A, %get3A_14 : vector<1000x128xf32>
    %mul3A = vector.broadcast %get3A_1 : vector<1000x1xf32> to vector<1000x128xf32>
    %mul3A_15 = arith.mulf %mul3A, %sub3A : vector<1000x128xf32>
    %get3A_16 = arith.constant 0 : index
    %get3A_17 = arith.constant 0 : index
    %get3A_18 = vector.load %arg7[%get3A_16, %get3A_17] : memref<1x128xf32, #tpu.memory_space<vmem>>, vector<1x128xf32>
    %add3A_19 = vector.broadcast %get3A_18 : vector<1x128xf32> to vector<1000x128xf32>
    %add3A_20 = arith.addf %mul3A_15, %add3A_19 : vector<1000x128xf32>
    %max3A = arith.constant 0.000000e+00 : f32
    %max3A_21 = vector.broadcast %max3A : f32 to vector<1000x128xf32>
    %max3A_22 = arith.maximumf %add3A_20, %max3A_21 : vector<1000x128xf32>
    %get3A_23 = arith.constant 0 : index
    %get3A_24 = arith.constant 0 : index
    %get3A_25 = vector.load %arg4[%get3A_23, %get3A_24] : memref<1000x128xf32, #tpu.memory_space<vmem>>, vector<1000x128xf32>
    %add3A_26 = arith.addf %max3A_22, %get3A_25 : vector<1000x128xf32>
    %get3A_27 = arith.constant 0 : index
    %get3A_28 = arith.constant 0 : index
    %get3A_29 = vector.load %arg6[%get3A_27, %get3A_28] : memref<128x128xf32, #tpu.memory_space<vmem>>, vector<128x128xf32>
    %dot_general3A = arith.constant dense<0.000000e+00> : vector<1000x128xf32>
    %dot_general3A_30 = tpu.matmul %add3A_26, %get3A_29, %dot_general3A {dimension_numbers = #tpu.dot_dimension_numbers<[1], [0], [0], [1], [0, 0, 1, 1], [], []>, transpose_lhs_hint = false} : vector<1000x128xf32>, vector<128x128xf32>, vector<1000x128xf32> -> vector<1000x128xf32>
    %mul3A_31 = vector.broadcast %get3A_1 : vector<1000x1xf32> to vector<1000x128xf32>
    %mul3A_32 = arith.mulf %mul3A_31, %dot_general3A_30 : vector<1000x128xf32>
    %swap3A = arith.constant 0 : index
    %swap3A_33 = arith.constant 0 : index
    %swap3A_34 = vector.load %arg8[%swap3A, %swap3A_33] : memref<1000x128xf32, #tpu.memory_space<vmem>>, vector<1000x128xf32>
    tpu.vector_store %arg8[%swap3A, %swap3A_33], %mul3A_32 {strides = array<i32>} : memref<1000x128xf32, #tpu.memory_space<vmem>>, vector<1000x128xf32>,
    return
  }
  func.func @transform_0(%arg0: i32) -> (i32, i32, i32) {
    %c0_i32 = arith.constant 0 : i32
    %c0_i32_0 = arith.constant 0 : i32
    %c0_i32_1 = arith.constant 0 : i32
    return %c0_i32, %arg0, %c0_i32_0 : i32, i32, i32
  }
  func.func @transform_1(%arg0: i32) -> (i32, i32, i32) {
    %c1_i32 = arith.constant 1 : i32
    %c0_i32 = arith.constant 0 : i32
    %c0_i32_0 = arith.constant 0 : i32
    return %c1_i32, %arg0, %c0_i32 : i32, i32, i32
  }
  func.func @transform_2(%arg0: i32) -> (i32, i32) {
    %c0_i32 = arith.constant 0 : i32
    %c0_i32_0 = arith.constant 0 : i32
    return %arg0, %c0_i32 : i32, i32
  }
  func.func @transform_3(%arg0: i32) -> (i32, i32) {
    %c0_i32 = arith.constant 0 : i32
    %c0_i32_0 = arith.constant 0 : i32
    return %arg0, %c0_i32 : i32, i32
  }
  func.func @transform_4(%arg0: i32) -> (i32, i32) {
    %c0_i32 = arith.constant 0 : i32
    %c0_i32_0 = arith.constant 0 : i32
    return %arg0, %c0_i32 : i32, i32
  }
  func.func @transform_5(%arg0: i32) -> (i32, i32) {
    %c0_i32 = arith.constant 0 : i32
    %c0_i32_0 = arith.constant 0 : i32
    %c0_i32_1 = arith.constant 0 : i32
    return %c0_i32, %c0_i32_0 : i32, i32
  }
  func.func @transform_6(%arg0: i32) -> (i32, i32) {
    %c0_i32 = arith.constant 0 : i32
    %c0_i32_0 = arith.constant 0 : i32
    %c0_i32_1 = arith.constant 0 : i32
    return %c0_i32, %c0_i32_0 : i32, i32
  }
  func.func @transform_7(%arg0: i32) -> (i32, i32) {
    %c0_i32 = arith.constant 0 : i32
    %c0_i32_0 = arith.constant 0 : i32
    return %arg0, %c0_i32 : i32, i32
  }
}

module attributes {stable_mosaic.version = 14 : i64} {
  func.func @_final_body(%arg0: i32, %arg1: memref<1x1000x128xf32, #tpu.memory_space<vmem>>, %arg2: memref<1x1000x128xf32, #tpu.memory_space<vmem>>, %arg3: memref<1000x128xf32, #tpu.memory_space<vmem>>, %arg4: memref<1000x1xf32, #tpu.memory_space<vmem>>, %arg5: memref<1x128xf32, #tpu.memory_space<vmem>>, %arg6: memref<1000x128xf32, #tpu.memory_space<vmem>>) attributes {dimension_semantics = [#tpu.dimension_semantics<arbitrary>], iteration_bounds = array<i64: 10>, scalar_prefetch = 0 : i64, scratch_operands = 0 : i64, tpu.core_type = #tpu.core_type<tc>, window_params = [{transform_indices = @transform_0, window_bounds = array<i64: 1, 1000, 128>}, {transform_indices = @transform_1, window_bounds = array<i64: 1, 1000, 128>}, {transform_indices = @transform_2, window_bounds = array<i64: 1000, 128>}, {transform_indices = @transform_3, window_bounds = array<i64: 1000, 1>}, {pipeline_mode = #tpu.pipeline_mode<synchronous>, transform_indices = @transform_4, window_bounds = array<i64: 1, 128>}, {transform_indices = @transform_5, window_bounds = array<i64: 1000, 128>}]} {
    %get3A = arith.constant 0 : index
    %get3A_0 = arith.constant 0 : index
    %get3A_1 = vector.load %arg4[%get3A, %get3A_0] : memref<1000x1xf32, #tpu.memory_space<vmem>>, vector<1000x1xf32>
    %get3A_2 = arith.constant 0 : index
    %get3A_3 = arith.constant 0 : index
    %get3A_4 = arith.constant 0 : index
    %get3A_5 = vector.load %arg1[%get3A_2, %get3A_3, %get3A_4] : memref<1x1000x128xf32, #tpu.memory_space<vmem>>, vector<1x1000x128xf32>
    %get3A_6 = vector.shape_cast %get3A_5 : vector<1x1000x128xf32> to vector<1000x128xf32>
    %get3A_7 = arith.constant 0 : index
    %get3A_8 = arith.constant 0 : index
    %get3A_9 = arith.constant 0 : index
    %get3A_10 = vector.load %arg2[%get3A_7, %get3A_8, %get3A_9] : memref<1x1000x128xf32, #tpu.memory_space<vmem>>, vector<1x1000x128xf32>
    %get3A_11 = vector.shape_cast %get3A_10 : vector<1x1000x128xf32> to vector<1000x128xf32>
    %add3A = arith.addf %get3A_6, %get3A_11 : vector<1000x128xf32>
    %get3A_12 = arith.constant 0 : index
    %get3A_13 = arith.constant 0 : index
    %get3A_14 = vector.load %arg3[%get3A_12, %get3A_13] : memref<1000x128xf32, #tpu.memory_space<vmem>>, vector<1000x128xf32>
    %sub3A = arith.subf %add3A, %get3A_14 : vector<1000x128xf32>
    %mul3A = vector.broadcast %get3A_1 : vector<1000x1xf32> to vector<1000x128xf32>
    %mul3A_15 = arith.mulf %mul3A, %sub3A : vector<1000x128xf32>
    %get3A_16 = arith.constant 0 : index
    %get3A_17 = arith.constant 0 : index
    %get3A_18 = vector.load %arg5[%get3A_16, %get3A_17] : memref<1x128xf32, #tpu.memory_space<vmem>>, vector<1x128xf32>
    %add3A_19 = vector.broadcast %get3A_18 : vector<1x128xf32> to vector<1000x128xf32>
    %add3A_20 = arith.addf %mul3A_15, %add3A_19 : vector<1000x128xf32>
    %swap3A = arith.constant 0 : index
    %swap3A_21 = arith.constant 0 : index
    %swap3A_22 = vector.load %arg6[%swap3A, %swap3A_21] : memref<1000x128xf32, #tpu.memory_space<vmem>>, vector<1000x128xf32>
    tpu.vector_store %arg6[%swap3A, %swap3A_21], %add3A_20 {strides = array<i32>} : memref<1000x128xf32, #tpu.memory_space<vmem>>, vector<1000x128xf32>,
    return
  }
  func.func @transform_0(%arg0: i32) -> (i32, i32, i32) {
    %c0_i32 = arith.constant 0 : i32
    %c0_i32_0 = arith.constant 0 : i32
    %c0_i32_1 = arith.constant 0 : i32
    return %c0_i32, %arg0, %c0_i32_0 : i32, i32, i32
  }
  func.func @transform_1(%arg0: i32) -> (i32, i32, i32) {
    %c1_i32 = arith.constant 1 : i32
    %c0_i32 = arith.constant 0 : i32
    %c0_i32_0 = arith.constant 0 : i32
    return %c1_i32, %arg0, %c0_i32 : i32, i32, i32
  }
  func.func @transform_2(%arg0: i32) -> (i32, i32) {
    %c0_i32 = arith.constant 0 : i32
    %c0_i32_0 = arith.constant 0 : i32
    return %arg0, %c0_i32 : i32, i32
  }
  func.func @transform_3(%arg0: i32) -> (i32, i32) {
    %c0_i32 = arith.constant 0 : i32
    %c0_i32_0 = arith.constant 0 : i32
    return %arg0, %c0_i32 : i32, i32
  }
  func.func @transform_4(%arg0: i32) -> (i32, i32) {
    %c0_i32 = arith.constant 0 : i32
    %c0_i32_0 = arith.constant 0 : i32
    %c0_i32_1 = arith.constant 0 : i32
    return %c0_i32, %c0_i32_0 : i32, i32
  }
  func.func @transform_5(%arg0: i32) -> (i32, i32) {
    %c0_i32 = arith.constant 0 : i32
    %c0_i32_0 = arith.constant 0 : i32
    return %arg0, %c0_i32 : i32, i32
  }
}

</mosaic_0001>

<sc_bundles>
// kernel: kernel.12.cloned.1.call-start
scs
__scs_entry_jumppad:
0x0: {  	(pc) =	sbr.rel $0x88, $3  }
0x1: {  	(tag) =	ssettag $0x0;
	lr =	simm.s32 $0x1  }
0x2: {  	[smem:$0x3F9B] =	sst lr;
	_ =	strace $0xD0000000  }
0x3: {  	_ = 	snop  }
0x4: {  	_ = 	snop  }
0x5: {  	_ = 	snop  }
0x6: {  	_ = 	snop  }
0x7: {  	_ = 	snop  }
__scs_overlays_trampoline_lowered:
0x8: {  	[smem:$0x3FAA] =	sst s0  }
0x9: {  	[smem:$0x3FAB] =	sst s1  }
0xa: {  	[smem:$0x3FAC] =	sst s2  }
0xb: {  	[smem:$0x3FAD] =	sst s3  }
0xc: {  	[smem:$0x3FAE] =	sst s4  }
0xd: {  	[smem:$0x3FAF] =	sst s5  }
0xe: {  	[smem:$0x3FB0] =	sst s6  }
0xf: {  	[smem:$0x3FB1] =	sst s7  }
0x10: {  	[smem:$0x3FB2] =	sst s8  }
0x11: {  	[smem:$0x3FB3] =	sst s9;
	s0 =	simm.s32 @!p0 $0x0  }
0x12: {  	s1 =	sld [smem:$0x3F99];
	s0 =	simm.s32 @p0 $0x1  }
0x13: {  	[smem:$0x3FB4] =	sst s0;
	s0 =	simm.s32 @!p1 $0x0  }
0x14: {  	s2 =	sld [smem:$0x3F98];
	s0 =	simm.s32 @p1 $0x1  }
0x15: {  	[smem:$0x3FB5] =	sst s0;
	s0 =	simm.s32 @!p2 $0x0  }
0x16: {  	s3 =	sld [smem:$0x3FDB];
	s0 =	simm.s32 @p2 $0x1  }
0x17: {  	s4 =	simm.s32 $0x1BF5;
	[smem:$0x3FB7] =	sst s0  }
0x18: {  	s0 =	sld [smem:$0x3F9A];
	_ =	swait.ge [sflag:s4], $0x0  }
0x19: {  	s7 =	sld [smem:$0x3F9B]  }
0x1a: {  	s8 =	sadd.s32 $0xFFFFE003, lr  }
0x1b: {  	s9 =	sadd.s32 $0xFFFFFEF7, lr;
	s5 =	simm.s32 $0xFFFFFFFF;
	p2 =	slt.u32 s8, $0xFFFFF086  }
0x1c: {  	p1 =	slt.u32 s9, $0xF7A;
	s5 =	simm.s32 @!p2 $0x0  }
0x1d: {  	s5 =	simm.s32 @p1 $0x1;
	p0 =	seq.s32 s7, s2  }
0x1e: {  	s7 =	smul.u32 @!p0 $0xF7A, s2;
	p2 =	seq.s32 @!p0 s5, $0x0  }
0x1f: {  	s9 =	smul.u32 $0xF7A, s1;
	s8 =	simm.s32 @!p0 $0x1BF5;
	p2 =	por !p2, p0  }
0x20: {  	[sflag:s8] =	ssyncset.s32 @!p0 $0xFFFFF086;
	s6 =	sadd.s32 @!p0 s3, s7;
	s7 =	simm.s32 @!p0 $0x108  }
0x21: {  	s3 =	sadd.s32 s3, s9;
	s6 =	sadd.s32 @!p0 $0x88, s6;
	s7 =	simm.s32 @p2 $0x1082  }
0x22: {  	[simem:s7], [sflag:s8] =	dma.local @!p0 [hbm:s6], $0xF7A  }
0x23: {  	s9 =	sor.u32 $0xD0000000, s2;
	s6 =	simm.s32 $0x108;
	_ =	swait.ge @!p0 [sflag:s8], $0x0  }
0x24: {  	s3 =	sadd.s32 $0x88, s3;
	s6 =	simm.s32 @!p1 $0x1082;
	[sflag:s4] =	ssyncset.s32 $0xFFFFF086  }
0x25: {  	[simem:s6], [sflag:s4] =	dma.local [hbm:s3], $0xF7A  }
0x26: {  	[smem:$0x3F9B] =	sst s1;
	(tag) =	ssettag s2;
	_ =	strace s9  }
0x27: {  	s1 =	sld [smem:$0x3FAB]  }
0x28: {  	s2 =	sld [smem:$0x3FAC]  }
0x29: {  	s4 =	sld [smem:$0x3FAE]  }
0x2a: {  	p0 =	seq.s32 s5, $0x0;
	s5 =	sld [smem:$0x3FAF]  }
0x2b: {  	s6 =	sld [smem:$0x3FB0]  }
0x2c: {  	s7 =	sld [smem:$0x3FB1]  }
0x2d: {  	s3 =	simm.s32 $0x108;
	s8 =	sld [smem:$0x3FB2]  }
0x2e: {  	s3 =	simm.s32 @!p0 $0x1082;
	s9 =	sld [smem:$0x3FB3]  }
0x2f: {  	lr =	sadd.s32 s0, s3;
	s0 =	sld [smem:$0x3FAA]  }
0x30: {  	s3 =	sld [smem:$0x3FAD]  }
0x31: {  	[smem:$0x3FB6] =	sst s10  }
0x32: {  	s10 =	sld [smem:$0x3FB4];
	_ =	sdelay $0x3  }
0x33: {  	p0 =	seq.s32 s10, $0x1;
	s10 =	sld [smem:$0x3FB6];
	_ =	sdelay $0x3  }
0x34: {  	[smem:$0x3FB6] =	sst s10  }
0x35: {  	s10 =	sld [smem:$0x3FB5];
	_ =	sdelay $0x3  }
0x36: {  	p1 =	seq.s32 s10, $0x1;
	s10 =	sld [smem:$0x3FB6];
	_ =	sdelay $0x3  }
0x37: {  	[smem:$0x3FB6] =	sst s10  }
0x38: {  	s10 =	sld [smem:$0x3FB7]  }
0x39: {  	_ = 	snop;
	(pc) =	sbr.ind lr, $3  }
0x3a: {  	_ = 	snop  }
0x3b: {  	_ = 	snop  }
0x3c: {  	p2 =	seq.s32 s10, $0x1;
	s10 =	sld [smem:$0x3FB6]  }
0x3d: {  	_ =	shalt  }
0x3e: {  	_ =	shalt  }
0x3f: {  	_ =	shalt  }
0x40: {  	_ =	shalt  }
0x41: {  	_ =	shalt  }
0x42: {  	_ =	shalt  }
0x43: {  	_ =	shalt  }
0x44: {  	_ =	shalt  }
0x45: {  	_ =	shalt  }
0x46: {  	_ =	shalt  }
0x47: {  	_ =	shalt  }
0x48: {  	_ =	shalt  }
0x49: {  	_ =	shalt  }
0x4a: {  	_ =	shalt  }
0x4b: {  	_ =	shalt  }
0x4c: {  	_ =	shalt  }
0x4d: {  	_ =	shalt  }
0x4e: {  	_ =	shalt  }
0x4f: {  	_ =	shalt  }
0x50: {  	_ =	shalt  }
0x51: {  	_ =	shalt  }
0x52: {  	_ =	shalt  }
0x53: {  	_ =	shalt  }
0x54: {  	_ =	shalt  }
0x55: {  	_ =	shalt  }
0x56: {  	_ =	shalt  }
0x57: {  	_ =	shalt  }
0x58: {  	_ =	shalt  }
0x59: {  	_ =	shalt  }
0x5a: {  	_ =	shalt  }
0x5b: {  	_ =	shalt  }
0x5c: {  	_ =	shalt  }
0x5d: {  	_ =	shalt  }
0x5e: {  	_ =	shalt  }
0x5f: {  	_ =	shalt  }
0x60: {  	_ =	shalt  }
0x61: {  	_ =	shalt  }
0x62: {  	_ =	shalt  }
0x63: {  	_ =	shalt  }
0x64: {  	_ =	shalt  }
0x65: {  	_ =	shalt  }
0x66: {  	_ =	shalt  }
0x67: {  	_ =	shalt  }
0x68: {  	_ =	shalt  }
0x69: {  	_ =	shalt  }
0x6a: {  	_ =	shalt  }
0x6b: {  	_ =	shalt  }
0x6c: {  	_ =	shalt  }
0x6d: {  	_ =	shalt  }
0x6e: {  	_ =	shalt  }
0x6f: {  	_ =	shalt  }
0x70: {  	_ =	shalt  }
0x71: {  	_ =	shalt  }
0x72: {  	_ =	shalt  }
0x73: {  	_ =	shalt  }
0x74: {  	_ =	shalt  }
0x75: {  	_ =	shalt  }
0x76: {  	_ =	shalt  }
0x77: {  	_ =	shalt  }
0x78: {  	_ =	shalt  }
0x79: {  	_ =	shalt  }
0x7a: {  	_ =	shalt  }
0x7b: {  	_ =	shalt  }
0x7c: {  	_ =	shalt  }
0x7d: {  	_ =	shalt  }
0x7e: {  	_ =	shalt  }
0x7f: {  	_ =	shalt  }
0x80: {  	_ =	shalt  }
0x81: {  	_ =	shalt  }
0x82: {  	_ =	shalt  }
0x83: {  	_ =	shalt  }
0x84: {  	_ =	shalt  }
0x85: {  	_ =	shalt  }
0x86: {  	_ =	shalt  }
0x87: {  	_ =	shalt  }
.Lfunc_end0:
.L_simem_size_0:
called_computation.1_lowered:
.L_overlay_start_0:
0x88: {  	s2 =	sld [smem:$0x3FD9]  }
0x89: {  	s3 =	sld [smem:$0x3FFE];
	_ =	sdelay $0x1  }
0x8a: {  	s1 =	srdreg.scid  }
0x8b: {  	s0 =	sand.u32 $0x1, s1  }
0x8c: {  	s17 =	sshll.u32 s0, $0xA;
	s2 =	sadd.s32 s3, s2  }
0x8d: {  	s2 =	sadd.s32 s2, s17  }
0x8e: {  	[smem:$0x3FC2] =	sst s2  }
0x8f: {  	_ = 	snop  }
0x90: {  	s2 =	sld [smem:$0x3FD0];
	(tm) =	ssettm $0x1  }
0x91: {  	s18 =	sld [smem:$0x3FFB];
	_ =	sdelay $0x3  }
0x92: {  	_ =	strace s18  }
0x93: {  	s3 =	sld [smem:$0x3FFC];
	_ =	sdelay $0x3  }
0x94: {  	_ =	strace s3  }
0x95: {  	s3 =	sld [smem:$0x3FFD];
	_ =	sdelay $0x3  }
0x96: {  	_ =	strace s3  }
0x97: {  	_ =	strace $0x8FFFFFFF  }
0x98: {  	s19 =	sld [smem:$0x3FDB];
	_ =	sdelay $0x1  }
0x99: {  	s4 =	simm.s32 $_scs_section_size  }
0x9a: {  	s5 =	simm.s32 $_size__tile_overlayer_lowered;
	s6 =	simm.s32 $_tile_overlayer_lowered  }
0x9b: {  	s22 =	simm.s32 $0x1BFF;
	s21 =	sshll.u32 s6, $0x1;
	s3 =	sadd.s32 s4, s19  }
0x9c: {  	s7 =	simm.s32 $0x0;
	s20 =	sshll.u32 s5, $0x1;
	s5 =	sadd.s32 s21, s3  }
0x9d: {  	[timem:s7], [sflag:s22] =	dma.local [hbm:s5], s20  }
0x9e: {  	_ =	swait.ge [sflag:s22], s20  }
0x9f: {  	s4 =	ssub.s32 $0x0, s20;
	[sflag:s22] =	ssyncset.done $0x0  }
0xa0: {  	[sflag:s22] =	ssyncadd.s32 s4;
	_ =	sdelay $0x1  }
0xa1: {  	s23 =	simm.s32 $0x1B8B  }
0xa2: {  	_ =	swait.ge [sflag:s23], $0x1  }
0xa3: {  	[sflag:s23] =	ssyncset.done $0x0  }
0xa4: {  	s25 =	simm.s32 $0x1B8E;
	s24 =	sld [smem:$0x3FFE];
	[sflag:s23] =	ssyncadd.s32 $0xFFFFFFFF  }
0xa5: {  	s26 =	simm.s32 $execute0_lowered;
	[smem:$0x3FD2] =	sst s25  }
0xa6: {  	s5 =	sshll.u32 s26, $0x1;
	_ =	strace $0x80000049;
	[dreg:$0x1] =	wrdreg $0xFFFFFFFF  }
0xa7: {  	s28 =	simm.s32 $_size_execute0_lowered;
	s3 =	sadd.s32 s3, s5;
	[dreg:$0x0] =	wrdreg $0x0  }
0xa8: {  	s5 =	sshll.u32 s28, $0x1;
	[dreg:$0x2] =	wrdreg s3  }
0xa9: {  	[dreg:$0x3] =	wrdreg s5  }
0xaa: {  	[dreg:$0x4] =	wrdreg $0xC0  }
0xab: {  	_ =	task [dreg:s7], $0x5FFFF  }
0xac: {  	[dreg:$0x1] =	wrdreg $0xFFFFFFFF  }
0xad: {  	[dreg:$0x0] =	wrdreg $0x60  }
0xae: {  	[dreg:$0x2] =	wrdreg s24  }
0xaf: {  	[dreg:$0x3] =	wrdreg s2  }
0xb0: {  	[dreg:$0x4] =	wrdreg $0xB7800  }
0xb1: {  	[dreg:$0x5] =	wrdreg $0x9  }
0xb2: {  	_ =	task.clear_ibuf [dreg:s7], $0x6FFFF;
	_ =	strace $0x90000049  }
0xb3: {  	s29 =	simm.s32 $0x9;
	_ =	strace $0x8000004B  }
0xb4: {  	_ =	swait.ge [sflag:s29], $0x1  }
0xb5: {  	[sflag:s29] =	ssyncadd.s32 $0xFFFFFFFF  }
0xb6: {  	_ =	strace $0x9000004B  }
0xb7: {  	_ =	sfence  }
0xb8: {  	s30 =	sld [smem:$0x0];
	_ =	sdelay $0x2  }
0xb9: {  	s31 =	sshll.u32 s1, $0xD;
	s1 =	sshrl.u32 s1, $0x2  }
0xba: {  	s3 =	sand.u32 $0x4000, s31;
	s1 =	sadd.s32 s1, s30  }
0xbb: {  	s0 =	sor.u32 s3, s0;
	s1 =	sshll.u32 s1, $0x11  }
0xbc: {  	s0 =	sor.u32 s1, s0  }
0xbd: {  	s0 =	sadd.s32 $0x8F2B, s0  }
0xbe: {  	[sflag:s0] =	ssyncadd.remote.s32 $0x1  }
0xbf: {  	_ =	sfence.sel $0xFFFF  }
0xc0: {  	[dreg:$0x0] =	wrdreg $0xFFFFFFFF;
	(pc) =	sbr.abs _section_cstart, $3  }
0xc1: {  	[dreg:$0x1] =	wrdreg $0xFFFFFFFF  }
0xc2: {  	_ =	task.clear_ibuf [dreg:s7], $0x2FFFF;
	_ =	strace $0x9FFFFFFF  }
0xc3: {  	(tm) =	ssettm $0x7FFFFFFF  }
tec
execute0_lowered:
.L_overlay_start_1:
0x0: {  	(tag) =	ssettag $0x1  }
0x1: {  	s0 =	rddreg [dreg:$0x0]  }
0x2: {  	s2 =	rddreg [dreg:$0x1];
	s1 =	srdreg.scid  }
0x3: {  	s10 =	stileid.u32;
	s3 =	rddreg [dreg:$0x2]  }
0x4: {  	s5 =	simm.s32 $0x0;
	s18 =	simm.s32 $0x18;
	s19 =	simm.s32 $0x6780  }
0x5: {  	s20 =	simm.s32 $0x7380;
	s28 =	simm.s32 $0x4;
	s29 =	simm.s32 $0x5  }
0x6: {  	s30 =	simm.s32 $0x6;
	s31 =	simm.s32 $0x50;
	s6 =	smul.u32 $0x50000, s10  }
0x7: {  	s12 =	simm.s32 $0xC;
	s1 =	sand.u32 $0x1, s1;
	s8 =	smul.u32 $0x2800, s10  }
0x8: {  	s4 =	sshll.u32 s10, $0x1;
	[smem:$0x7FF] =	sst s5;
	s22 =	smul.u32 $0x14000, s10  }
0x9: {  	s25 =	sadd.s32 $0x25800, s2;
	p0 =	seq.s32 s10, $0xF;
	s4 =	sor.u32 s1, s4  }
0xa: {  	_ =	strace $0x8000004A;
	s7 =	ssub.s32 $0x2, s1;
	s1 =	smul.u32 $0x138800, s1  }
0xb: {  	[dreg:$0x7] =	wrdreg s25;
	s25 =	simm.s32 $0x8780;
	s21 =	smul.u32 $0x4E2, s4  }
0xc: {  	s4 =	sshll.u32 s4, $0xB;
	s9 =	sshrl.u32 s7, $0x1;
	s6 =	sshrl.u32 s6, $0x2  }
0xd: {  	s23 =	sadd.s32 s2, s8;
	s8 =	simm.s32 $0xA;
	s4 =	sadd.s32 s4, s0  }
0xe: {  	s7 =	ssub.s32 s7, s9;
	[dreg:$0x6] =	wrdreg s23;
	s24 =	sadd.s32 s22, s1  }
0xf: {  	s1 =	sshrl.u32 s1, $0x3;
	s23 =	simm.s32 $0x7F80;
	s22 =	simm.s32 $0x9B80  }
0x10: {  	s9 =	simm.s32 $0xB;
	s5 =	sadd.s32 s21, s0;
	s0 =	sadd.s32 $0x1BE00, s0  }
0x11: {  	s4 =	sadd.s32 $0xBE00, s4;
	s26 =	smax.u32 s7, $0x1;
	s21 =	simm.s32 $0x10  }
0x12: {  	s7 =	simm.s32 $0x9;
	s5 =	sadd.s32 $0x2000, s5;
	[dreg:$0x5] =	wrdreg s4  }
0x13: {  	s4 =	sadd.s32 s6, s3;
	s6 =	sshrl.u32 s24, $0x3;
	[dreg:$0xa] =	wrdreg s26  }
0x14: {  	s26 =	simm.s32 $0x3;
	s24 =	simm.s32 $0xAF80;
	[dreg:$0x4] =	wrdreg s5  }
0x15: {  	s5 =	sadd.s32 $0x12C000, s3;
	s6 =	sadd.s32 s0, s6;
	s0 =	sadd.s32 s0, s1  }
0x16: {  	s15 =	sshrl.u32 @!p0 s4, $0x3;
	s1 =	simm.s32 $0x8F80;
	[dreg:$0x8] =	wrdreg s6  }
0x17: {  	s0 =	sadd.s32 $0x25800, s0;
	s13 =	sshrl.u32 @p0 s5, $0x3;
	s5 =	simm.s32 $0x7  }
0x18: {  	s6 =	simm.s32 $0x8;
	[dreg:$0x9] =	wrdreg s0;
	s0 =	sshll.u32 @!p0 s10, $0x6  }
0x19: {  	s10 =	simm.s32 $0x0;
	s14 =	sor.u32 @!p0 $0x1C0D, s0;
	s0 =	simm.s32 $0xA780  }
.LBB2_1:
0x1a: {  	s11 =	simm.s32 $0x0;
	s4 =	rddreg [dreg:$0x4]  }
0x1b: {  	[tilespmem:s11], [sflag:$0x1] =	stream.linear.gather [hbm4b:s4+s11], $0x2710, $0x38;
	[tilespmem:$0x1F000] =	vst v63  }
0x1c: {  	s16 =	rddreg [dreg:$0x5];
	s17 =	simm.s32 $0x2780  }
0x1d: {  	[tilespmem:s17], [sflag:$0x2] =	stream.linear.gather [hbm4b:s16+s11], $0x3E80, $0x38;
	[tilespmem:$0x1F000] =	vst v63  }
0x1e: {  	s4 =	simm.s32 @p0 $0x1FCD;
	s16 =	rddreg [dreg:$0x7]  }
0x1f: {  	[spmem:s13], [sflag:s4] =	dma.local @p0 [hbm:s16], $0x1900  }
0x20: {  	s4 =	simm.s32 @p0 $0xD  }
0x21: {  	_ =	swait.ge @p0 [sflag:s4], $0x1900  }
0x22: {  	[sflag:s4] =	ssyncset.done @p0 $0x0  }
0x23: {  	[sflag:s4] =	ssyncadd.s32 @p0 $0xFFFFE700;
	s4 =	rddreg [dreg:$0x6]  }
0x24: {  	[spmem:s15], [sflag:s14] =	dma.local @!p0 [hbm:s4], $0x2800  }
0x25: {  	s4 =	simm.s32 @!p0 $0xD  }
0x26: {  	_ =	swait.ge @!p0 [sflag:s4], $0x2800  }
0x27: {  	[sflag:s4] =	ssyncset.done @!p0 $0x0  }
0x28: {  	s16 =	simm.s32 $0x1;
	[sflag:s4] =	ssyncadd.s32 @!p0 $0xFFFFD800  }
0x29: {  	_ =	swait.ge [sflag:s16], $0x2710  }
0x2a: {  	[sflag:s16] =	ssyncset.done $0x0  }
0x2b: {  	[sflag:s16] =	ssyncadd.s32 $0xFFFFD8F0;
	s16 =	simm.s32 $0x2  }
0x2c: {  	_ =	swait.ge [sflag:s16], $0x3E80  }
0x2d: {  	[sflag:s16] =	ssyncset.done $0x0  }
0x2e: {  	[sflag:s16] =	ssyncadd.s32 $0xFFFFC180  }
0x2f: {  	[tilespmem:s19], [sflag:$0x3] =	stream.indirect.gather [hbm4b:s2+s18], $0x80, s11, s18, $0xb8;
	[tilespmem:$0x1F000] =	vst v63  }
0x30: {  	_ = 	snop  }
0x31: {  	[tilespmem:s20], [sflag:$0x4] =	stream.indirect.gather [hbm4b:s2+s18], $0x80, s18, s18, $0xb8;
	[tilespmem:$0x1F000] =	vst v63  }
0x32: {  	s11 =	simm.s32 $0x30  }
0x33: {  	[tilespmem:s23], [sflag:$0x5] =	stream.indirect.gather [hbm4b:s2+s21], $0x80, s11, s21, $0xb8;
	[tilespmem:$0x1F000] =	vst v63  }
0x34: {  	s16 =	simm.s32 $0x40  }
0x35: {  	[tilespmem:s25], [sflag:$0x6] =	stream.indirect.gather [hbm4b:s2+s21], $0x80, s16, s21, $0xb8;
	[tilespmem:$0x1F000] =	vst v63  }
0x36: {  	[bflag:$0x0] =	sbarrier.arrive $0xFFFF  }
0x37: {  	_ =	swait.ge [sflag:s26], $0xC00  }
0x38: {  	[sflag:s26] =	ssyncset.done $0x0  }
0x39: {  	[sflag:s26] =	ssyncadd.s32 $0xFFFFF400  }
0x3a: {  	_ =	swait.ge [sflag:s28], $0xC00  }
0x3b: {  	[sflag:s28] =	ssyncset.done $0x0  }
0x3c: {  	[sflag:s28] =	ssyncadd.s32 $0xFFFFF400  }
0x3d: {  	_ =	swait.ge [sflag:s29], $0x800  }
0x3e: {  	[sflag:s29] =	ssyncset.done $0x0  }
0x3f: {  	[sflag:s29] =	ssyncadd.s32 $0xFFFFF800  }
0x40: {  	_ =	swait.ge [sflag:s30], $0x800  }
0x41: {  	[sflag:s30] =	ssyncset.done $0x0  }
0x42: {  	[sflag:s30] =	ssyncadd.s32 $0xFFFFF800  }
0x43: {  	[tilespmem:s1], [sflag:$0x7] =	stream.indirect.gather [hbm4b:s2+s18], $0x80, s31, s18, $0xb8;
	[tilespmem:$0x1F000] =	vst v63  }
0x44: {  	s11 =	simm.s32 $0x68  }
0x45: {  	[tilespmem:s22], [sflag:$0x8] =	stream.indirect.gather [hbm4b:s2+s18], $0x80, s11, s18, $0xb8;
	[tilespmem:$0x1F000] =	vst v63  }
0x46: {  	s16 =	simm.s32 $0x80  }
0x47: {  	[tilespmem:s0], [sflag:$0x9] =	stream.indirect.gather [hbm4b:s2+s21], $0x80, s16, s21, $0xb8;
	[tilespmem:$0x1F000] =	vst v63  }
0x48: {  	s11 =	simm.s32 $0x90  }
0x49: {  	[tilespmem:s24], [sflag:$0xA] =	stream.indirect.gather [hbm4b:s2+s21], $0x80, s11, s21, $0xb8;
	[tilespmem:$0x1F000] =	vst v63  }
0x4a: {  	_ = 	snop  }
0x4b: {  	[spmem:s3] =	stream.indirect.scatter.add.f32 [tilespmem:s19], [sflag:$0xB], $0x80, s17, s31, $0xb8;
	[tilespmem:$0x1F000] =	vst v63  }
0x4c: {  	_ =	swait.ge [sflag:s5], $0xC00  }
0x4d: {  	[sflag:s5] =	ssyncset.done $0x0  }
0x4e: {  	[sflag:s5] =	ssyncadd.s32 $0xFFFFF400  }
0x4f: {  	_ =	swait.ge [sflag:s6], $0xC00  }
0x50: {  	[sflag:s6] =	ssyncset.done $0x0  }
0x51: {  	[sflag:s6] =	ssyncadd.s32 $0xFFFFF400  }
0x52: {  	_ =	swait.ge [sflag:s7], $0x800  }
0x53: {  	[sflag:s7] =	ssyncset.done $0x0  }
0x54: {  	[sflag:s7] =	ssyncadd.s32 $0xFFFFF800  }
0x55: {  	_ =	swait.ge [sflag:s8], $0x800  }
0x56: {  	[sflag:s8] =	ssyncset.done $0x0  }
0x57: {  	[sflag:s8] =	ssyncadd.s32 $0xFFFFF800  }
0x58: {  	_ =	swait.ge [sflag:s9], $0x2800  }
0x59: {  	[sflag:s9] =	ssyncset.done $0x0  }
0x5a: {  	s16 =	simm.s32 $0xA0;
	[sflag:s9] =	ssyncadd.s32 $0xFFFFD800  }
0x5b: {  	[tilespmem:s19], [sflag:$0x3] =	stream.indirect.gather [hbm4b:s2+s18], $0x80, s16, s18, $0xb8;
	[tilespmem:$0x1F000] =	vst v63  }
0x5c: {  	s17 =	simm.s32 $0xB8  }
0x5d: {  	[tilespmem:s20], [sflag:$0x4] =	stream.indirect.gather [hbm4b:s2+s18], $0x80, s17, s18, $0xb8;
	[tilespmem:$0x1F000] =	vst v63  }
0x5e: {  	s11 =	simm.s32 $0xD0  }
0x5f: {  	[tilespmem:s23], [sflag:$0x5] =	stream.indirect.gather [hbm4b:s2+s21], $0x80, s11, s21, $0xb8;
	[tilespmem:$0x1F000] =	vst v63  }
0x60: {  	s16 =	simm.s32 $0xE0  }
0x61: {  	[tilespmem:s25], [sflag:$0x6] =	stream.indirect.gather [hbm4b:s2+s21], $0x80, s16, s21, $0xb8;
	[tilespmem:$0x1F000] =	vst v63  }
0x62: {  	s17 =	simm.s32 $0x2800  }
0x63: {  	[spmem:s3] =	stream.indirect.scatter.add.f32 [tilespmem:s1], [sflag:$0xC], $0x80, s17, s31, $0xb8;
	[tilespmem:$0x1F000] =	vst v63  }
0x64: {  	_ =	swait.ge [sflag:s26], $0xC00  }
0x65: {  	[sflag:s26] =	ssyncset.done $0x0  }
0x66: {  	[sflag:s26] =	ssyncadd.s32 $0xFFFFF400  }
0x67: {  	_ =	swait.ge [sflag:s28], $0xC00  }
0x68: {  	[sflag:s28] =	ssyncset.done $0x0  }
0x69: {  	[sflag:s28] =	ssyncadd.s32 $0xFFFFF400  }
0x6a: {  	_ =	swait.ge [sflag:s29], $0x800  }
0x6b: {  	[sflag:s29] =	ssyncset.done $0x0  }
0x6c: {  	[sflag:s29] =	ssyncadd.s32 $0xFFFFF800  }
0x6d: {  	_ =	swait.ge [sflag:s30], $0x800  }
0x6e: {  	[sflag:s30] =	ssyncset.done $0x0  }
0x6f: {  	[sflag:s30] =	ssyncadd.s32 $0xFFFFF800  }
0x70: {  	_ =	swait.ge [sflag:s12], $0x2800  }
0x71: {  	[sflag:s12] =	ssyncset.done $0x0  }
0x72: {  	s11 =	simm.s32 $0xF0;
	[sflag:s12] =	ssyncadd.s32 $0xFFFFD800  }
0x73: {  	[tilespmem:s1], [sflag:$0x7] =	stream.indirect.gather [hbm4b:s2+s18], $0x80, s11, s18, $0xb8;
	[tilespmem:$0x1F000] =	vst v63  }
0x74: {  	s16 =	simm.s32 $0x108  }
0x75: {  	[tilespmem:s22], [sflag:$0x8] =	stream.indirect.gather [hbm4b:s2+s18], $0x80, s16, s18, $0xb8;
	[tilespmem:$0x1F000] =	vst v63  }
0x76: {  	s17 =	simm.s32 $0x120  }
0x77: {  	[tilespmem:s0], [sflag:$0x9] =	stream.indirect.gather [hbm4b:s2+s21], $0x80, s17, s21, $0xb8;
	[tilespmem:$0x1F000] =	vst v63  }
0x78: {  	s11 =	simm.s32 $0x130  }
0x79: {  	[tilespmem:s24], [sflag:$0xA] =	stream.indirect.gather [hbm4b:s2+s21], $0x80, s11, s21, $0xb8;
	[tilespmem:$0x1F000] =	vst v63  }
0x7a: {  	s16 =	simm.s32 $0x2880  }
0x7b: {  	[spmem:s3] =	stream.indirect.scatter.add.f32 [tilespmem:s19], [sflag:$0xB], $0x80, s16, s31, $0xb8;
	[tilespmem:$0x1F000] =	vst v63  }
0x7c: {  	_ =	swait.ge [sflag:s5], $0xC00  }
0x7d: {  	[sflag:s5] =	ssyncset.done $0x0  }
0x7e: {  	[sflag:s5] =	ssyncadd.s32 $0xFFFFF400  }
0x7f: {  	_ =	swait.ge [sflag:s6], $0xC00  }
0x80: {  	[sflag:s6] =	ssyncset.done $0x0  }
0x81: {  	[sflag:s6] =	ssyncadd.s32 $0xFFFFF400  }
0x82: {  	_ =	swait.ge [sflag:s7], $0x800  }
0x83: {  	[sflag:s7] =	ssyncset.done $0x0  }
0x84: {  	[sflag:s7] =	ssyncadd.s32 $0xFFFFF800  }
0x85: {  	_ =	swait.ge [sflag:s8], $0x800  }
0x86: {  	[sflag:s8] =	ssyncset.done $0x0  }
0x87: {  	[sflag:s8] =	ssyncadd.s32 $0xFFFFF800  }
0x88: {  	_ =	swait.ge [sflag:s9], $0x2800  }
0x89: {  	[sflag:s9] =	ssyncset.done $0x0  }
0x8a: {  	s17 =	simm.s32 $0x140;
	[sflag:s9] =	ssyncadd.s32 $0xFFFFD800  }
0x8b: {  	[tilespmem:s19], [sflag:$0x3] =	stream.indirect.gather [hbm4b:s2+s18], $0x80, s17, s18, $0xb8;
	[tilespmem:$0x1F000] =	vst v63  }
0x8c: {  	s11 =	simm.s32 $0x158  }
0x8d: {  	[tilespmem:s20], [sflag:$0x4] =	stream.indirect.gather [hbm4b:s2+s18], $0x80, s11, s18, $0xb8;
	[tilespmem:$0x1F000] =	vst v63  }
0x8e: {  	s4 =	simm.s32 $0x2980;
	s16 =	simm.s32 $0x170  }
0x8f: {  	[tilespmem:s23], [sflag:$0x5] =	stream.indirect.gather [hbm4b:s2+s21], $0x80, s16, s21, $0xb8;
	[tilespmem:$0x1F000] =	vst v63  }
0x90: {  	s17 =	simm.s32 $0x180;
	s11 =	simm.s32 $0x280;
	s16 =	simm.s32 $0x2900  }
0x91: {  	[tilespmem:s25], [sflag:$0x6] =	stream.indirect.gather [hbm4b:s2+s21], $0x80, s17, s21, $0xb8;
	[tilespmem:$0x1F000] =	vst v63  }
.LBB2_2:
0x92: {  	[spmem:s3] =	stream.indirect.scatter.add.f32 [tilespmem:s1], [sflag:$0xC], $0x80, s16, s31, $0xb8;
	[tilespmem:$0x1F000] =	vst v63  }
0x93: {  	s16 =	smov.u32 s11  }
0x94: {  	p1 =	sne.s32 s11, $0x9600;
	s11 =	sadd.s32 $0x280, s11;
	_ =	swait.ge [sflag:s26], $0xC00  }
0x95: {  	[sflag:s26] =	ssyncset.done $0x0  }
0x96: {  	[sflag:s26] =	ssyncadd.s32 $0xFFFFF400  }
0x97: {  	_ =	swait.ge [sflag:s28], $0xC00  }
0x98: {  	[sflag:s28] =	ssyncset.done $0x0  }
0x99: {  	[sflag:s28] =	ssyncadd.s32 $0xFFFFF400  }
0x9a: {  	_ =	swait.ge [sflag:s29], $0x800  }
0x9b: {  	[sflag:s29] =	ssyncset.done $0x0  }
0x9c: {  	[sflag:s29] =	ssyncadd.s32 $0xFFFFF800  }
0x9d: {  	_ =	swait.ge [sflag:s30], $0x800  }
0x9e: {  	[sflag:s30] =	ssyncset.done $0x0  }
0x9f: {  	[sflag:s30] =	ssyncadd.s32 $0xFFFFF800  }
0xa0: {  	_ =	swait.ge [sflag:s12], $0x2800  }
0xa1: {  	s16 =	sshra.s32 s16, $0x2;
	[sflag:s12] =	ssyncset.done $0x0  }
0xa2: {  	s17 =	sadd.s32 $0xF0, s16;
	[sflag:s12] =	ssyncadd.s32 $0xFFFFD800  }
0xa3: {  	[tilespmem:s1], [sflag:$0x7] =	stream.indirect.gather [hbm4b:s2+s18], $0x80, s17, s18, $0xb8;
	[tilespmem:$0x1F000] =	vst v63  }
0xa4: {  	s17 =	sadd.s32 $0x108, s16  }
0xa5: {  	[tilespmem:s22], [sflag:$0x8] =	stream.indirect.gather [hbm4b:s2+s18], $0x80, s17, s18, $0xb8;
	[tilespmem:$0x1F000] =	vst v63  }
0xa6: {  	s17 =	sadd.s32 $0x120, s16  }
0xa7: {  	[tilespmem:s0], [sflag:$0x9] =	stream.indirect.gather [hbm4b:s2+s21], $0x80, s17, s21, $0xb8;
	[tilespmem:$0x1F000] =	vst v63  }
0xa8: {  	s17 =	sadd.s32 $0x130, s16  }
0xa9: {  	[tilespmem:s24], [sflag:$0xA] =	stream.indirect.gather [hbm4b:s2+s21], $0x80, s17, s21, $0xb8;
	[tilespmem:$0x1F000] =	vst v63  }
0xaa: {  	_ = 	snop  }
0xab: {  	[spmem:s3] =	stream.indirect.scatter.add.f32 [tilespmem:s19], [sflag:$0xB], $0x80, s4, s31, $0xb8;
	[tilespmem:$0x1F000] =	vst v63  }
0xac: {  	_ =	swait.ge [sflag:s5], $0xC00  }
0xad: {  	[sflag:s5] =	ssyncset.done $0x0  }
0xae: {  	[sflag:s5] =	ssyncadd.s32 $0xFFFFF400  }
0xaf: {  	_ =	swait.ge [sflag:s6], $0xC00  }
0xb0: {  	[sflag:s6] =	ssyncset.done $0x0  }
0xb1: {  	[sflag:s6] =	ssyncadd.s32 $0xFFFFF400  }
0xb2: {  	_ =	swait.ge [sflag:s7], $0x800  }
0xb3: {  	[sflag:s7] =	ssyncset.done $0x0  }
0xb4: {  	[sflag:s7] =	ssyncadd.s32 $0xFFFFF800  }
0xb5: {  	_ =	swait.ge [sflag:s8], $0x800  }
0xb6: {  	[sflag:s8] =	ssyncset.done $0x0  }
0xb7: {  	[sflag:s8] =	ssyncadd.s32 $0xFFFFF800  }
0xb8: {  	_ =	swait.ge [sflag:s9], $0x2800  }
0xb9: {  	[sflag:s9] =	ssyncset.done $0x0  }
0xba: {  	s17 =	sadd.s32 $0x140, s16;
	[sflag:s9] =	ssyncadd.s32 $0xFFFFD800  }
0xbb: {  	[tilespmem:s19], [sflag:$0x3] =	stream.indirect.gather [hbm4b:s2+s18], $0x80, s17, s18, $0xb8;
	[tilespmem:$0x1F000] =	vst v63  }
0xbc: {  	s17 =	sadd.s32 $0x158, s16  }
0xbd: {  	[tilespmem:s20], [sflag:$0x4] =	stream.indirect.gather [hbm4b:s2+s18], $0x80, s17, s18, $0xb8;
	[tilespmem:$0x1F000] =	vst v63  }
.Ltmp0:
0xbe: {  	s17 =	sadd.s32 $0x170, s16;
	(pc) =	sbr.rel @p1 .LBB2_2-.Ltmp0, $4  }
0xbf: {  	[tilespmem:s23], [sflag:$0x5] =	stream.indirect.gather [hbm4b:s2+s21], $0x80, s17, s21, $0xb8;
	[tilespmem:$0x1F000] =	vst v63  }
0xc0: {  	s16 =	sadd.s32 $0x180, s16  }
0xc1: {  	[tilespmem:s25], [sflag:$0x6] =	stream.indirect.gather [hbm4b:s2+s21], $0x80, s16, s21, $0xb8;
	[tilespmem:$0x1F000] =	vst v63  }
0xc2: {  	s16 =	sadd.s32 $0x80, s4;
	s4 =	sadd.s32 $0x100, s4  }
0xc3: {  	[spmem:s3] =	stream.indirect.scatter.add.f32 [tilespmem:s1], [sflag:$0xC], $0x80, s16, s31, $0xb8;
	[tilespmem:$0x1F000] =	vst v63  }
0xc4: {  	_ =	swait.ge [sflag:s26], $0xC00  }
0xc5: {  	[sflag:s26] =	ssyncset.done $0x0  }
0xc6: {  	[sflag:s26] =	ssyncadd.s32 $0xFFFFF400  }
0xc7: {  	_ =	swait.ge [sflag:s28], $0xC00  }
0xc8: {  	[sflag:s28] =	ssyncset.done $0x0  }
0xc9: {  	[sflag:s28] =	ssyncadd.s32 $0xFFFFF400  }
0xca: {  	_ =	swait.ge [sflag:s29], $0x800  }
0xcb: {  	[sflag:s29] =	ssyncset.done $0x0  }
0xcc: {  	[sflag:s29] =	ssyncadd.s32 $0xFFFFF800  }
0xcd: {  	_ =	swait.ge [sflag:s30], $0x800  }
0xce: {  	[sflag:s30] =	ssyncset.done $0x0  }
0xcf: {  	[sflag:s30] =	ssyncadd.s32 $0xFFFFF800  }
0xd0: {  	_ =	swait.ge [sflag:s12], $0x2800  }
0xd1: {  	[sflag:s12] =	ssyncset.done $0x0  }
0xd2: {  	s4 =	simm.s32 $0x6580;
	[sflag:s12] =	ssyncadd.s32 $0xFFFFD800  }
0xd3: {  	[spmem:s3] =	stream.indirect.scatter.add.f32 [tilespmem:s19], [sflag:$0xB], $0x80, s4, s31, $0xb8;
	[tilespmem:$0x1F000] =	vst v63  }
0xd4: {  	_ =	swait.ge [sflag:s9], $0x2800  }
0xd5: {  	[sflag:s9] =	ssyncset.done $0x0  }
0xd6: {  	[sflag:s9] =	ssyncadd.s32 $0xFFFFD800  }
0xd7: {  	[bflag:$0x0] =	sbarrier.arrive $0xFFFF  }
0xd8: {  	s4 =	simm.s32 @p0 $0x1FCD;
	s11 =	rddreg [dreg:$0x9]  }
0xd9: {  	[hbm:s11], [sflag:s4] =	dma.local @p0 [spmem:s13], $0x1900  }
0xda: {  	s4 =	simm.s32 @p0 $0xD  }
0xdb: {  	_ =	swait.ge @p0 [sflag:s4], $0x1900  }
0xdc: {  	[sflag:s4] =	ssyncset.done @p0 $0x0  }
0xdd: {  	[sflag:s4] =	ssyncadd.s32 @p0 $0xFFFFE700;
	s4 =	rddreg [dreg:$0x8]  }
0xde: {  	[hbm:s4], [sflag:s14] =	dma.local @!p0 [spmem:s15], $0x2800  }
0xdf: {  	s4 =	simm.s32 @!p0 $0xD  }
0xe0: {  	_ =	swait.ge @!p0 [sflag:s4], $0x2800  }
0xe1: {  	s10 =	sadd.s32 $0x1, s10;
	s17 =	rddreg [dreg:$0xa]  }
0xe2: {  	p1 =	sne.s32 s10, s17  }
.Ltmp1:
0xe3: {  	_ = 	snop;
	(pc) =	sbr.rel @p1 .LBB2_1-.Ltmp1, $3  }
0xe4: {  	_ =	sdelay $0x1  }
0xe5: {  	[sflag:s4] =	ssyncset.done @!p0 $0x0  }
0xe6: {  	[sflag:s4] =	ssyncadd.s32 @!p0 $0xFFFFD800  }
0xe7: {  	_ =	sfence.sel $0x180000  }
0xe8: {  	[bflag:$0x0] =	sbarrier.arrive $0xFFFF  }
0xe9: {  	_ =	strace $0x9000004A  }
0xea: {  	s0 =	stileid.u32;
	[bflag:$0x2] =	sbarrier.arrive $0xFFFF  }
0xeb: {  	p0 =	sne.s32 s0, $0x0;
	s0 =	rddreg [dreg:$0x3]  }
0xec: {  	s0 =	sadd.s32 @!p0 $0x100000, s0  }
0xed: {  	[sflag:s0] =	ssyncadd.tile.s32 @!p0 $0x1;
	_ =	shalt  }
.Lfunc_end2:
_tile_overlayer_lowered:
.L_overlay_start_2:
0xee: {  	(tag) =	ssettag $0x2  }
0xef: {  	s0 =	rddreg [dreg:$0x0];
	s2 =	stileid.u32  }
0xf0: {  	s1 =	rddreg [dreg:$0x1];
	p0 =	sne.s32 s2, $0x0  }
0xf1: {  	s3 =	rddreg [dreg:$0x2];
	[bflag:$0x3] =	sbarrier.arrive $0xFFFF;
	s2 =	simm.s32 @!p0 $0x1C0D  }
0xf2: {  	[timem:s3], [sflag:s2] =	dma.local @!p0 [hbm:s0], s1  }
0xf3: {  	s0 =	simm.s32 @!p0 $0xD  }
0xf4: {  	_ =	swait.ge @!p0 [sflag:s0], s1  }
0xf5: {  	s1 =	ssub.s32 @!p0 $0x0, s1;
	[sflag:s0] =	ssyncset.done @!p0 $0x0  }
0xf6: {  	[sflag:s0] =	ssyncadd.s32 @!p0 s1  }
0xf7: {  	[bflag:$0x3] =	sbarrier.arrive $0xFFFF  }
0xf8: {  	_ =	shalt  }

// kernel: kernel.15.cloned.1.call-start
scs
__scs_entry_jumppad:
0x0: {  	(pc) =	sbr.rel $0x88, $3  }
0x1: {  	(tag) =	ssettag $0x0;
	lr =	simm.s32 $0x1  }
0x2: {  	[smem:$0x3F9B] =	sst lr;
	_ =	strace $0xD0000000  }
0x3: {  	_ = 	snop  }
0x4: {  	_ = 	snop  }
0x5: {  	_ = 	snop  }
0x6: {  	_ = 	snop  }
0x7: {  	_ = 	snop  }
__scs_overlays_trampoline_lowered:
0x8: {  	[smem:$0x3FAA] =	sst s0  }
0x9: {  	[smem:$0x3FAB] =	sst s1  }
0xa: {  	[smem:$0x3FAC] =	sst s2  }
0xb: {  	[smem:$0x3FAD] =	sst s3  }
0xc: {  	[smem:$0x3FAE] =	sst s4  }
0xd: {  	[smem:$0x3FAF] =	sst s5  }
0xe: {  	[smem:$0x3FB0] =	sst s6  }
0xf: {  	[smem:$0x3FB1] =	sst s7  }
0x10: {  	[smem:$0x3FB2] =	sst s8  }
0x11: {  	[smem:$0x3FB3] =	sst s9;
	s0 =	simm.s32 @!p0 $0x0  }
0x12: {  	s1 =	sld [smem:$0x3F99];
	s0 =	simm.s32 @p0 $0x1  }
0x13: {  	[smem:$0x3FB4] =	sst s0;
	s0 =	simm.s32 @!p1 $0x0  }
0x14: {  	s2 =	sld [smem:$0x3F98];
	s0 =	simm.s32 @p1 $0x1  }
0x15: {  	[smem:$0x3FB5] =	sst s0;
	s0 =	simm.s32 @!p2 $0x0  }
0x16: {  	s3 =	sld [smem:$0x3FDB];
	s0 =	simm.s32 @p2 $0x1  }
0x17: {  	s4 =	simm.s32 $0x1BF5;
	[smem:$0x3FB7] =	sst s0  }
0x18: {  	s0 =	sld [smem:$0x3F9A];
	_ =	swait.ge [sflag:s4], $0x0  }
0x19: {  	s7 =	sld [smem:$0x3F9B]  }
0x1a: {  	s8 =	sadd.s32 $0xFFFFE003, lr  }
0x1b: {  	s9 =	sadd.s32 $0xFFFFFEF7, lr;
	s5 =	simm.s32 $0xFFFFFFFF;
	p2 =	slt.u32 s8, $0xFFFFF086  }
0x1c: {  	p1 =	slt.u32 s9, $0xF7A;
	s5 =	simm.s32 @!p2 $0x0  }
0x1d: {  	s5 =	simm.s32 @p1 $0x1;
	p0 =	seq.s32 s7, s2  }
0x1e: {  	s7 =	smul.u32 @!p0 $0xF7A, s2;
	p2 =	seq.s32 @!p0 s5, $0x0  }
0x1f: {  	s9 =	smul.u32 $0xF7A, s1;
	s8 =	simm.s32 @!p0 $0x1BF5;
	p2 =	por !p2, p0  }
0x20: {  	[sflag:s8] =	ssyncset.s32 @!p0 $0xFFFFF086;
	s6 =	sadd.s32 @!p0 s3, s7;
	s7 =	simm.s32 @!p0 $0x108  }
0x21: {  	s3 =	sadd.s32 s3, s9;
	s6 =	sadd.s32 @!p0 $0x88, s6;
	s7 =	simm.s32 @p2 $0x1082  }
0x22: {  	[simem:s7], [sflag:s8] =	dma.local @!p0 [hbm:s6], $0xF7A  }
0x23: {  	s9 =	sor.u32 $0xD0000000, s2;
	s6 =	simm.s32 $0x108;
	_ =	swait.ge @!p0 [sflag:s8], $0x0  }
0x24: {  	s3 =	sadd.s32 $0x88, s3;
	s6 =	simm.s32 @!p1 $0x1082;
	[sflag:s4] =	ssyncset.s32 $0xFFFFF086  }
0x25: {  	[simem:s6], [sflag:s4] =	dma.local [hbm:s3], $0xF7A  }
0x26: {  	[smem:$0x3F9B] =	sst s1;
	(tag) =	ssettag s2;
	_ =	strace s9  }
0x27: {  	s1 =	sld [smem:$0x3FAB]  }
0x28: {  	s2 =	sld [smem:$0x3FAC]  }
0x29: {  	s4 =	sld [smem:$0x3FAE]  }
0x2a: {  	p0 =	seq.s32 s5, $0x0;
	s5 =	sld [smem:$0x3FAF]  }
0x2b: {  	s6 =	sld [smem:$0x3FB0]  }
0x2c: {  	s7 =	sld [smem:$0x3FB1]  }
0x2d: {  	s3 =	simm.s32 $0x108;
	s8 =	sld [smem:$0x3FB2]  }
0x2e: {  	s3 =	simm.s32 @!p0 $0x1082;
	s9 =	sld [smem:$0x3FB3]  }
0x2f: {  	lr =	sadd.s32 s0, s3;
	s0 =	sld [smem:$0x3FAA]  }
0x30: {  	s3 =	sld [smem:$0x3FAD]  }
0x31: {  	[smem:$0x3FB6] =	sst s10  }
0x32: {  	s10 =	sld [smem:$0x3FB4];
	_ =	sdelay $0x3  }
0x33: {  	p0 =	seq.s32 s10, $0x1;
	s10 =	sld [smem:$0x3FB6];
	_ =	sdelay $0x3  }
0x34: {  	[smem:$0x3FB6] =	sst s10  }
0x35: {  	s10 =	sld [smem:$0x3FB5];
	_ =	sdelay $0x3  }
0x36: {  	p1 =	seq.s32 s10, $0x1;
	s10 =	sld [smem:$0x3FB6];
	_ =	sdelay $0x3  }
0x37: {  	[smem:$0x3FB6] =	sst s10  }
0x38: {  	s10 =	sld [smem:$0x3FB7]  }
0x39: {  	_ = 	snop;
	(pc) =	sbr.ind lr, $3  }
0x3a: {  	_ = 	snop  }
0x3b: {  	_ = 	snop  }
0x3c: {  	p2 =	seq.s32 s10, $0x1;
	s10 =	sld [smem:$0x3FB6]  }
0x3d: {  	_ =	shalt  }
0x3e: {  	_ =	shalt  }
0x3f: {  	_ =	shalt  }
0x40: {  	_ =	shalt  }
0x41: {  	_ =	shalt  }
0x42: {  	_ =	shalt  }
0x43: {  	_ =	shalt  }
0x44: {  	_ =	shalt  }
0x45: {  	_ =	shalt  }
0x46: {  	_ =	shalt  }
0x47: {  	_ =	shalt  }
0x48: {  	_ =	shalt  }
0x49: {  	_ =	shalt  }
0x4a: {  	_ =	shalt  }
0x4b: {  	_ =	shalt  }
0x4c: {  	_ =	shalt  }
0x4d: {  	_ =	shalt  }
0x4e: {  	_ =	shalt  }
0x4f: {  	_ =	shalt  }
0x50: {  	_ =	shalt  }
0x51: {  	_ =	shalt  }
0x52: {  	_ =	shalt  }
0x53: {  	_ =	shalt  }
0x54: {  	_ =	shalt  }
0x55: {  	_ =	shalt  }
0x56: {  	_ =	shalt  }
0x57: {  	_ =	shalt  }
0x58: {  	_ =	shalt  }
0x59: {  	_ =	shalt  }
0x5a: {  	_ =	shalt  }
0x5b: {  	_ =	shalt  }
0x5c: {  	_ =	shalt  }
0x5d: {  	_ =	shalt  }
0x5e: {  	_ =	shalt  }
0x5f: {  	_ =	shalt  }
0x60: {  	_ =	shalt  }
0x61: {  	_ =	shalt  }
0x62: {  	_ =	shalt  }
0x63: {  	_ =	shalt  }
0x64: {  	_ =	shalt  }
0x65: {  	_ =	shalt  }
0x66: {  	_ =	shalt  }
0x67: {  	_ =	shalt  }
0x68: {  	_ =	shalt  }
0x69: {  	_ =	shalt  }
0x6a: {  	_ =	shalt  }
0x6b: {  	_ =	shalt  }
0x6c: {  	_ =	shalt  }
0x6d: {  	_ =	shalt  }
0x6e: {  	_ =	shalt  }
0x6f: {  	_ =	shalt  }
0x70: {  	_ =	shalt  }
0x71: {  	_ =	shalt  }
0x72: {  	_ =	shalt  }
0x73: {  	_ =	shalt  }
0x74: {  	_ =	shalt  }
0x75: {  	_ =	shalt  }
0x76: {  	_ =	shalt  }
0x77: {  	_ =	shalt  }
0x78: {  	_ =	shalt  }
0x79: {  	_ =	shalt  }
0x7a: {  	_ =	shalt  }
0x7b: {  	_ =	shalt  }
0x7c: {  	_ =	shalt  }
0x7d: {  	_ =	shalt  }
0x7e: {  	_ =	shalt  }
0x7f: {  	_ =	shalt  }
0x80: {  	_ =	shalt  }
0x81: {  	_ =	shalt  }
0x82: {  	_ =	shalt  }
0x83: {  	_ =	shalt  }
0x84: {  	_ =	shalt  }
0x85: {  	_ =	shalt  }
0x86: {  	_ =	shalt  }
0x87: {  	_ =	shalt  }
.Lfunc_end0:
.L_simem_size_0:
called_computation.2_lowered:
.L_overlay_start_0:
0x88: {  	s2 =	sld [smem:$0x3FD9]  }
0x89: {  	s3 =	sld [smem:$0x3FFE];
	_ =	sdelay $0x1  }
0x8a: {  	s1 =	srdreg.scid  }
0x8b: {  	s0 =	sand.u32 $0x1, s1  }
0x8c: {  	s17 =	sshll.u32 s0, $0xA;
	s2 =	sadd.s32 s3, s2  }
0x8d: {  	s2 =	sadd.s32 s2, s17  }
0x8e: {  	[smem:$0x3FC2] =	sst s2  }
0x8f: {  	_ = 	snop  }
0x90: {  	s2 =	sld [smem:$0x3FD0];
	(tm) =	ssettm $0x1  }
0x91: {  	s18 =	sld [smem:$0x3FFB];
	_ =	sdelay $0x3  }
0x92: {  	_ =	strace s18  }
0x93: {  	s3 =	sld [smem:$0x3FFC];
	_ =	sdelay $0x3  }
0x94: {  	_ =	strace s3  }
0x95: {  	s3 =	sld [smem:$0x3FFD];
	_ =	sdelay $0x3  }
0x96: {  	_ =	strace s3  }
0x97: {  	_ =	strace $0x8FFFFFFF  }
0x98: {  	s19 =	sld [smem:$0x3FDB];
	_ =	sdelay $0x1  }
0x99: {  	s4 =	simm.s32 $_scs_section_size  }
0x9a: {  	s5 =	simm.s32 $_size__tile_overlayer_lowered;
	s6 =	simm.s32 $_tile_overlayer_lowered  }
0x9b: {  	s22 =	simm.s32 $0x1BFF;
	s21 =	sshll.u32 s6, $0x1;
	s3 =	sadd.s32 s4, s19  }
0x9c: {  	s7 =	simm.s32 $0x0;
	s20 =	sshll.u32 s5, $0x1;
	s5 =	sadd.s32 s21, s3  }
0x9d: {  	[timem:s7], [sflag:s22] =	dma.local [hbm:s5], s20  }
0x9e: {  	_ =	swait.ge [sflag:s22], s20  }
0x9f: {  	s4 =	ssub.s32 $0x0, s20;
	[sflag:s22] =	ssyncset.done $0x0  }
0xa0: {  	[sflag:s22] =	ssyncadd.s32 s4;
	_ =	sdelay $0x1  }
0xa1: {  	s23 =	simm.s32 $0x1B8B  }
0xa2: {  	_ =	swait.ge [sflag:s23], $0x1  }
0xa3: {  	[sflag:s23] =	ssyncset.done $0x0  }
0xa4: {  	s25 =	simm.s32 $0x1B8E;
	s24 =	sld [smem:$0x3FFE];
	[sflag:s23] =	ssyncadd.s32 $0xFFFFFFFF  }
0xa5: {  	s26 =	simm.s32 $execute0_lowered;
	[smem:$0x3FD2] =	sst s25  }
0xa6: {  	s5 =	sshll.u32 s26, $0x1;
	_ =	strace $0x8000004C;
	[dreg:$0x1] =	wrdreg $0xFFFFFFFF  }
0xa7: {  	s28 =	simm.s32 $_size_execute0_lowered;
	s3 =	sadd.s32 s3, s5;
	[dreg:$0x0] =	wrdreg $0x0  }
0xa8: {  	s5 =	sshll.u32 s28, $0x1;
	[dreg:$0x2] =	wrdreg s3  }
0xa9: {  	[dreg:$0x3] =	wrdreg s5  }
0xaa: {  	[dreg:$0x4] =	wrdreg $0xC0  }
0xab: {  	_ =	task [dreg:s7], $0x5FFFF  }
0xac: {  	[dreg:$0x1] =	wrdreg $0xFFFFFFFF  }
0xad: {  	[dreg:$0x0] =	wrdreg $0x60  }
0xae: {  	[dreg:$0x2] =	wrdreg s24  }
0xaf: {  	[dreg:$0x3] =	wrdreg s2  }
0xb0: {  	[dreg:$0x4] =	wrdreg $0xB7800  }
0xb1: {  	[dreg:$0x5] =	wrdreg $0x9  }
0xb2: {  	_ =	task.clear_ibuf [dreg:s7], $0x6FFFF;
	_ =	strace $0x9000004C  }
0xb3: {  	s29 =	simm.s32 $0x9;
	_ =	strace $0x8000004E  }
0xb4: {  	_ =	swait.ge [sflag:s29], $0x1  }
0xb5: {  	[sflag:s29] =	ssyncadd.s32 $0xFFFFFFFF  }
0xb6: {  	_ =	strace $0x9000004E  }
0xb7: {  	_ =	sfence  }
0xb8: {  	s30 =	sld [smem:$0x0];
	_ =	sdelay $0x2  }
0xb9: {  	s31 =	sshll.u32 s1, $0xD;
	s1 =	sshrl.u32 s1, $0x2  }
0xba: {  	s3 =	sand.u32 $0x4000, s31;
	s1 =	sadd.s32 s1, s30  }
0xbb: {  	s0 =	sor.u32 s3, s0;
	s1 =	sshll.u32 s1, $0x11  }
0xbc: {  	s0 =	sor.u32 s1, s0  }
0xbd: {  	s0 =	sadd.s32 $0x8F2B, s0  }
0xbe: {  	[sflag:s0] =	ssyncadd.remote.s32 $0x1  }
0xbf: {  	_ =	sfence.sel $0xFFFF  }
0xc0: {  	[dreg:$0x0] =	wrdreg $0xFFFFFFFF;
	(pc) =	sbr.abs _section_cstart, $3  }
0xc1: {  	[dreg:$0x1] =	wrdreg $0xFFFFFFFF  }
0xc2: {  	_ =	task.clear_ibuf [dreg:s7], $0x2FFFF;
	_ =	strace $0x9FFFFFFF  }
0xc3: {  	(tm) =	ssettm $0x7FFFFFFF  }
tec
execute0_lowered:
.L_overlay_start_1:
0x0: {  	(tag) =	ssettag $0x1  }
0x1: {  	s0 =	rddreg [dreg:$0x0]  }
0x2: {  	s2 =	rddreg [dreg:$0x1];
	s1 =	srdreg.scid  }
0x3: {  	s10 =	stileid.u32;
	s3 =	rddreg [dreg:$0x2]  }
0x4: {  	s5 =	simm.s32 $0x0;
	s18 =	simm.s32 $0x18;
	s19 =	simm.s32 $0x6780  }
0x5: {  	s20 =	simm.s32 $0x7380;
	s28 =	simm.s32 $0x4;
	s29 =	simm.s32 $0x5  }
0x6: {  	s30 =	simm.s32 $0x6;
	s31 =	simm.s32 $0x50;
	s6 =	smul.u32 $0x50000, s10  }
0x7: {  	s12 =	simm.s32 $0xC;
	s1 =	sand.u32 $0x1, s1;
	s8 =	smul.u32 $0x2800, s10  }
0x8: {  	s4 =	sshll.u32 s10, $0x1;
	[smem:$0x7FF] =	sst s5;
	s22 =	smul.u32 $0x14000, s10  }
0x9: {  	s25 =	sadd.s32 $0x25800, s2;
	p0 =	seq.s32 s10, $0xF;
	s4 =	sor.u32 s1, s4  }
0xa: {  	_ =	strace $0x8000004D;
	s7 =	ssub.s32 $0x2, s1;
	s1 =	smul.u32 $0x138800, s1  }
0xb: {  	[dreg:$0x7] =	wrdreg s25;
	s25 =	simm.s32 $0x8780;
	s21 =	smul.u32 $0x4E2, s4  }
0xc: {  	s4 =	sshll.u32 s4, $0xB;
	s9 =	sshrl.u32 s7, $0x1;
	s6 =	sshrl.u32 s6, $0x2  }
0xd: {  	s23 =	sadd.s32 s2, s8;
	s8 =	simm.s32 $0xA;
	s4 =	sadd.s32 s4, s0  }
0xe: {  	s7 =	ssub.s32 s7, s9;
	[dreg:$0x6] =	wrdreg s23;
	s24 =	sadd.s32 s22, s1  }
0xf: {  	s1 =	sshrl.u32 s1, $0x3;
	s23 =	simm.s32 $0x7F80;
	s22 =	simm.s32 $0x9B80  }
0x10: {  	s9 =	simm.s32 $0xB;
	s5 =	sadd.s32 s21, s0;
	s0 =	sadd.s32 $0x1BE00, s0  }
0x11: {  	s4 =	sadd.s32 $0xBE00, s4;
	s26 =	smax.u32 s7, $0x1;
	s21 =	simm.s32 $0x10  }
0x12: {  	s7 =	simm.s32 $0x9;
	s5 =	sadd.s32 $0x2000, s5;
	[dreg:$0x5] =	wrdreg s4  }
0x13: {  	s4 =	sadd.s32 s6, s3;
	s6 =	sshrl.u32 s24, $0x3;
	[dreg:$0xa] =	wrdreg s26  }
0x14: {  	s26 =	simm.s32 $0x3;
	s24 =	simm.s32 $0xAF80;
	[dreg:$0x4] =	wrdreg s5  }
0x15: {  	s5 =	sadd.s32 $0x12C000, s3;
	s6 =	sadd.s32 s0, s6;
	s0 =	sadd.s32 s0, s1  }
0x16: {  	s15 =	sshrl.u32 @!p0 s4, $0x3;
	s1 =	simm.s32 $0x8F80;
	[dreg:$0x8] =	wrdreg s6  }
0x17: {  	s0 =	sadd.s32 $0x25800, s0;
	s13 =	sshrl.u32 @p0 s5, $0x3;
	s5 =	simm.s32 $0x7  }
0x18: {  	s6 =	simm.s32 $0x8;
	[dreg:$0x9] =	wrdreg s0;
	s0 =	sshll.u32 @!p0 s10, $0x6  }
0x19: {  	s10 =	simm.s32 $0x0;
	s14 =	sor.u32 @!p0 $0x1C0D, s0;
	s0 =	simm.s32 $0xA780  }
.LBB2_1:
0x1a: {  	s11 =	simm.s32 $0x0;
	s4 =	rddreg [dreg:$0x4]  }
0x1b: {  	[tilespmem:s11], [sflag:$0x1] =	stream.linear.gather [hbm4b:s4+s11], $0x2710, $0x38;
	[tilespmem:$0x1F000] =	vst v63  }
0x1c: {  	s16 =	rddreg [dreg:$0x5];
	s17 =	simm.s32 $0x2780  }
0x1d: {  	[tilespmem:s17], [sflag:$0x2] =	stream.linear.gather [hbm4b:s16+s11], $0x3E80, $0x38;
	[tilespmem:$0x1F000] =	vst v63  }
0x1e: {  	s4 =	simm.s32 @p0 $0x1FCD;
	s16 =	rddreg [dreg:$0x7]  }
0x1f: {  	[spmem:s13], [sflag:s4] =	dma.local @p0 [hbm:s16], $0x1900  }
0x20: {  	s4 =	simm.s32 @p0 $0xD  }
0x21: {  	_ =	swait.ge @p0 [sflag:s4], $0x1900  }
0x22: {  	[sflag:s4] =	ssyncset.done @p0 $0x0  }
0x23: {  	[sflag:s4] =	ssyncadd.s32 @p0 $0xFFFFE700;
	s4 =	rddreg [dreg:$0x6]  }
0x24: {  	[spmem:s15], [sflag:s14] =	dma.local @!p0 [hbm:s4], $0x2800  }
0x25: {  	s4 =	simm.s32 @!p0 $0xD  }
0x26: {  	_ =	swait.ge @!p0 [sflag:s4], $0x2800  }
0x27: {  	[sflag:s4] =	ssyncset.done @!p0 $0x0  }
0x28: {  	s16 =	simm.s32 $0x1;
	[sflag:s4] =	ssyncadd.s32 @!p0 $0xFFFFD800  }
0x29: {  	_ =	swait.ge [sflag:s16], $0x2710  }
0x2a: {  	[sflag:s16] =	ssyncset.done $0x0  }
0x2b: {  	[sflag:s16] =	ssyncadd.s32 $0xFFFFD8F0;
	s16 =	simm.s32 $0x2  }
0x2c: {  	_ =	swait.ge [sflag:s16], $0x3E80  }
0x2d: {  	[sflag:s16] =	ssyncset.done $0x0  }
0x2e: {  	[sflag:s16] =	ssyncadd.s32 $0xFFFFC180  }
0x2f: {  	[tilespmem:s19], [sflag:$0x3] =	stream.indirect.gather [hbm4b:s2+s18], $0x80, s11, s18, $0xb8;
	[tilespmem:$0x1F000] =	vst v63  }
0x30: {  	_ = 	snop  }
0x31: {  	[tilespmem:s20], [sflag:$0x4] =	stream.indirect.gather [hbm4b:s2+s18], $0x80, s18, s18, $0xb8;
	[tilespmem:$0x1F000] =	vst v63  }
0x32: {  	s11 =	simm.s32 $0x30  }
0x33: {  	[tilespmem:s23], [sflag:$0x5] =	stream.indirect.gather [hbm4b:s2+s21], $0x80, s11, s21, $0xb8;
	[tilespmem:$0x1F000] =	vst v63  }
0x34: {  	s16 =	simm.s32 $0x40  }
0x35: {  	[tilespmem:s25], [sflag:$0x6] =	stream.indirect.gather [hbm4b:s2+s21], $0x80, s16, s21, $0xb8;
	[tilespmem:$0x1F000] =	vst v63  }
0x36: {  	[bflag:$0x0] =	sbarrier.arrive $0xFFFF  }
0x37: {  	_ =	swait.ge [sflag:s26], $0xC00  }
0x38: {  	[sflag:s26] =	ssyncset.done $0x0  }
0x39: {  	[sflag:s26] =	ssyncadd.s32 $0xFFFFF400  }
0x3a: {  	_ =	swait.ge [sflag:s28], $0xC00  }
0x3b: {  	[sflag:s28] =	ssyncset.done $0x0  }
0x3c: {  	[sflag:s28] =	ssyncadd.s32 $0xFFFFF400  }
0x3d: {  	_ =	swait.ge [sflag:s29], $0x800  }
0x3e: {  	[sflag:s29] =	ssyncset.done $0x0  }
0x3f: {  	[sflag:s29] =	ssyncadd.s32 $0xFFFFF800  }
0x40: {  	_ =	swait.ge [sflag:s30], $0x800  }
0x41: {  	[sflag:s30] =	ssyncset.done $0x0  }
0x42: {  	[sflag:s30] =	ssyncadd.s32 $0xFFFFF800  }
0x43: {  	[tilespmem:s1], [sflag:$0x7] =	stream.indirect.gather [hbm4b:s2+s18], $0x80, s31, s18, $0xb8;
	[tilespmem:$0x1F000] =	vst v63  }
0x44: {  	s11 =	simm.s32 $0x68  }
0x45: {  	[tilespmem:s22], [sflag:$0x8] =	stream.indirect.gather [hbm4b:s2+s18], $0x80, s11, s18, $0xb8;
	[tilespmem:$0x1F000] =	vst v63  }
0x46: {  	s16 =	simm.s32 $0x80  }
0x47: {  	[tilespmem:s0], [sflag:$0x9] =	stream.indirect.gather [hbm4b:s2+s21], $0x80, s16, s21, $0xb8;
	[tilespmem:$0x1F000] =	vst v63  }
0x48: {  	s11 =	simm.s32 $0x90  }
0x49: {  	[tilespmem:s24], [sflag:$0xA] =	stream.indirect.gather [hbm4b:s2+s21], $0x80, s11, s21, $0xb8;
	[tilespmem:$0x1F000] =	vst v63  }
0x4a: {  	_ = 	snop  }
0x4b: {  	[spmem:s3] =	stream.indirect.scatter.add.f32 [tilespmem:s19], [sflag:$0xB], $0x80, s17, s31, $0xb8;
	[tilespmem:$0x1F000] =	vst v63  }
0x4c: {  	_ =	swait.ge [sflag:s5], $0xC00  }
0x4d: {  	[sflag:s5] =	ssyncset.done $0x0  }
0x4e: {  	[sflag:s5] =	ssyncadd.s32 $0xFFFFF400  }
0x4f: {  	_ =	swait.ge [sflag:s6], $0xC00  }
0x50: {  	[sflag:s6] =	ssyncset.done $0x0  }
0x51: {  	[sflag:s6] =	ssyncadd.s32 $0xFFFFF400  }
0x52: {  	_ =	swait.ge [sflag:s7], $0x800  }
0x53: {  	[sflag:s7] =	ssyncset.done $0x0  }
0x54: {  	[sflag:s7] =	ssyncadd.s32 $0xFFFFF800  }
0x55: {  	_ =	swait.ge [sflag:s8], $0x800  }
0x56: {  	[sflag:s8] =	ssyncset.done $0x0  }
0x57: {  	[sflag:s8] =	ssyncadd.s32 $0xFFFFF800  }
0x58: {  	_ =	swait.ge [sflag:s9], $0x2800  }
0x59: {  	[sflag:s9] =	ssyncset.done $0x0  }
0x5a: {  	s16 =	simm.s32 $0xA0;
	[sflag:s9] =	ssyncadd.s32 $0xFFFFD800  }
0x5b: {  	[tilespmem:s19], [sflag:$0x3] =	stream.indirect.gather [hbm4b:s2+s18], $0x80, s16, s18, $0xb8;
	[tilespmem:$0x1F000] =	vst v63  }
0x5c: {  	s17 =	simm.s32 $0xB8  }
0x5d: {  	[tilespmem:s20], [sflag:$0x4] =	stream.indirect.gather [hbm4b:s2+s18], $0x80, s17, s18, $0xb8;
	[tilespmem:$0x1F000] =	vst v63  }
0x5e: {  	s11 =	simm.s32 $0xD0  }
0x5f: {  	[tilespmem:s23], [sflag:$0x5] =	stream.indirect.gather [hbm4b:s2+s21], $0x80, s11, s21, $0xb8;
	[tilespmem:$0x1F000] =	vst v63  }
0x60: {  	s16 =	simm.s32 $0xE0  }
0x61: {  	[tilespmem:s25], [sflag:$0x6] =	stream.indirect.gather [hbm4b:s2+s21], $0x80, s16, s21, $0xb8;
	[tilespmem:$0x1F000] =	vst v63  }
0x62: {  	s17 =	simm.s32 $0x2800  }
0x63: {  	[spmem:s3] =	stream.indirect.scatter.add.f32 [tilespmem:s1], [sflag:$0xC], $0x80, s17, s31, $0xb8;
	[tilespmem:$0x1F000] =	vst v63  }
0x64: {  	_ =	swait.ge [sflag:s26], $0xC00  }
0x65: {  	[sflag:s26] =	ssyncset.done $0x0  }
0x66: {  	[sflag:s26] =	ssyncadd.s32 $0xFFFFF400  }
0x67: {  	_ =	swait.ge [sflag:s28], $0xC00  }
0x68: {  	[sflag:s28] =	ssyncset.done $0x0  }
0x69: {  	[sflag:s28] =	ssyncadd.s32 $0xFFFFF400  }
0x6a: {  	_ =	swait.ge [sflag:s29], $0x800  }
0x6b: {  	[sflag:s29] =	ssyncset.done $0x0  }
0x6c: {  	[sflag:s29] =	ssyncadd.s32 $0xFFFFF800  }
0x6d: {  	_ =	swait.ge [sflag:s30], $0x800  }
0x6e: {  	[sflag:s30] =	ssyncset.done $0x0  }
0x6f: {  	[sflag:s30] =	ssyncadd.s32 $0xFFFFF800  }
0x70: {  	_ =	swait.ge [sflag:s12], $0x2800  }
0x71: {  	[sflag:s12] =	ssyncset.done $0x0  }
0x72: {  	s11 =	simm.s32 $0xF0;
	[sflag:s12] =	ssyncadd.s32 $0xFFFFD800  }
0x73: {  	[tilespmem:s1], [sflag:$0x7] =	stream.indirect.gather [hbm4b:s2+s18], $0x80, s11, s18, $0xb8;
	[tilespmem:$0x1F000] =	vst v63  }
0x74: {  	s16 =	simm.s32 $0x108  }
0x75: {  	[tilespmem:s22], [sflag:$0x8] =	stream.indirect.gather [hbm4b:s2+s18], $0x80, s16, s18, $0xb8;
	[tilespmem:$0x1F000] =	vst v63  }
0x76: {  	s17 =	simm.s32 $0x120  }
0x77: {  	[tilespmem:s0], [sflag:$0x9] =	stream.indirect.gather [hbm4b:s2+s21], $0x80, s17, s21, $0xb8;
	[tilespmem:$0x1F000] =	vst v63  }
0x78: {  	s11 =	simm.s32 $0x130  }
0x79: {  	[tilespmem:s24], [sflag:$0xA] =	stream.indirect.gather [hbm4b:s2+s21], $0x80, s11, s21, $0xb8;
	[tilespmem:$0x1F000] =	vst v63  }
0x7a: {  	s16 =	simm.s32 $0x2880  }
0x7b: {  	[spmem:s3] =	stream.indirect.scatter.add.f32 [tilespmem:s19], [sflag:$0xB], $0x80, s16, s31, $0xb8;
	[tilespmem:$0x1F000] =	vst v63  }
0x7c: {  	_ =	swait.ge [sflag:s5], $0xC00  }
0x7d: {  	[sflag:s5] =	ssyncset.done $0x0  }
0x7e: {  	[sflag:s5] =	ssyncadd.s32 $0xFFFFF400  }
0x7f: {  	_ =	swait.ge [sflag:s6], $0xC00  }
0x80: {  	[sflag:s6] =	ssyncset.done $0x0  }
0x81: {  	[sflag:s6] =	ssyncadd.s32 $0xFFFFF400  }
0x82: {  	_ =	swait.ge [sflag:s7], $0x800  }
0x83: {  	[sflag:s7] =	ssyncset.done $0x0  }
0x84: {  	[sflag:s7] =	ssyncadd.s32 $0xFFFFF800  }
0x85: {  	_ =	swait.ge [sflag:s8], $0x800  }
0x86: {  	[sflag:s8] =	ssyncset.done $0x0  }
0x87: {  	[sflag:s8] =	ssyncadd.s32 $0xFFFFF800  }
0x88: {  	_ =	swait.ge [sflag:s9], $0x2800  }
0x89: {  	[sflag:s9] =	ssyncset.done $0x0  }
0x8a: {  	s17 =	simm.s32 $0x140;
	[sflag:s9] =	ssyncadd.s32 $0xFFFFD800  }
0x8b: {  	[tilespmem:s19], [sflag:$0x3] =	stream.indirect.gather [hbm4b:s2+s18], $0x80, s17, s18, $0xb8;
	[tilespmem:$0x1F000] =	vst v63  }
0x8c: {  	s11 =	simm.s32 $0x158  }
0x8d: {  	[tilespmem:s20], [sflag:$0x4] =	stream.indirect.gather [hbm4b:s2+s18], $0x80, s11, s18, $0xb8;
	[tilespmem:$0x1F000] =	vst v63  }
0x8e: {  	s4 =	simm.s32 $0x2980;
	s16 =	simm.s32 $0x170  }
0x8f: {  	[tilespmem:s23], [sflag:$0x5] =	stream.indirect.gather [hbm4b:s2+s21], $0x80, s16, s21, $0xb8;
	[tilespmem:$0x1F000] =	vst v63  }
0x90: {  	s17 =	simm.s32 $0x180;
	s11 =	simm.s32 $0x280;
	s16 =	simm.s32 $0x2900  }
0x91: {  	[tilespmem:s25], [sflag:$0x6] =	stream.indirect.gather [hbm4b:s2+s21], $0x80, s17, s21, $0xb8;
	[tilespmem:$0x1F000] =	vst v63  }
.LBB2_2:
0x92: {  	[spmem:s3] =	stream.indirect.scatter.add.f32 [tilespmem:s1], [sflag:$0xC], $0x80, s16, s31, $0xb8;
	[tilespmem:$0x1F000] =	vst v63  }
0x93: {  	s16 =	smov.u32 s11  }
0x94: {  	p1 =	sne.s32 s11, $0x9600;
	s11 =	sadd.s32 $0x280, s11;
	_ =	swait.ge [sflag:s26], $0xC00  }
0x95: {  	[sflag:s26] =	ssyncset.done $0x0  }
0x96: {  	[sflag:s26] =	ssyncadd.s32 $0xFFFFF400  }
0x97: {  	_ =	swait.ge [sflag:s28], $0xC00  }
0x98: {  	[sflag:s28] =	ssyncset.done $0x0  }
0x99: {  	[sflag:s28] =	ssyncadd.s32 $0xFFFFF400  }
0x9a: {  	_ =	swait.ge [sflag:s29], $0x800  }
0x9b: {  	[sflag:s29] =	ssyncset.done $0x0  }
0x9c: {  	[sflag:s29] =	ssyncadd.s32 $0xFFFFF800  }
0x9d: {  	_ =	swait.ge [sflag:s30], $0x800  }
0x9e: {  	[sflag:s30] =	ssyncset.done $0x0  }
0x9f: {  	[sflag:s30] =	ssyncadd.s32 $0xFFFFF800  }
0xa0: {  	_ =	swait.ge [sflag:s12], $0x2800  }
0xa1: {  	s16 =	sshra.s32 s16, $0x2;
	[sflag:s12] =	ssyncset.done $0x0  }
0xa2: {  	s17 =	sadd.s32 $0xF0, s16;
	[sflag:s12] =	ssyncadd.s32 $0xFFFFD800  }
0xa3: {  	[tilespmem:s1], [sflag:$0x7] =	stream.indirect.gather [hbm4b:s2+s18], $0x80, s17, s18, $0xb8;
	[tilespmem:$0x1F000] =	vst v63  }
0xa4: {  	s17 =	sadd.s32 $0x108, s16  }
0xa5: {  	[tilespmem:s22], [sflag:$0x8] =	stream.indirect.gather [hbm4b:s2+s18], $0x80, s17, s18, $0xb8;
	[tilespmem:$0x1F000] =	vst v63  }
0xa6: {  	s17 =	sadd.s32 $0x120, s16  }
0xa7: {  	[tilespmem:s0], [sflag:$0x9] =	stream.indirect.gather [hbm4b:s2+s21], $0x80, s17, s21, $0xb8;
	[tilespmem:$0x1F000] =	vst v63  }
0xa8: {  	s17 =	sadd.s32 $0x130, s16  }
0xa9: {  	[tilespmem:s24], [sflag:$0xA] =	stream.indirect.gather [hbm4b:s2+s21], $0x80, s17, s21, $0xb8;
	[tilespmem:$0x1F000] =	vst v63  }
0xaa: {  	_ = 	snop  }
0xab: {  	[spmem:s3] =	stream.indirect.scatter.add.f32 [tilespmem:s19], [sflag:$0xB], $0x80, s4, s31, $0xb8;
	[tilespmem:$0x1F000] =	vst v63  }
0xac: {  	_ =	swait.ge [sflag:s5], $0xC00  }
0xad: {  	[sflag:s5] =	ssyncset.done $0x0  }
0xae: {  	[sflag:s5] =	ssyncadd.s32 $0xFFFFF400  }
0xaf: {  	_ =	swait.ge [sflag:s6], $0xC00  }
0xb0: {  	[sflag:s6] =	ssyncset.done $0x0  }
0xb1: {  	[sflag:s6] =	ssyncadd.s32 $0xFFFFF400  }
0xb2: {  	_ =	swait.ge [sflag:s7], $0x800  }
0xb3: {  	[sflag:s7] =	ssyncset.done $0x0  }
0xb4: {  	[sflag:s7] =	ssyncadd.s32 $0xFFFFF800  }
0xb5: {  	_ =	swait.ge [sflag:s8], $0x800  }
0xb6: {  	[sflag:s8] =	ssyncset.done $0x0  }
0xb7: {  	[sflag:s8] =	ssyncadd.s32 $0xFFFFF800  }
0xb8: {  	_ =	swait.ge [sflag:s9], $0x2800  }
0xb9: {  	[sflag:s9] =	ssyncset.done $0x0  }
0xba: {  	s17 =	sadd.s32 $0x140, s16;
	[sflag:s9] =	ssyncadd.s32 $0xFFFFD800  }
0xbb: {  	[tilespmem:s19], [sflag:$0x3] =	stream.indirect.gather [hbm4b:s2+s18], $0x80, s17, s18, $0xb8;
	[tilespmem:$0x1F000] =	vst v63  }
0xbc: {  	s17 =	sadd.s32 $0x158, s16  }
0xbd: {  	[tilespmem:s20], [sflag:$0x4] =	stream.indirect.gather [hbm4b:s2+s18], $0x80, s17, s18, $0xb8;
	[tilespmem:$0x1F000] =	vst v63  }
.Ltmp0:
0xbe: {  	s17 =	sadd.s32 $0x170, s16;
	(pc) =	sbr.rel @p1 .LBB2_2-.Ltmp0, $4  }
0xbf: {  	[tilespmem:s23], [sflag:$0x5] =	stream.indirect.gather [hbm4b:s2+s21], $0x80, s17, s21, $0xb8;
	[tilespmem:$0x1F000] =	vst v63  }
0xc0: {  	s16 =	sadd.s32 $0x180, s16  }
0xc1: {  	[tilespmem:s25], [sflag:$0x6] =	stream.indirect.gather [hbm4b:s2+s21], $0x80, s16, s21, $0xb8;
	[tilespmem:$0x1F000] =	vst v63  }
0xc2: {  	s16 =	sadd.s32 $0x80, s4;
	s4 =	sadd.s32 $0x100, s4  }
0xc3: {  	[spmem:s3] =	stream.indirect.scatter.add.f32 [tilespmem:s1], [sflag:$0xC], $0x80, s16, s31, $0xb8;
	[tilespmem:$0x1F000] =	vst v63  }
0xc4: {  	_ =	swait.ge [sflag:s26], $0xC00  }
0xc5: {  	[sflag:s26] =	ssyncset.done $0x0  }
0xc6: {  	[sflag:s26] =	ssyncadd.s32 $0xFFFFF400  }
0xc7: {  	_ =	swait.ge [sflag:s28], $0xC00  }
0xc8: {  	[sflag:s28] =	ssyncset.done $0x0  }
0xc9: {  	[sflag:s28] =	ssyncadd.s32 $0xFFFFF400  }
0xca: {  	_ =	swait.ge [sflag:s29], $0x800  }
0xcb: {  	[sflag:s29] =	ssyncset.done $0x0  }
0xcc: {  	[sflag:s29] =	ssyncadd.s32 $0xFFFFF800  }
0xcd: {  	_ =	swait.ge [sflag:s30], $0x800  }
0xce: {  	[sflag:s30] =	ssyncset.done $0x0  }
0xcf: {  	[sflag:s30] =	ssyncadd.s32 $0xFFFFF800  }
0xd0: {  	_ =	swait.ge [sflag:s12], $0x2800  }
0xd1: {  	[sflag:s12] =	ssyncset.done $0x0  }
0xd2: {  	s4 =	simm.s32 $0x6580;
	[sflag:s12] =	ssyncadd.s32 $0xFFFFD800  }
0xd3: {  	[spmem:s3] =	stream.indirect.scatter.add.f32 [tilespmem:s19], [sflag:$0xB], $0x80, s4, s31, $0xb8;
	[tilespmem:$0x1F000] =	vst v63  }
0xd4: {  	_ =	swait.ge [sflag:s9], $0x2800  }
0xd5: {  	[sflag:s9] =	ssyncset.done $0x0  }
0xd6: {  	[sflag:s9] =	ssyncadd.s32 $0xFFFFD800  }
0xd7: {  	[bflag:$0x0] =	sbarrier.arrive $0xFFFF  }
0xd8: {  	s4 =	simm.s32 @p0 $0x1FCD;
	s11 =	rddreg [dreg:$0x9]  }
0xd9: {  	[hbm:s11], [sflag:s4] =	dma.local @p0 [spmem:s13], $0x1900  }
0xda: {  	s4 =	simm.s32 @p0 $0xD  }
0xdb: {  	_ =	swait.ge @p0 [sflag:s4], $0x1900  }
0xdc: {  	[sflag:s4] =	ssyncset.done @p0 $0x0  }
0xdd: {  	[sflag:s4] =	ssyncadd.s32 @p0 $0xFFFFE700;
	s4 =	rddreg [dreg:$0x8]  }
0xde: {  	[hbm:s4], [sflag:s14] =	dma.local @!p0 [spmem:s15], $0x2800  }
0xdf: {  	s4 =	simm.s32 @!p0 $0xD  }
0xe0: {  	_ =	swait.ge @!p0 [sflag:s4], $0x2800  }
0xe1: {  	s10 =	sadd.s32 $0x1, s10;
	s17 =	rddreg [dreg:$0xa]  }
0xe2: {  	p1 =	sne.s32 s10, s17  }
.Ltmp1:
0xe3: {  	_ = 	snop;
	(pc) =	sbr.rel @p1 .LBB2_1-.Ltmp1, $3  }
0xe4: {  	_ =	sdelay $0x1  }
0xe5: {  	[sflag:s4] =	ssyncset.done @!p0 $0x0  }
0xe6: {  	[sflag:s4] =	ssyncadd.s32 @!p0 $0xFFFFD800  }
0xe7: {  	_ =	sfence.sel $0x180000  }
0xe8: {  	[bflag:$0x0] =	sbarrier.arrive $0xFFFF  }
0xe9: {  	_ =	strace $0x9000004D  }
0xea: {  	s0 =	stileid.u32;
	[bflag:$0x2] =	sbarrier.arrive $0xFFFF  }
0xeb: {  	p0 =	sne.s32 s0, $0x0;
	s0 =	rddreg [dreg:$0x3]  }
0xec: {  	s0 =	sadd.s32 @!p0 $0x100000, s0  }
0xed: {  	[sflag:s0] =	ssyncadd.tile.s32 @!p0 $0x1;
	_ =	shalt  }
.Lfunc_end2:
_tile_overlayer_lowered:
.L_overlay_start_2:
0xee: {  	(tag) =	ssettag $0x2  }
0xef: {  	s0 =	rddreg [dreg:$0x0];
	s2 =	stileid.u32  }
0xf0: {  	s1 =	rddreg [dreg:$0x1];
	p0 =	sne.s32 s2, $0x0  }
0xf1: {  	s3 =	rddreg [dreg:$0x2];
	[bflag:$0x3] =	sbarrier.arrive $0xFFFF;
	s2 =	simm.s32 @!p0 $0x1C0D  }
0xf2: {  	[timem:s3], [sflag:s2] =	dma.local @!p0 [hbm:s0], s1  }
0xf3: {  	s0 =	simm.s32 @!p0 $0xD  }
0xf4: {  	_ =	swait.ge @!p0 [sflag:s0], s1  }
0xf5: {  	s1 =	ssub.s32 @!p0 $0x0, s1;
	[sflag:s0] =	ssyncset.done @!p0 $0x0  }
0xf6: {  	[sflag:s0] =	ssyncadd.s32 @!p0 s1  }
0xf7: {  	[bflag:$0x3] =	sbarrier.arrive $0xFFFF  }
0xf8: {  	_ =	shalt  }

// kernel: kernel.9.cloned.1.call-start
scs
__scs_entry_jumppad:
0x0: {  	(pc) =	sbr.rel $0x88, $3  }
0x1: {  	(tag) =	ssettag $0x0;
	lr =	simm.s32 $0x1  }
0x2: {  	[smem:$0x3F9B] =	sst lr;
	_ =	strace $0xD0000000  }
0x3: {  	_ = 	snop  }
0x4: {  	_ = 	snop  }
0x5: {  	_ = 	snop  }
0x6: {  	_ = 	snop  }
0x7: {  	_ = 	snop  }
__scs_overlays_trampoline_lowered:
0x8: {  	[smem:$0x3FAA] =	sst s0  }
0x9: {  	[smem:$0x3FAB] =	sst s1  }
0xa: {  	[smem:$0x3FAC] =	sst s2  }
0xb: {  	[smem:$0x3FAD] =	sst s3  }
0xc: {  	[smem:$0x3FAE] =	sst s4  }
0xd: {  	[smem:$0x3FAF] =	sst s5  }
0xe: {  	[smem:$0x3FB0] =	sst s6  }
0xf: {  	[smem:$0x3FB1] =	sst s7  }
0x10: {  	[smem:$0x3FB2] =	sst s8  }
0x11: {  	[smem:$0x3FB3] =	sst s9;
	s0 =	simm.s32 @!p0 $0x0  }
0x12: {  	s1 =	sld [smem:$0x3F99];
	s0 =	simm.s32 @p0 $0x1  }
0x13: {  	[smem:$0x3FB4] =	sst s0;
	s0 =	simm.s32 @!p1 $0x0  }
0x14: {  	s2 =	sld [smem:$0x3F98];
	s0 =	simm.s32 @p1 $0x1  }
0x15: {  	[smem:$0x3FB5] =	sst s0;
	s0 =	simm.s32 @!p2 $0x0  }
0x16: {  	s3 =	sld [smem:$0x3FDB];
	s0 =	simm.s32 @p2 $0x1  }
0x17: {  	s4 =	simm.s32 $0x1BF5;
	[smem:$0x3FB7] =	sst s0  }
0x18: {  	s0 =	sld [smem:$0x3F9A];
	_ =	swait.ge [sflag:s4], $0x0  }
0x19: {  	s7 =	sld [smem:$0x3F9B]  }
0x1a: {  	s8 =	sadd.s32 $0xFFFFE003, lr  }
0x1b: {  	s9 =	sadd.s32 $0xFFFFFEF7, lr;
	s5 =	simm.s32 $0xFFFFFFFF;
	p2 =	slt.u32 s8, $0xFFFFF086  }
0x1c: {  	p1 =	slt.u32 s9, $0xF7A;
	s5 =	simm.s32 @!p2 $0x0  }
0x1d: {  	s5 =	simm.s32 @p1 $0x1;
	p0 =	seq.s32 s7, s2  }
0x1e: {  	s7 =	smul.u32 @!p0 $0xF7A, s2;
	p2 =	seq.s32 @!p0 s5, $0x0  }
0x1f: {  	s9 =	smul.u32 $0xF7A, s1;
	s8 =	simm.s32 @!p0 $0x1BF5;
	p2 =	por !p2, p0  }
0x20: {  	[sflag:s8] =	ssyncset.s32 @!p0 $0xFFFFF086;
	s6 =	sadd.s32 @!p0 s3, s7;
	s7 =	simm.s32 @!p0 $0x108  }
0x21: {  	s3 =	sadd.s32 s3, s9;
	s6 =	sadd.s32 @!p0 $0x88, s6;
	s7 =	simm.s32 @p2 $0x1082  }
0x22: {  	[simem:s7], [sflag:s8] =	dma.local @!p0 [hbm:s6], $0xF7A  }
0x23: {  	s9 =	sor.u32 $0xD0000000, s2;
	s6 =	simm.s32 $0x108;
	_ =	swait.ge @!p0 [sflag:s8], $0x0  }
0x24: {  	s3 =	sadd.s32 $0x88, s3;
	s6 =	simm.s32 @!p1 $0x1082;
	[sflag:s4] =	ssyncset.s32 $0xFFFFF086  }
0x25: {  	[simem:s6], [sflag:s4] =	dma.local [hbm:s3], $0xF7A  }
0x26: {  	[smem:$0x3F9B] =	sst s1;
	(tag) =	ssettag s2;
	_ =	strace s9  }
0x27: {  	s1 =	sld [smem:$0x3FAB]  }
0x28: {  	s2 =	sld [smem:$0x3FAC]  }
0x29: {  	s4 =	sld [smem:$0x3FAE]  }
0x2a: {  	p0 =	seq.s32 s5, $0x0;
	s5 =	sld [smem:$0x3FAF]  }
0x2b: {  	s6 =	sld [smem:$0x3FB0]  }
0x2c: {  	s7 =	sld [smem:$0x3FB1]  }
0x2d: {  	s3 =	simm.s32 $0x108;
	s8 =	sld [smem:$0x3FB2]  }
0x2e: {  	s3 =	simm.s32 @!p0 $0x1082;
	s9 =	sld [smem:$0x3FB3]  }
0x2f: {  	lr =	sadd.s32 s0, s3;
	s0 =	sld [smem:$0x3FAA]  }
0x30: {  	s3 =	sld [smem:$0x3FAD]  }
0x31: {  	[smem:$0x3FB6] =	sst s10  }
0x32: {  	s10 =	sld [smem:$0x3FB4];
	_ =	sdelay $0x3  }
0x33: {  	p0 =	seq.s32 s10, $0x1;
	s10 =	sld [smem:$0x3FB6];
	_ =	sdelay $0x3  }
0x34: {  	[smem:$0x3FB6] =	sst s10  }
0x35: {  	s10 =	sld [smem:$0x3FB5];
	_ =	sdelay $0x3  }
0x36: {  	p1 =	seq.s32 s10, $0x1;
	s10 =	sld [smem:$0x3FB6];
	_ =	sdelay $0x3  }
0x37: {  	[smem:$0x3FB6] =	sst s10  }
0x38: {  	s10 =	sld [smem:$0x3FB7]  }
0x39: {  	_ = 	snop;
	(pc) =	sbr.ind lr, $3  }
0x3a: {  	_ = 	snop  }
0x3b: {  	_ = 	snop  }
0x3c: {  	p2 =	seq.s32 s10, $0x1;
	s10 =	sld [smem:$0x3FB6]  }
0x3d: {  	_ =	shalt  }
0x3e: {  	_ =	shalt  }
0x3f: {  	_ =	shalt  }
0x40: {  	_ =	shalt  }
0x41: {  	_ =	shalt  }
0x42: {  	_ =	shalt  }
0x43: {  	_ =	shalt  }
0x44: {  	_ =	shalt  }
0x45: {  	_ =	shalt  }
0x46: {  	_ =	shalt  }
0x47: {  	_ =	shalt  }
0x48: {  	_ =	shalt  }
0x49: {  	_ =	shalt  }
0x4a: {  	_ =	shalt  }
0x4b: {  	_ =	shalt  }
0x4c: {  	_ =	shalt  }
0x4d: {  	_ =	shalt  }
0x4e: {  	_ =	shalt  }
0x4f: {  	_ =	shalt  }
0x50: {  	_ =	shalt  }
0x51: {  	_ =	shalt  }
0x52: {  	_ =	shalt  }
0x53: {  	_ =	shalt  }
0x54: {  	_ =	shalt  }
0x55: {  	_ =	shalt  }
0x56: {  	_ =	shalt  }
0x57: {  	_ =	shalt  }
0x58: {  	_ =	shalt  }
0x59: {  	_ =	shalt  }
0x5a: {  	_ =	shalt  }
0x5b: {  	_ =	shalt  }
0x5c: {  	_ =	shalt  }
0x5d: {  	_ =	shalt  }
0x5e: {  	_ =	shalt  }
0x5f: {  	_ =	shalt  }
0x60: {  	_ =	shalt  }
0x61: {  	_ =	shalt  }
0x62: {  	_ =	shalt  }
0x63: {  	_ =	shalt  }
0x64: {  	_ =	shalt  }
0x65: {  	_ =	shalt  }
0x66: {  	_ =	shalt  }
0x67: {  	_ =	shalt  }
0x68: {  	_ =	shalt  }
0x69: {  	_ =	shalt  }
0x6a: {  	_ =	shalt  }
0x6b: {  	_ =	shalt  }
0x6c: {  	_ =	shalt  }
0x6d: {  	_ =	shalt  }
0x6e: {  	_ =	shalt  }
0x6f: {  	_ =	shalt  }
0x70: {  	_ =	shalt  }
0x71: {  	_ =	shalt  }
0x72: {  	_ =	shalt  }
0x73: {  	_ =	shalt  }
0x74: {  	_ =	shalt  }
0x75: {  	_ =	shalt  }
0x76: {  	_ =	shalt  }
0x77: {  	_ =	shalt  }
0x78: {  	_ =	shalt  }
0x79: {  	_ =	shalt  }
0x7a: {  	_ =	shalt  }
0x7b: {  	_ =	shalt  }
0x7c: {  	_ =	shalt  }
0x7d: {  	_ =	shalt  }
0x7e: {  	_ =	shalt  }
0x7f: {  	_ =	shalt  }
0x80: {  	_ =	shalt  }
0x81: {  	_ =	shalt  }
0x82: {  	_ =	shalt  }
0x83: {  	_ =	shalt  }
0x84: {  	_ =	shalt  }
0x85: {  	_ =	shalt  }
0x86: {  	_ =	shalt  }
0x87: {  	_ =	shalt  }
.Lfunc_end0:
.L_simem_size_0:
called_computation_lowered:
.L_overlay_start_0:
0x88: {  	s2 =	sld [smem:$0x3FD9]  }
0x89: {  	s3 =	sld [smem:$0x3FFE];
	_ =	sdelay $0x1  }
0x8a: {  	s1 =	srdreg.scid  }
0x8b: {  	s0 =	sand.u32 $0x1, s1  }
0x8c: {  	s17 =	sshll.u32 s0, $0xA;
	s2 =	sadd.s32 s3, s2  }
0x8d: {  	s2 =	sadd.s32 s2, s17  }
0x8e: {  	[smem:$0x3FC2] =	sst s2  }
0x8f: {  	_ = 	snop  }
0x90: {  	s2 =	sld [smem:$0x3FD0];
	(tm) =	ssettm $0x1  }
0x91: {  	s18 =	sld [smem:$0x3FFB];
	_ =	sdelay $0x3  }
0x92: {  	_ =	strace s18  }
0x93: {  	s3 =	sld [smem:$0x3FFC];
	_ =	sdelay $0x3  }
0x94: {  	_ =	strace s3  }
0x95: {  	s3 =	sld [smem:$0x3FFD];
	_ =	sdelay $0x3  }
0x96: {  	_ =	strace s3  }
0x97: {  	_ =	strace $0x8FFFFFFF  }
0x98: {  	s19 =	sld [smem:$0x3FDB];
	_ =	sdelay $0x1  }
0x99: {  	s4 =	simm.s32 $_scs_section_size  }
0x9a: {  	s5 =	simm.s32 $_size__tile_overlayer_lowered;
	s6 =	simm.s32 $_tile_overlayer_lowered  }
0x9b: {  	s22 =	simm.s32 $0x1BFF;
	s21 =	sshll.u32 s6, $0x1;
	s3 =	sadd.s32 s4, s19  }
0x9c: {  	s7 =	simm.s32 $0x0;
	s20 =	sshll.u32 s5, $0x1;
	s5 =	sadd.s32 s21, s3  }
0x9d: {  	[timem:s7], [sflag:s22] =	dma.local [hbm:s5], s20  }
0x9e: {  	_ =	swait.ge [sflag:s22], s20  }
0x9f: {  	s4 =	ssub.s32 $0x0, s20;
	[sflag:s22] =	ssyncset.done $0x0  }
0xa0: {  	[sflag:s22] =	ssyncadd.s32 s4;
	_ =	sdelay $0x1  }
0xa1: {  	s23 =	simm.s32 $0x1B8B  }
0xa2: {  	_ =	swait.ge [sflag:s23], $0x1  }
0xa3: {  	[sflag:s23] =	ssyncset.done $0x0  }
0xa4: {  	s25 =	simm.s32 $0x1B8E;
	s24 =	sld [smem:$0x3FFE];
	[sflag:s23] =	ssyncadd.s32 $0xFFFFFFFF  }
0xa5: {  	s26 =	simm.s32 $execute0_lowered;
	[smem:$0x3FD2] =	sst s25  }
0xa6: {  	s5 =	sshll.u32 s26, $0x1;
	_ =	strace $0x80000046;
	[dreg:$0x1] =	wrdreg $0xFFFFFFFF  }
0xa7: {  	s28 =	simm.s32 $_size_execute0_lowered;
	s3 =	sadd.s32 s3, s5;
	[dreg:$0x0] =	wrdreg $0x0  }
0xa8: {  	s5 =	sshll.u32 s28, $0x1;
	[dreg:$0x2] =	wrdreg s3  }
0xa9: {  	[dreg:$0x3] =	wrdreg s5  }
0xaa: {  	[dreg:$0x4] =	wrdreg $0xC0  }
0xab: {  	_ =	task [dreg:s7], $0x5FFFF  }
0xac: {  	[dreg:$0x1] =	wrdreg $0xFFFFFFFF  }
0xad: {  	[dreg:$0x0] =	wrdreg $0x60  }
0xae: {  	[dreg:$0x2] =	wrdreg s24  }
0xaf: {  	[dreg:$0x3] =	wrdreg s2  }
0xb0: {  	[dreg:$0x4] =	wrdreg $0x40800  }
0xb1: {  	[dreg:$0x5] =	wrdreg $0x9  }
0xb2: {  	_ =	task.clear_ibuf [dreg:s7], $0x6FFFF;
	_ =	strace $0x90000046  }
0xb3: {  	s29 =	simm.s32 $0x9;
	_ =	strace $0x80000048  }
0xb4: {  	_ =	swait.ge [sflag:s29], $0x1  }
0xb5: {  	[sflag:s29] =	ssyncadd.s32 $0xFFFFFFFF  }
0xb6: {  	_ =	strace $0x90000048  }
0xb7: {  	_ =	sfence  }
0xb8: {  	s30 =	sld [smem:$0x0];
	_ =	sdelay $0x2  }
0xb9: {  	s31 =	sshll.u32 s1, $0xD;
	s1 =	sshrl.u32 s1, $0x2  }
0xba: {  	s3 =	sand.u32 $0x4000, s31;
	s1 =	sadd.s32 s1, s30  }
0xbb: {  	s0 =	sor.u32 s3, s0;
	s1 =	sshll.u32 s1, $0x11  }
0xbc: {  	s0 =	sor.u32 s1, s0  }
0xbd: {  	s0 =	sadd.s32 $0x8F2B, s0  }
0xbe: {  	[sflag:s0] =	ssyncadd.remote.s32 $0x1  }
0xbf: {  	_ =	sfence.sel $0xFFFF  }
0xc0: {  	[dreg:$0x0] =	wrdreg $0xFFFFFFFF;
	(pc) =	sbr.abs _section_cstart, $3  }
0xc1: {  	[dreg:$0x1] =	wrdreg $0xFFFFFFFF  }
0xc2: {  	_ =	task.clear_ibuf [dreg:s7], $0x2FFFF;
	_ =	strace $0x9FFFFFFF  }
0xc3: {  	(tm) =	ssettm $0x7FFFFFFF  }
tec
execute0_lowered:
.L_overlay_start_1:
0x0: {  	(tag) =	ssettag $0x1  }
0x1: {  	s0 =	rddreg [dreg:$0x0]  }
0x2: {  	s3 =	rddreg [dreg:$0x1]  }
0x3: {  	s1 =	rddreg [dreg:$0x2];
	s2 =	simm.s32 $0x0  }
0x4: {  	s4 =	srdreg.scid;
	s19 =	stileid.u32;
	s15 =	simm.s32 $0x80  }
0x5: {  	s16 =	simm.s32 $0x6;
	s17 =	simm.s32 $0x1;
	s18 =	simm.s32 $0x50  }
0x6: {  	s21 =	simm.s32 $0x200;
	s22 =	simm.s32 $0x2;
	s28 =	simm.s32 $0x3E80  }
0x7: {  	s30 =	simm.s32 $0x20;
	s31 =	simm.s32 $0x10;
	[smem:$0x7FF] =	sst s2  }
0x8: {  	s8 =	sand.u32 $0x1, s4;
	s6 =	smul.u32 $0xA00, s19;
	s7 =	sshll.u32 s19, $0xC  }
0x9: {  	s25 =	smul.u32 $0x500, s19;
	s26 =	sshll.u32 s19, $0x6;
	_ =	strace $0x80000047  }
0xa: {  	s4 =	sshll.u32 s8, $0xB;
	s5 =	ssub.s32 $0x2, s8;
	s10 =	sshll.u32 s8, $0x7  }
0xb: {  	s0 =	sadd.s32 s4, s0;
	s23 =	sshrl.u32 s5, $0x1;
	s24 =	sshrl.u32 s6, $0x2  }
0xc: {  	s14 =	ssub.s32 s5, s23;
	s0 =	sadd.s32 s7, s0;
	s5 =	sadd.s32 s24, s1  }
0xd: {  	s23 =	simm.s32 $0x3;
	s24 =	simm.s32 $0x4;
	s4 =	sadd.s32 $0xBE00, s0  }
0xe: {  	s6 =	sadd.s32 $0x50, s5;
	s7 =	sadd.s32 $0xA0, s5;
	s8 =	sadd.s32 $0xF0, s5  }
0xf: {  	s9 =	sadd.s32 $0x140, s5;
	s0 =	sor.u32 s10, s25;
	s10 =	sadd.s32 $0x190, s5  }
0x10: {  	s11 =	sadd.s32 $0x1E0, s5;
	s12 =	sadd.s32 $0x230, s5;
	s14 =	smax.u32 s14, $0x1  }
0x11: {  	s25 =	sor.u32 $0x1C06, s26;
	s26 =	simm.s32 $0x5;
	s0 =	sshrl.u32 s0, $0x3  }
0x12: {  	v0 =	vimm.f32 $0.0e+00;
	v1 =	vimm.f32 $1.000000000e+00;
	s29 =	sshrl.u32 s5, $0x3;
	s13 =	sadd.s32 s3, s0;
	s0 =	simm.s32 $0x0  }
.LBB2_1:
0x13: {  	[tilespmem:s15], [sflag:$0x1] =	stream.linear.gather [hbm4b:s4+s2], $0x3E80, $0x38;
	[tilespmem:$0x4300] =	vst v63  }
0x14: {  	[tilespmem:$0x0] =	vst v0  }
0x15: {  	[tilespmem:$0x10] =	vst v0  }
0x16: {  	[tilespmem:$0x20] =	vst v0  }
0x17: {  	[tilespmem:$0x30] =	vst v0  }
0x18: {  	[tilespmem:$0x40] =	vst v0  }
0x19: {  	[spmem:s5] =	stream.linear.scatter [tilespmem:s2], [sflag:$0x6], $0x50, $0x38;
	[tilespmem:$0x4300] =	vst v63  }
0x1a: {  	_ =	swait.ge [sflag:s16], $0x50  }
0x1b: {  	[sflag:s16] =	ssyncset.done $0x0  }
0x1c: {  	[sflag:s16] =	ssyncadd.s32 $0xFFFFFFB0  }
0x1d: {  	[spmem:s6] =	stream.linear.scatter [tilespmem:s2], [sflag:$0x6], $0x50, $0x38;
	[tilespmem:$0x4300] =	vst v63  }
0x1e: {  	_ =	swait.ge [sflag:s16], $0x50  }
0x1f: {  	[sflag:s16] =	ssyncset.done $0x0  }
0x20: {  	[sflag:s16] =	ssyncadd.s32 $0xFFFFFFB0  }
0x21: {  	[spmem:s7] =	stream.linear.scatter [tilespmem:s2], [sflag:$0x6], $0x50, $0x38;
	[tilespmem:$0x4300] =	vst v63  }
0x22: {  	_ =	swait.ge [sflag:s16], $0x50  }
0x23: {  	[sflag:s16] =	ssyncset.done $0x0  }
0x24: {  	[sflag:s16] =	ssyncadd.s32 $0xFFFFFFB0  }
0x25: {  	[spmem:s8] =	stream.linear.scatter [tilespmem:s2], [sflag:$0x6], $0x50, $0x38;
	[tilespmem:$0x4300] =	vst v63  }
0x26: {  	_ =	swait.ge [sflag:s16], $0x50  }
0x27: {  	[sflag:s16] =	ssyncset.done $0x0  }
0x28: {  	[sflag:s16] =	ssyncadd.s32 $0xFFFFFFB0  }
0x29: {  	[spmem:s9] =	stream.linear.scatter [tilespmem:s2], [sflag:$0x6], $0x50, $0x38;
	[tilespmem:$0x4300] =	vst v63  }
0x2a: {  	_ =	swait.ge [sflag:s16], $0x50  }
0x2b: {  	[sflag:s16] =	ssyncset.done $0x0  }
0x2c: {  	[sflag:s16] =	ssyncadd.s32 $0xFFFFFFB0  }
0x2d: {  	[spmem:s10] =	stream.linear.scatter [tilespmem:s2], [sflag:$0x6], $0x50, $0x38;
	[tilespmem:$0x4300] =	vst v63  }
0x2e: {  	_ =	swait.ge [sflag:s16], $0x50  }
0x2f: {  	[sflag:s16] =	ssyncset.done $0x0  }
0x30: {  	[sflag:s16] =	ssyncadd.s32 $0xFFFFFFB0  }
0x31: {  	[spmem:s11] =	stream.linear.scatter [tilespmem:s2], [sflag:$0x6], $0x50, $0x38;
	[tilespmem:$0x4300] =	vst v63  }
0x32: {  	_ =	swait.ge [sflag:s16], $0x50  }
0x33: {  	[sflag:s16] =	ssyncset.done $0x0  }
0x34: {  	[sflag:s16] =	ssyncadd.s32 $0xFFFFFFB0  }
0x35: {  	[spmem:s12] =	stream.linear.scatter [tilespmem:s2], [sflag:$0x6], $0x50, $0x38;
	[tilespmem:$0x4300] =	vst v63  }
0x36: {  	_ =	swait.ge [sflag:s16], $0x50  }
0x37: {  	[sflag:s16] =	ssyncset.done $0x0  }
0x38: {  	[sflag:s16] =	ssyncadd.s32 $0xFFFFFFB0  }
0x39: {  	[tilespmem:$0x0] =	vst v1  }
0x3a: {  	[tilespmem:$0x10] =	vst v1  }
0x3b: {  	[tilespmem:$0x20] =	vst v1  }
0x3c: {  	[tilespmem:$0x30] =	vst v1  }
0x3d: {  	[tilespmem:$0x40] =	vst v1  }
0x3e: {  	_ =	swait.ge [sflag:s17], $0x3E80  }
0x3f: {  	[sflag:s17] =	ssyncset.done $0x0  }
0x40: {  	[sflag:s17] =	ssyncadd.s32 $0xFFFFC180  }
0x41: {  	[bflag:$0x0] =	sbarrier.arrive $0xFFFF  }
0x42: {  	[spmem:s1] =	stream.indirect.scatter.add.f32 [tilespmem:s2], [sflag:$0x2], $0x1, s15, s18, $0xb8;
	[tilespmem:$0x4300] =	vst v63  }
0x43: {  	s3 =	simm.s32 $0x100  }
0x44: {  	[spmem:s1] =	stream.indirect.scatter.add.f32 [tilespmem:s2], [sflag:$0x3], $0x1, s3, s18, $0xb8;
	[tilespmem:$0x4300] =	vst v63  }
0x45: {  	s19 =	simm.s32 $0x180  }
0x46: {  	[spmem:s1] =	stream.indirect.scatter.add.f32 [tilespmem:s2], [sflag:$0x4], $0x1, s19, s18, $0xb8;
	[tilespmem:$0x4300] =	vst v63  }
0x47: {  	_ = 	snop  }
0x48: {  	[spmem:s1] =	stream.indirect.scatter.add.f32 [tilespmem:s2], [sflag:$0x5], $0x1, s21, s18, $0xb8;
	[tilespmem:$0x4300] =	vst v63  }
0x49: {  	_ =	swait.ge [sflag:s22], $0x50  }
0x4a: {  	[sflag:s22] =	ssyncset.done $0x0  }
0x4b: {  	s20 =	simm.s32 $0x280;
	[sflag:s22] =	ssyncadd.s32 $0xFFFFFFB0  }
0x4c: {  	[spmem:s1] =	stream.indirect.scatter.add.f32 [tilespmem:s2], [sflag:$0x2], $0x1, s20, s18, $0xb8;
	[tilespmem:$0x4300] =	vst v63  }
0x4d: {  	_ =	swait.ge [sflag:s23], $0x50  }
0x4e: {  	[sflag:s23] =	ssyncset.done $0x0  }
0x4f: {  	s19 =	simm.s32 $0x300;
	[sflag:s23] =	ssyncadd.s32 $0xFFFFFFB0  }
0x50: {  	[spmem:s1] =	stream.indirect.scatter.add.f32 [tilespmem:s2], [sflag:$0x3], $0x1, s19, s18, $0xb8;
	[tilespmem:$0x4300] =	vst v63  }
0x51: {  	_ =	swait.ge [sflag:s24], $0x50  }
0x52: {  	[sflag:s24] =	ssyncset.done $0x0  }
0x53: {  	s20 =	simm.s32 $0x380;
	[sflag:s24] =	ssyncadd.s32 $0xFFFFFFB0  }
0x54: {  	[spmem:s1] =	stream.indirect.scatter.add.f32 [tilespmem:s2], [sflag:$0x4], $0x1, s20, s18, $0xb8;
	[tilespmem:$0x4300] =	vst v63  }
0x55: {  	_ =	swait.ge [sflag:s26], $0x50  }
0x56: {  	[sflag:s26] =	ssyncset.done $0x0  }
0x57: {  	s3 =	simm.s32 $0xFFFF1800;
	s19 =	simm.s32 $0x400;
	[sflag:s26] =	ssyncadd.s32 $0xFFFFFFB0  }
.LBB2_2:
0x58: {  	[spmem:s1] =	stream.indirect.scatter.add.f32 [tilespmem:s2], [sflag:$0x5], $0x1, s19, s18, $0xb8;
	[tilespmem:$0x4300] =	vst v63  }
0x59: {  	s19 =	smov.u32 s3  }
0x5a: {  	p0 =	sne.s32 s3, $0xFFFFF800;
	s3 =	sadd.s32 $0x800, s3;
	_ =	swait.ge [sflag:s22], $0x50  }
0x5b: {  	s19 =	sshra.s32 s19, $0x2;
	[sflag:s22] =	ssyncset.done $0x0  }
0x5c: {  	s20 =	sadd.s32 $0x3E80, s19;
	[sflag:s22] =	ssyncadd.s32 $0xFFFFFFB0  }
0x5d: {  	[spmem:s1] =	stream.indirect.scatter.add.f32 [tilespmem:s2], [sflag:$0x2], $0x1, s20, s18, $0xb8;
	[tilespmem:$0x4300] =	vst v63  }
0x5e: {  	_ =	swait.ge [sflag:s23], $0x50  }
0x5f: {  	[sflag:s23] =	ssyncset.done $0x0  }
0x60: {  	s20 =	sadd.s32 $0x3F00, s19;
	[sflag:s23] =	ssyncadd.s32 $0xFFFFFFB0  }
0x61: {  	[spmem:s1] =	stream.indirect.scatter.add.f32 [tilespmem:s2], [sflag:$0x3], $0x1, s20, s18, $0xb8;
	[tilespmem:$0x4300] =	vst v63  }
0x62: {  	_ =	swait.ge [sflag:s24], $0x50  }
0x63: {  	[sflag:s24] =	ssyncset.done $0x0  }
.Ltmp0:
0x64: {  	s20 =	sadd.s32 $0x3F80, s19;
	[sflag:s24] =	ssyncadd.s32 $0xFFFFFFB0;
	(pc) =	sbr.rel @p0 .LBB2_2-.Ltmp0, $4  }
0x65: {  	[spmem:s1] =	stream.indirect.scatter.add.f32 [tilespmem:s2], [sflag:$0x4], $0x1, s20, s18, $0xb8;
	[tilespmem:$0x4300] =	vst v63  }
0x66: {  	_ =	swait.ge [sflag:s26], $0x50  }
0x67: {  	[sflag:s26] =	ssyncset.done $0x0  }
0x68: {  	s19 =	sadd.s32 $0x4000, s19;
	[sflag:s26] =	ssyncadd.s32 $0xFFFFFFB0  }
0x69: {  	[spmem:s1] =	stream.indirect.scatter.add.f32 [tilespmem:s2], [sflag:$0x5], $0x1, s19, s18, $0xb8;
	[tilespmem:$0x4300] =	vst v63  }
0x6a: {  	_ =	swait.ge [sflag:s22], $0x50  }
0x6b: {  	[sflag:s22] =	ssyncset.done $0x0  }
0x6c: {  	[sflag:s22] =	ssyncadd.s32 $0xFFFFFFB0  }
0x6d: {  	_ =	swait.ge [sflag:s23], $0x50  }
0x6e: {  	[sflag:s23] =	ssyncset.done $0x0  }
0x6f: {  	[sflag:s23] =	ssyncadd.s32 $0xFFFFFFB0  }
0x70: {  	_ =	swait.ge [sflag:s24], $0x50  }
0x71: {  	[sflag:s24] =	ssyncset.done $0x0  }
0x72: {  	[sflag:s24] =	ssyncadd.s32 $0xFFFFFFB0  }
0x73: {  	_ =	swait.ge [sflag:s26], $0x50  }
0x74: {  	[sflag:s26] =	ssyncset.done $0x0  }
0x75: {  	[sflag:s26] =	ssyncadd.s32 $0xFFFFFFB0  }
0x76: {  	[spmem:s1] =	stream.indirect.scatter.add.f32 [tilespmem:s2], [sflag:$0x6], $0x1, s28, s18, $0xb8;
	[tilespmem:$0x4300] =	vst v63  }
0x77: {  	_ =	swait.ge [sflag:s16], $0x50  }
0x78: {  	s0 =	sadd.s32 $0x1, s0;
	[sflag:s16] =	ssyncset.done $0x0  }
0x79: {  	p0 =	sne.s32 s0, s14;
	[sflag:s16] =	ssyncadd.s32 $0xFFFFFFB0  }
.Ltmp1:
0x7a: {  	[bflag:$0x0] =	sbarrier.arrive $0xFFFF;
	(pc) =	sbr.rel @p0 .LBB2_1-.Ltmp1, $4  }
0x7b: {  	[hbm:s13@s30], [sflag:s25] =	dma.strided [spmem:s29@s31], $0x50, s17, $0x10   }
0x7c: {  	_ =	swait.ge [sflag:s16], $0x50  }
0x7d: {  	[sflag:s16] =	ssyncset.done $0x0  }
0x7e: {  	[sflag:s16] =	ssyncadd.s32 $0xFFFFFFB0  }
0x7f: {  	_ =	sfence.sel $0x180000  }
0x80: {  	[bflag:$0x0] =	sbarrier.arrive $0xFFFF  }
0x81: {  	_ =	strace $0x90000047  }
0x82: {  	s0 =	stileid.u32;
	[bflag:$0x2] =	sbarrier.arrive $0xFFFF  }
0x83: {  	p0 =	sne.s32 s0, $0x0;
	s0 =	rddreg [dreg:$0x3]  }
0x84: {  	s0 =	sadd.s32 @!p0 $0x100000, s0  }
0x85: {  	[sflag:s0] =	ssyncadd.tile.s32 @!p0 $0x1;
	_ =	shalt  }
.Lfunc_end2:
_tile_overlayer_lowered:
.L_overlay_start_2:
0x86: {  	(tag) =	ssettag $0x2  }
0x87: {  	s0 =	rddreg [dreg:$0x0];
	s2 =	stileid.u32  }
0x88: {  	s1 =	rddreg [dreg:$0x1];
	p0 =	sne.s32 s2, $0x0  }
0x89: {  	s3 =	rddreg [dreg:$0x2];
	[bflag:$0x3] =	sbarrier.arrive $0xFFFF;
	s2 =	simm.s32 @!p0 $0x1C06  }
0x8a: {  	[timem:s3], [sflag:s2] =	dma.local @!p0 [hbm:s0], s1  }
0x8b: {  	s0 =	simm.s32 @!p0 $0x6  }
0x8c: {  	_ =	swait.ge @!p0 [sflag:s0], s1  }
0x8d: {  	s1 =	ssub.s32 @!p0 $0x0, s1;
	[sflag:s0] =	ssyncset.done @!p0 $0x0  }
0x8e: {  	[sflag:s0] =	ssyncadd.s32 @!p0 s1  }
0x8f: {  	[bflag:$0x3] =	sbarrier.arrive $0xFFFF  }
0x90: {  	_ =	shalt  }

</sc_bundles>
